<compile_context>
chip_gen: v7x
topology: tpu7x:2x2x1
jax: 0.10.2.dev20260603
libtpu: 0.0.44.dev20260713+nightly
codegen_flags: <defaults>
</compile_context>

<pallas_src>
import functools

import jax
import jax.numpy as jnp
from jax import lax
from jax.experimental import pallas as pl
from jax.experimental.pallas import tpu as pltpu
from jax.experimental.pallas import tpu_sc as plsc

_DIM = 768
_MAX_H = 32
_MAX_W = 32
_B = 64
_L = 1024
_N = _B * _L

_NC = 2
_NS = 16
_NW = _NC * _NS
_BPW = _N // _NW
_CH = 16
_NCH = _BPW // _CH
_NG = _NCH // 6
_LANES = 16
_GRP = _CH // _LANES


def _prep_body(hid_ref, wid_ref, h_ref, w_ref, cid_ref, tab_ref):
    cid_ref[...] = hid_ref[...] * _MAX_W + wid_ref[...]
    tab_ref[...] = h_ref[...][:, None, :] + w_ref[...][None, :, :]


def _prep(height_ids, width_ids, h_embed, w_embed):
    return pl.pallas_call(
        _prep_body,
        out_shape=[
            jax.ShapeDtypeStruct((_B, _L), jnp.int32),
            jax.ShapeDtypeStruct((_MAX_H, _MAX_W, _DIM), jnp.float32),
        ],
    )(height_ids, width_ids, h_embed, w_embed)


_sc_mesh = plsc.VectorSubcoreMesh(
    core_axis_name="c", subcore_axis_name="s", num_cores=_NC, num_subcores=_NS
)


@functools.partial(
    pl.kernel,
    mesh=_sc_mesh,
    compiler_params=pltpu.CompilerParams(needs_layout_passes=False),
    out_type=jax.ShapeDtypeStruct((_N, _DIM), jnp.float32),
    scratch_types=[
        pltpu.VMEM((_MAX_H * _DIM,), jnp.float32),
        pltpu.VMEM((_MAX_W * _DIM,), jnp.float32),
        pltpu.VMEM((_BPW,), jnp.int32),
        [pltpu.VMEM((_CH, _DIM), jnp.float32) for _ in range(6)],
        [pltpu.SemaphoreType.DMA for _ in range(6)],
        [pltpu.SemaphoreType.DMA for _ in range(6)],
    ],
)
def _sc_hybrid(tab_hbm, cid_hbm, htab_hbm, wtab_hbm, out_hbm, htab, wtab, cid_v, bufs, gs, ss):
    wid = lax.axis_index("s") * _NC + lax.axis_index("c")
    base = wid * _BPW
    pltpu.sync_copy(htab_hbm, htab)
    pltpu.sync_copy(wtab_hbm, wtab)
    pltpu.sync_copy(cid_hbm.at[pl.ds(base, _BPW)], cid_v)

    def g_src(c):
        return tab_hbm.at[cid_v.at[pl.ds(c * _CH, _CH)]]

    def o_dst(c):
        return out_hbm.at[pl.ds(base + c * _CH, _CH)]

    def expand_group(c, grp, buf):
        pos = c * _CH + grp * _LANES
        cv = cid_v[pl.ds(pos, _LANES)]
        hv = (cv >> 5) * _DIM
        wv = (cv & 31) * _DIM
        hbs = [hv[u] for u in range(_LANES)]
        wbs = [wv[u] for u in range(_LANES)]

        @plsc.parallel_loop(0, _DIM, step=_LANES, unroll=6)
        def _(d):
            for u in range(_LANES):
                a = htab[pl.ds(hbs[u] + d, _LANES)]
                b = wtab[pl.ds(wbs[u] + d, _LANES)]
                buf[grp * _LANES + u, pl.ds(d, _LANES)] = a + b

    def body(g, carry):
        for half in range(2):
            j = 3 * half
            c0 = 6 * g + j
            c1 = c0 + 1
            c2 = c0 + 2

            @pl.when(g > 0)
            def _(j=j, c0=c0):
                pltpu.make_async_copy(bufs[j], o_dst(c0 - 6), ss[j]).wait()

            pltpu.async_copy(g_src(c0), bufs[j], gs[j])

            @pl.when(g > 0)
            def _(j=j, c1=c1):
                pltpu.make_async_copy(bufs[j + 1], o_dst(c1 - 6), ss[j + 1]).wait()

            pltpu.async_copy(g_src(c1), bufs[j + 1], gs[j + 1])

            @pl.when(g > 0)
            def _(j=j, c2=c2):
                pltpu.make_async_copy(bufs[j + 2], o_dst(c2 - 6), ss[j + 2]).wait()

            expand_group(c2, 0, bufs[j + 2])
            pltpu.make_async_copy(g_src(c0), bufs[j], gs[j]).wait()
            pltpu.async_copy(bufs[j], o_dst(c0), ss[j])
            pltpu.make_async_copy(g_src(c1), bufs[j + 1], gs[j + 1]).wait()
            pltpu.async_copy(bufs[j + 1], o_dst(c1), ss[j + 1])
            pltpu.async_copy(bufs[j + 2], o_dst(c2), ss[j + 2])
        return carry

    lax.fori_loop(0, _NG, body, 0)

    la = _NCH - 2
    lb = _NCH - 1
    pltpu.make_async_copy(bufs[0], o_dst(la - 6), ss[0]).wait()
    pltpu.async_copy(g_src(la), bufs[0], gs[0])
    pltpu.make_async_copy(bufs[1], o_dst(lb - 6), ss[1]).wait()
    pltpu.async_copy(g_src(lb), bufs[1], gs[1])
    for j in range(2, 6):
        pltpu.make_async_copy(bufs[j], o_dst(la - 6 + j), ss[j]).wait()
    pltpu.make_async_copy(g_src(la), bufs[0], gs[0]).wait()
    pltpu.async_copy(bufs[0], o_dst(la), ss[0])
    pltpu.make_async_copy(g_src(lb), bufs[1], gs[1]).wait()
    pltpu.async_copy(bufs[1], o_dst(lb), ss[1])
    pltpu.make_async_copy(bufs[0], o_dst(la), ss[0]).wait()
    pltpu.make_async_copy(bufs[1], o_dst(lb), ss[1]).wait()


def kernel(height_ids, width_ids, h_embed, w_embed):
    hid = height_ids.astype(jnp.int32)
    wid = width_ids.astype(jnp.int32)
    cid, tab = _prep(hid, wid, h_embed, w_embed)
    out = _sc_hybrid(
        tab.reshape(_MAX_H * _MAX_W, _DIM),
        cid.reshape(_N),
        h_embed.reshape(_MAX_H * _DIM),
        w_embed.reshape(_MAX_W * _DIM),
    )
    return out.reshape(_B, _L, _DIM)

# --- scband reference (transcript-rebuilt; emitter-appended) ---
"""Pipeline reference for scband-independent-position-embedding-10849087390111 (READ-ONLY COPY).

The authoritative reference and input builder live on the scoring server;
editing this copy changes nothing except your own understanding.
"""

import jax, jax.numpy as jnp
import numpy as np

DIM = 768
MAX_H = 32
MAX_W = 32
B = 64
L = 1024

def _trunc_normal(key, shape, std=0.02):
    # approximation of torch trunc_normal_ within [-2std, 2std]
    x = jax.random.truncated_normal(key, -2.0, 2.0, shape, dtype=jnp.float32)
    return x * std

def setup_inputs(seed: int = 0) -> dict:
    key = jax.random.key(seed)
    k1, k2, k3, k4 = jax.random.split(key, 4)
    height_ids = jax.random.randint(k1, (B, L), 0, MAX_H, dtype=jnp.int64 if jax.config.jax_enable_x64 else jnp.int32)
    width_ids = jax.random.randint(k2, (B, L), 0, MAX_W, dtype=jnp.int64 if jax.config.jax_enable_x64 else jnp.int32)
    h_embed = _trunc_normal(k3, (MAX_H, DIM))
    w_embed = _trunc_normal(k4, (MAX_W, DIM))
    return {"height_ids": height_ids, "width_ids": width_ids, "h_embed": h_embed, "w_embed": w_embed}

def reference(height_ids, width_ids, h_embed, w_embed):
    # gather from each positional table and add
    h = jnp.take(h_embed, height_ids, axis=0)
    w = jnp.take(w_embed, width_ids, axis=0)
    return h + w

if __name__ == "__main__":
    import jax
    _d = setup_inputs()
    print(jax.jit(kernel)(*tuple(_d.values())))

</pallas_src>

<mosaic_0001>
#map = affine_map<(d0, d1) -> (0, 0)>
#map1 = affine_map<(d0, d1) -> (0)>
module attributes {stable_mosaic.version = 14 : i64} {
  func.func @_sc_hybrid(%arg0: i32, %arg1: i32, %arg2: memref<1024x768xf32, #tpu.memory_space<hbm>>, %arg3: memref<65536xi32, #tpu.memory_space<hbm>>, %arg4: memref<24576xf32, #tpu.memory_space<hbm>>, %arg5: memref<24576xf32, #tpu.memory_space<hbm>>, %arg6: memref<65536x768xf32, #tpu.memory_space<hbm>>, %arg7: memref<24576xf32, #tpu.memory_space<vmem>>, %arg8: memref<24576xf32, #tpu.memory_space<vmem>>, %arg9: memref<2048xi32, #tpu.memory_space<vmem>>, %arg10: memref<16x768xf32, #tpu.memory_space<vmem>>, %arg11: memref<16x768xf32, #tpu.memory_space<vmem>>, %arg12: memref<16x768xf32, #tpu.memory_space<vmem>>, %arg13: memref<16x768xf32, #tpu.memory_space<vmem>>, %arg14: memref<16x768xf32, #tpu.memory_space<vmem>>, %arg15: memref<16x768xf32, #tpu.memory_space<vmem>>, %arg16: memref<!tpu.dma_semaphore, #tpu.memory_space<semaphore_mem>>, %arg17: memref<!tpu.dma_semaphore, #tpu.memory_space<semaphore_mem>>, %arg18: memref<!tpu.dma_semaphore, #tpu.memory_space<semaphore_mem>>, %arg19: memref<!tpu.dma_semaphore, #tpu.memory_space<semaphore_mem>>, %arg20: memref<!tpu.dma_semaphore, #tpu.memory_space<semaphore_mem>>, %arg21: memref<!tpu.dma_semaphore, #tpu.memory_space<semaphore_mem>>, %arg22: memref<!tpu.dma_semaphore, #tpu.memory_space<semaphore_mem>>, %arg23: memref<!tpu.dma_semaphore, #tpu.memory_space<semaphore_mem>>, %arg24: memref<!tpu.dma_semaphore, #tpu.memory_space<semaphore_mem>>, %arg25: memref<!tpu.dma_semaphore, #tpu.memory_space<semaphore_mem>>, %arg26: memref<!tpu.dma_semaphore, #tpu.memory_space<semaphore_mem>>, %arg27: memref<!tpu.dma_semaphore, #tpu.memory_space<semaphore_mem>>) attributes {dimension_semantics = [#tpu.dimension_semantics<core_parallel>, #tpu.dimension_semantics<subcore_parallel>], iteration_bounds = array<i64: 2, 16>, scalar_prefetch = 0 : i64, scratch_operands = 21 : i64, tpu.core_type = #tpu.core_type<sc_vector_subcore>, window_params = [{transform_indices = #map}, {transform_indices = #map1}, {transform_indices = #map1}, {transform_indices = #map1}, {transform_indices = #map}]} {
    %mul3A = arith.constant 2 : i32
    %mul3A_0 = arith.muli %arg1, %mul3A : i32
    %add3A = arith.addi %mul3A_0, %arg0 : i32
    %mul3A_1 = arith.constant 2048 : i32
    %mul3A_2 = arith.muli %add3A, %mul3A_1 : i32
    "tpu.region"() ({
      %run_scoped3A = tpu.sem_alloc : memref<!tpu.dma_semaphore, #tpu.memory_space<semaphore_mem>>
      tpu.enqueue_dma source(%arg4 : memref<24576xf32, #tpu.memory_space<hbm>>) target(%arg7 : memref<24576xf32, #tpu.memory_space<vmem>>) target_semaphore(%run_scoped3A : memref<!tpu.dma_semaphore, #tpu.memory_space<semaphore_mem>>)
      tpu.wait_dma2 semaphore(%run_scoped3A : memref<!tpu.dma_semaphore, #tpu.memory_space<semaphore_mem>>) src(%arg4 : memref<24576xf32, #tpu.memory_space<hbm>>) dst(%arg7 : memref<24576xf32, #tpu.memory_space<vmem>>)
      tpu.yield
    }) : () -> ()
    "tpu.region"() ({
      %run_scoped3A = tpu.sem_alloc : memref<!tpu.dma_semaphore, #tpu.memory_space<semaphore_mem>>
      tpu.enqueue_dma source(%arg5 : memref<24576xf32, #tpu.memory_space<hbm>>) target(%arg8 : memref<24576xf32, #tpu.memory_space<vmem>>) target_semaphore(%run_scoped3A : memref<!tpu.dma_semaphore, #tpu.memory_space<semaphore_mem>>)
      tpu.wait_dma2 semaphore(%run_scoped3A : memref<!tpu.dma_semaphore, #tpu.memory_space<semaphore_mem>>) src(%arg5 : memref<24576xf32, #tpu.memory_space<hbm>>) dst(%arg8 : memref<24576xf32, #tpu.memory_space<vmem>>)
      tpu.yield
    }) : () -> ()
    "tpu.region"() ({
      %run_scoped3A = tpu.sem_alloc : memref<!tpu.dma_semaphore, #tpu.memory_space<semaphore_mem>>
      %dma_start3A_86 = tpu.memref_slice %arg3[%mul3A_2] : memref<65536xi32, #tpu.memory_space<hbm>> -> memref<2048xi32, #tpu.memory_space<hbm>>
      %dma_start3A_87 = tpu.memref_slice %arg3[%mul3A_2] : memref<65536xi32, #tpu.memory_space<hbm>> -> memref<2048xi32, #tpu.memory_space<hbm>>
      tpu.enqueue_dma source(%dma_start3A_87 : memref<2048xi32, #tpu.memory_space<hbm>>) target(%arg9 : memref<2048xi32, #tpu.memory_space<vmem>>) target_semaphore(%run_scoped3A : memref<!tpu.dma_semaphore, #tpu.memory_space<semaphore_mem>>)
      %dma_wait3A_88 = tpu.memref_slice %arg3[%mul3A_2] : memref<65536xi32, #tpu.memory_space<hbm>> -> memref<2048xi32, #tpu.memory_space<hbm>>
      %dma_wait3A_89 = tpu.memref_slice %arg3[%mul3A_2] : memref<65536xi32, #tpu.memory_space<hbm>> -> memref<2048xi32, #tpu.memory_space<hbm>>
      tpu.wait_dma2 semaphore(%run_scoped3A : memref<!tpu.dma_semaphore, #tpu.memory_space<semaphore_mem>>) src(%dma_wait3A_89 : memref<2048xi32, #tpu.memory_space<hbm>>) dst(%arg9 : memref<2048xi32, #tpu.memory_space<vmem>>)
      tpu.yield
    }) : () -> ()
    %scan3A = arith.constant 0 : i32
    %scan3A_3 = arith.constant 0 : i32
    %scan3A_4 = arith.constant 21 : i32
    %scan3A_5 = arith.addi %scan3A_3, %scan3A_4 : i32
    %scan3A_6 = arith.constant 1 : i32
    scf.for %scan3A_86 = %scan3A_3 to %scan3A_5 step %scan3A_6  : i32 {
      %mul3A_87 = arith.constant 6 : i32
      %mul3A_88 = arith.muli %mul3A_87, %scan3A_86 : i32
      %add3A_89 = arith.constant 0 : i32
      %add3A_90 = arith.addi %mul3A_88, %add3A_89 : i32
      %add3A_91 = arith.constant 1 : i32
      %add3A_92 = arith.addi %add3A_90, %add3A_91 : i32
      %add3A_93 = arith.constant 2 : i32
      %add3A_94 = arith.addi %add3A_90, %add3A_93 : i32
      %gt3A = arith.constant 0 : i32
      %gt3A_95 = arith.cmpi sgt, %scan3A_86, %gt3A : i32
      %convert_element_type3A = arith.extui %gt3A_95 : i1 to i32
      %cond3A = arith.constant 0 : i32
      %cond3A_96 = arith.cmpi ne, %convert_element_type3A, %cond3A : i32
      scf.if %cond3A_96 {
        %sub3A = arith.constant 6 : i32
        %sub3A_384 = arith.subi %add3A_90, %sub3A : i32
        %mul3A_385 = arith.constant 16 : i32
        %mul3A_386 = arith.muli %sub3A_384, %mul3A_385 : i32
        %add3A_387 = arith.addi %mul3A_2, %mul3A_386 : i32
        %dma_wait3A_388 = arith.constant 0 : i32
        %dma_wait3A_389 = tpu.memref_slice %arg6[%add3A_387, %dma_wait3A_388] : memref<65536x768xf32, #tpu.memory_space<hbm>> -> memref<16x768xf32, #tpu.memory_space<hbm>>
        %dma_wait3A_390 = arith.constant 0 : i32
        %dma_wait3A_391 = tpu.memref_slice %arg6[%add3A_387, %dma_wait3A_390] : memref<65536x768xf32, #tpu.memory_space<hbm>> -> memref<16x768xf32, #tpu.memory_space<hbm>>
        tpu.wait_dma2 semaphore(%arg22 : memref<!tpu.dma_semaphore, #tpu.memory_space<semaphore_mem>>) src(%arg10 : memref<16x768xf32, #tpu.memory_space<vmem>>) dst(%dma_wait3A_391 : memref<16x768xf32, #tpu.memory_space<hbm>>)
      } else {
      }
      %mul3A_97 = arith.constant 16 : i32
      %mul3A_98 = arith.muli %add3A_90, %mul3A_97 : i32
      %dma_start3A_99 = tpu.memref_slice %arg9[%mul3A_98] : memref<2048xi32, #tpu.memory_space<vmem>> -> memref<16xi32, #tpu.memory_space<vmem>>
      %dma_start3A_100 = arith.constant 0 : i32
      %dma_start3A_101 = arith.constant 0 : i32
      %dma_start3A_102 = tpu.memref_slice %arg2[%dma_start3A_100, %dma_start3A_101] : memref<1024x768xf32, #tpu.memory_space<hbm>> -> memref<1024x768xf32, #tpu.memory_space<hbm>>
      tpu.enqueue_indirect_dma source(%dma_start3A_102 : memref<1024x768xf32, #tpu.memory_space<hbm>>) target(%arg10 : memref<16x768xf32, #tpu.memory_space<vmem>>) offsets(%dma_start3A_99 : memref<16xi32, #tpu.memory_space<vmem>>) semaphore(%arg16 : memref<!tpu.dma_semaphore, #tpu.memory_space<semaphore_mem>>)
      %gt3A_103 = arith.constant 0 : i32
      %gt3A_104 = arith.cmpi sgt, %scan3A_86, %gt3A_103 : i32
      %convert_element_type3A_105 = arith.extui %gt3A_104 : i1 to i32
      %cond3A_106 = arith.constant 0 : i32
      %cond3A_107 = arith.cmpi ne, %convert_element_type3A_105, %cond3A_106 : i32
      scf.if %cond3A_107 {
        %sub3A = arith.constant 6 : i32
        %sub3A_384 = arith.subi %add3A_92, %sub3A : i32
        %mul3A_385 = arith.constant 16 : i32
        %mul3A_386 = arith.muli %sub3A_384, %mul3A_385 : i32
        %add3A_387 = arith.addi %mul3A_2, %mul3A_386 : i32
        %dma_wait3A_388 = arith.constant 0 : i32
        %dma_wait3A_389 = tpu.memref_slice %arg6[%add3A_387, %dma_wait3A_388] : memref<65536x768xf32, #tpu.memory_space<hbm>> -> memref<16x768xf32, #tpu.memory_space<hbm>>
        %dma_wait3A_390 = arith.constant 0 : i32
        %dma_wait3A_391 = tpu.memref_slice %arg6[%add3A_387, %dma_wait3A_390] : memref<65536x768xf32, #tpu.memory_space<hbm>> -> memref<16x768xf32, #tpu.memory_space<hbm>>
        tpu.wait_dma2 semaphore(%arg23 : memref<!tpu.dma_semaphore, #tpu.memory_space<semaphore_mem>>) src(%arg11 : memref<16x768xf32, #tpu.memory_space<vmem>>) dst(%dma_wait3A_391 : memref<16x768xf32, #tpu.memory_space<hbm>>)
      } else {
      }
      %mul3A_108 = arith.constant 16 : i32
      %mul3A_109 = arith.muli %add3A_92, %mul3A_108 : i32
      %dma_start3A_110 = tpu.memref_slice %arg9[%mul3A_109] : memref<2048xi32, #tpu.memory_space<vmem>> -> memref<16xi32, #tpu.memory_space<vmem>>
      %dma_start3A_111 = arith.constant 0 : i32
      %dma_start3A_112 = arith.constant 0 : i32
      %dma_start3A_113 = tpu.memref_slice %arg2[%dma_start3A_111, %dma_start3A_112] : memref<1024x768xf32, #tpu.memory_space<hbm>> -> memref<1024x768xf32, #tpu.memory_space<hbm>>
      tpu.enqueue_indirect_dma source(%dma_start3A_113 : memref<1024x768xf32, #tpu.memory_space<hbm>>) target(%arg11 : memref<16x768xf32, #tpu.memory_space<vmem>>) offsets(%dma_start3A_110 : memref<16xi32, #tpu.memory_space<vmem>>) semaphore(%arg17 : memref<!tpu.dma_semaphore, #tpu.memory_space<semaphore_mem>>)
      %gt3A_114 = arith.constant 0 : i32
      %gt3A_115 = arith.cmpi sgt, %scan3A_86, %gt3A_114 : i32
      %convert_element_type3A_116 = arith.extui %gt3A_115 : i1 to i32
      %cond3A_117 = arith.constant 0 : i32
      %cond3A_118 = arith.cmpi ne, %convert_element_type3A_116, %cond3A_117 : i32
      scf.if %cond3A_118 {
        %sub3A = arith.constant 6 : i32
        %sub3A_384 = arith.subi %add3A_94, %sub3A : i32
        %mul3A_385 = arith.constant 16 : i32
        %mul3A_386 = arith.muli %sub3A_384, %mul3A_385 : i32
        %add3A_387 = arith.addi %mul3A_2, %mul3A_386 : i32
        %dma_wait3A_388 = arith.constant 0 : i32
        %dma_wait3A_389 = tpu.memref_slice %arg6[%add3A_387, %dma_wait3A_388] : memref<65536x768xf32, #tpu.memory_space<hbm>> -> memref<16x768xf32, #tpu.memory_space<hbm>>
        %dma_wait3A_390 = arith.constant 0 : i32
        %dma_wait3A_391 = tpu.memref_slice %arg6[%add3A_387, %dma_wait3A_390] : memref<65536x768xf32, #tpu.memory_space<hbm>> -> memref<16x768xf32, #tpu.memory_space<hbm>>
        tpu.wait_dma2 semaphore(%arg24 : memref<!tpu.dma_semaphore, #tpu.memory_space<semaphore_mem>>) src(%arg12 : memref<16x768xf32, #tpu.memory_space<vmem>>) dst(%dma_wait3A_391 : memref<16x768xf32, #tpu.memory_space<hbm>>)
      } else {
      }
      %mul3A_119 = arith.constant 16 : i32
      %mul3A_120 = arith.muli %add3A_94, %mul3A_119 : i32
      %add3A_121 = arith.constant 0 : i32
      %add3A_122 = arith.addi %mul3A_120, %add3A_121 : i32
      %get3A = arith.index_cast %add3A_122 : i32 to index
      %get3A_123 = tpu.vector_load %arg9[%get3A] {strides = array<i32>} : memref<2048xi32, #tpu.memory_space<vmem>>, vector<16xi32>,
      %shift_right_arithmetic3A = arith.constant 5 : i32
      %shift_right_arithmetic3A_124 = vector.broadcast %shift_right_arithmetic3A : i32 to vector<16xi32>
      %shift_right_arithmetic3A_125 = arith.shrsi %get3A_123, %shift_right_arithmetic3A_124 : vector<16xi32>
      %mul3A_126 = arith.constant 768 : i32
      %mul3A_127 = vector.broadcast %mul3A_126 : i32 to vector<16xi32>
      %mul3A_128 = arith.muli %shift_right_arithmetic3A_125, %mul3A_127 : vector<16xi32>
      %and3A = arith.constant 31 : i32
      %and3A_129 = vector.broadcast %and3A : i32 to vector<16xi32>
      %and3A_130 = arith.andi %get3A_123, %and3A_129 : vector<16xi32>
      %mul3A_131 = arith.constant 768 : i32
      %mul3A_132 = vector.broadcast %mul3A_131 : i32 to vector<16xi32>
      %mul3A_133 = arith.muli %and3A_130, %mul3A_132 : vector<16xi32>
      %slice3A = vector.extract_strided_slice %mul3A_128 {offsets = [0], sizes = [1], strides = [1]} : vector<16xi32> to vector<1xi32>
      %squeeze3A = vector.extract %slice3A[0] : i32 from vector<1xi32>
      %slice3A_134 = vector.extract_strided_slice %mul3A_128 {offsets = [1], sizes = [1], strides = [1]} : vector<16xi32> to vector<1xi32>
      %squeeze3A_135 = vector.extract %slice3A_134[0] : i32 from vector<1xi32>
      %slice3A_136 = vector.extract_strided_slice %mul3A_128 {offsets = [2], sizes = [1], strides = [1]} : vector<16xi32> to vector<1xi32>
      %squeeze3A_137 = vector.extract %slice3A_136[0] : i32 from vector<1xi32>
      %slice3A_138 = vector.extract_strided_slice %mul3A_128 {offsets = [3], sizes = [1], strides = [1]} : vector<16xi32> to vector<1xi32>
      %squeeze3A_139 = vector.extract %slice3A_138[0] : i32 from vector<1xi32>
      %slice3A_140 = vector.extract_strided_slice %mul3A_128 {offsets = [4], sizes = [1], strides = [1]} : vector<16xi32> to vector<1xi32>
      %squeeze3A_141 = vector.extract %slice3A_140[0] : i32 from vector<1xi32>
      %slice3A_142 = vector.extract_strided_slice %mul3A_128 {offsets = [5], sizes = [1], strides = [1]} : vector<16xi32> to vector<1xi32>
      %squeeze3A_143 = vector.extract %slice3A_142[0] : i32 from vector<1xi32>
      %slice3A_144 = vector.extract_strided_slice %mul3A_128 {offsets = [6], sizes = [1], strides = [1]} : vector<16xi32> to vector<1xi32>
      %squeeze3A_145 = vector.extract %slice3A_144[0] : i32 from vector<1xi32>
      %slice3A_146 = vector.extract_strided_slice %mul3A_128 {offsets = [7], sizes = [1], strides = [1]} : vector<16xi32> to vector<1xi32>
      %squeeze3A_147 = vector.extract %slice3A_146[0] : i32 from vector<1xi32>
      %slice3A_148 = vector.extract_strided_slice %mul3A_128 {offsets = [8], sizes = [1], strides = [1]} : vector<16xi32> to vector<1xi32>
      %squeeze3A_149 = vector.extract %slice3A_148[0] : i32 from vector<1xi32>
      %slice3A_150 = vector.extract_strided_slice %mul3A_128 {offsets = [9], sizes = [1], strides = [1]} : vector<16xi32> to vector<1xi32>
      %squeeze3A_151 = vector.extract %slice3A_150[0] : i32 from vector<1xi32>
      %slice3A_152 = vector.extract_strided_slice %mul3A_128 {offsets = [10], sizes = [1], strides = [1]} : vector<16xi32> to vector<1xi32>
      %squeeze3A_153 = vector.extract %slice3A_152[0] : i32 from vector<1xi32>
      %slice3A_154 = vector.extract_strided_slice %mul3A_128 {offsets = [11], sizes = [1], strides = [1]} : vector<16xi32> to vector<1xi32>
      %squeeze3A_155 = vector.extract %slice3A_154[0] : i32 from vector<1xi32>
      %slice3A_156 = vector.extract_strided_slice %mul3A_128 {offsets = [12], sizes = [1], strides = [1]} : vector<16xi32> to vector<1xi32>
      %squeeze3A_157 = vector.extract %slice3A_156[0] : i32 from vector<1xi32>
      %slice3A_158 = vector.extract_strided_slice %mul3A_128 {offsets = [13], sizes = [1], strides = [1]} : vector<16xi32> to vector<1xi32>
      %squeeze3A_159 = vector.extract %slice3A_158[0] : i32 from vector<1xi32>
      %slice3A_160 = vector.extract_strided_slice %mul3A_128 {offsets = [14], sizes = [1], strides = [1]} : vector<16xi32> to vector<1xi32>
      %squeeze3A_161 = vector.extract %slice3A_160[0] : i32 from vector<1xi32>
      %slice3A_162 = vector.extract_strided_slice %mul3A_128 {offsets = [15], sizes = [1], strides = [1]} : vector<16xi32> to vector<1xi32>
      %squeeze3A_163 = vector.extract %slice3A_162[0] : i32 from vector<1xi32>
      %slice3A_164 = vector.extract_strided_slice %mul3A_133 {offsets = [0], sizes = [1], strides = [1]} : vector<16xi32> to vector<1xi32>
      %squeeze3A_165 = vector.extract %slice3A_164[0] : i32 from vector<1xi32>
      %slice3A_166 = vector.extract_strided_slice %mul3A_133 {offsets = [1], sizes = [1], strides = [1]} : vector<16xi32> to vector<1xi32>
      %squeeze3A_167 = vector.extract %slice3A_166[0] : i32 from vector<1xi32>
      %slice3A_168 = vector.extract_strided_slice %mul3A_133 {offsets = [2], sizes = [1], strides = [1]} : vector<16xi32> to vector<1xi32>
      %squeeze3A_169 = vector.extract %slice3A_168[0] : i32 from vector<1xi32>
      %slice3A_170 = vector.extract_strided_slice %mul3A_133 {offsets = [3], sizes = [1], strides = [1]} : vector<16xi32> to vector<1xi32>
      %squeeze3A_171 = vector.extract %slice3A_170[0] : i32 from vector<1xi32>
      %slice3A_172 = vector.extract_strided_slice %mul3A_133 {offsets = [4], sizes = [1], strides = [1]} : vector<16xi32> to vector<1xi32>
      %squeeze3A_173 = vector.extract %slice3A_172[0] : i32 from vector<1xi32>
      %slice3A_174 = vector.extract_strided_slice %mul3A_133 {offsets = [5], sizes = [1], strides = [1]} : vector<16xi32> to vector<1xi32>
      %squeeze3A_175 = vector.extract %slice3A_174[0] : i32 from vector<1xi32>
      %slice3A_176 = vector.extract_strided_slice %mul3A_133 {offsets = [6], sizes = [1], strides = [1]} : vector<16xi32> to vector<1xi32>
      %squeeze3A_177 = vector.extract %slice3A_176[0] : i32 from vector<1xi32>
      %slice3A_178 = vector.extract_strided_slice %mul3A_133 {offsets = [7], sizes = [1], strides = [1]} : vector<16xi32> to vector<1xi32>
      %squeeze3A_179 = vector.extract %slice3A_178[0] : i32 from vector<1xi32>
      %slice3A_180 = vector.extract_strided_slice %mul3A_133 {offsets = [8], sizes = [1], strides = [1]} : vector<16xi32> to vector<1xi32>
      %squeeze3A_181 = vector.extract %slice3A_180[0] : i32 from vector<1xi32>
      %slice3A_182 = vector.extract_strided_slice %mul3A_133 {offsets = [9], sizes = [1], strides = [1]} : vector<16xi32> to vector<1xi32>
      %squeeze3A_183 = vector.extract %slice3A_182[0] : i32 from vector<1xi32>
      %slice3A_184 = vector.extract_strided_slice %mul3A_133 {offsets = [10], sizes = [1], strides = [1]} : vector<16xi32> to vector<1xi32>
      %squeeze3A_185 = vector.extract %slice3A_184[0] : i32 from vector<1xi32>
      %slice3A_186 = vector.extract_strided_slice %mul3A_133 {offsets = [11], sizes = [1], strides = [1]} : vector<16xi32> to vector<1xi32>
      %squeeze3A_187 = vector.extract %slice3A_186[0] : i32 from vector<1xi32>
      %slice3A_188 = vector.extract_strided_slice %mul3A_133 {offsets = [12], sizes = [1], strides = [1]} : vector<16xi32> to vector<1xi32>
      %squeeze3A_189 = vector.extract %slice3A_188[0] : i32 from vector<1xi32>
      %slice3A_190 = vector.extract_strided_slice %mul3A_133 {offsets = [13], sizes = [1], strides = [1]} : vector<16xi32> to vector<1xi32>
      %squeeze3A_191 = vector.extract %slice3A_190[0] : i32 from vector<1xi32>
      %slice3A_192 = vector.extract_strided_slice %mul3A_133 {offsets = [14], sizes = [1], strides = [1]} : vector<16xi32> to vector<1xi32>
      %squeeze3A_193 = vector.extract %slice3A_192[0] : i32 from vector<1xi32>
      %slice3A_194 = vector.extract_strided_slice %mul3A_133 {offsets = [15], sizes = [1], strides = [1]} : vector<16xi32> to vector<1xi32>
      %squeeze3A_195 = vector.extract %slice3A_194[0] : i32 from vector<1xi32>
      %parallel_loop3A = arith.constant 0 : i32
      %parallel_loop3A_196 = arith.constant 768 : i32
      %parallel_loop3A_197 = arith.constant 16 : i32
      scf.for %parallel_loop3A_384 = %parallel_loop3A to %parallel_loop3A_196 step %parallel_loop3A_197  : i32 {
        %parallel_loop3A_385 = arith.addi %squeeze3A, %parallel_loop3A_384 : i32
        %parallel_loop3A_386 = arith.index_cast %parallel_loop3A_385 : i32 to index
        %parallel_loop3A_387 = tpu.vector_load %arg7[%parallel_loop3A_386] {strides = array<i32>} : memref<24576xf32, #tpu.memory_space<vmem>>, vector<16xf32>,
        %parallel_loop3A_388 = arith.addi %squeeze3A_165, %parallel_loop3A_384 : i32
        %parallel_loop3A_389 = arith.index_cast %parallel_loop3A_388 : i32 to index
        %parallel_loop3A_390 = tpu.vector_load %arg8[%parallel_loop3A_389] {strides = array<i32>} : memref<24576xf32, #tpu.memory_space<vmem>>, vector<16xf32>,
        %parallel_loop3A_391 = arith.addf %parallel_loop3A_387, %parallel_loop3A_390 : vector<16xf32>
        %parallel_loop3A_392 = arith.constant 0 : i32
        %parallel_loop3A_393 = arith.index_cast %parallel_loop3A_392 : i32 to index
        %parallel_loop3A_394 = arith.index_cast %parallel_loop3A_384 : i32 to index
        %parallel_loop3A_395 = tpu.vector_load %arg12[%parallel_loop3A_393, %parallel_loop3A_394] {strides = array<i32>} : memref<16x768xf32, #tpu.memory_space<vmem>>, vector<16xf32>,
        tpu.vector_store %arg12[%parallel_loop3A_393, %parallel_loop3A_394], %parallel_loop3A_391 {strides = array<i32>} : memref<16x768xf32, #tpu.memory_space<vmem>>, vector<16xf32>,
        %parallel_loop3A_396 = arith.addi %squeeze3A_135, %parallel_loop3A_384 : i32
        %parallel_loop3A_397 = arith.index_cast %parallel_loop3A_396 : i32 to index
        %parallel_loop3A_398 = tpu.vector_load %arg7[%parallel_loop3A_397] {strides = array<i32>} : memref<24576xf32, #tpu.memory_space<vmem>>, vector<16xf32>,
        %parallel_loop3A_399 = arith.addi %squeeze3A_167, %parallel_loop3A_384 : i32
        %parallel_loop3A_400 = arith.index_cast %parallel_loop3A_399 : i32 to index
        %parallel_loop3A_401 = tpu.vector_load %arg8[%parallel_loop3A_400] {strides = array<i32>} : memref<24576xf32, #tpu.memory_space<vmem>>, vector<16xf32>,
        %parallel_loop3A_402 = arith.addf %parallel_loop3A_398, %parallel_loop3A_401 : vector<16xf32>
        %parallel_loop3A_403 = arith.constant 1 : i32
        %parallel_loop3A_404 = arith.index_cast %parallel_loop3A_403 : i32 to index
        %parallel_loop3A_405 = arith.index_cast %parallel_loop3A_384 : i32 to index
        %parallel_loop3A_406 = tpu.vector_load %arg12[%parallel_loop3A_404, %parallel_loop3A_405] {strides = array<i32>} : memref<16x768xf32, #tpu.memory_space<vmem>>, vector<16xf32>,
        tpu.vector_store %arg12[%parallel_loop3A_404, %parallel_loop3A_405], %parallel_loop3A_402 {strides = array<i32>} : memref<16x768xf32, #tpu.memory_space<vmem>>, vector<16xf32>,
        %parallel_loop3A_407 = arith.addi %squeeze3A_137, %parallel_loop3A_384 : i32
        %parallel_loop3A_408 = arith.index_cast %parallel_loop3A_407 : i32 to index
        %parallel_loop3A_409 = tpu.vector_load %arg7[%parallel_loop3A_408] {strides = array<i32>} : memref<24576xf32, #tpu.memory_space<vmem>>, vector<16xf32>,
        %parallel_loop3A_410 = arith.addi %squeeze3A_169, %parallel_loop3A_384 : i32
        %parallel_loop3A_411 = arith.index_cast %parallel_loop3A_410 : i32 to index
        %parallel_loop3A_412 = tpu.vector_load %arg8[%parallel_loop3A_411] {strides = array<i32>} : memref<24576xf32, #tpu.memory_space<vmem>>, vector<16xf32>,
        %parallel_loop3A_413 = arith.addf %parallel_loop3A_409, %parallel_loop3A_412 : vector<16xf32>
        %parallel_loop3A_414 = arith.constant 2 : i32
        %parallel_loop3A_415 = arith.index_cast %parallel_loop3A_414 : i32 to index
        %parallel_loop3A_416 = arith.index_cast %parallel_loop3A_384 : i32 to index
        %parallel_loop3A_417 = tpu.vector_load %arg12[%parallel_loop3A_415, %parallel_loop3A_416] {strides = array<i32>} : memref<16x768xf32, #tpu.memory_space<vmem>>, vector<16xf32>,
        tpu.vector_store %arg12[%parallel_loop3A_415, %parallel_loop3A_416], %parallel_loop3A_413 {strides = array<i32>} : memref<16x768xf32, #tpu.memory_space<vmem>>, vector<16xf32>,
        %parallel_loop3A_418 = arith.addi %squeeze3A_139, %parallel_loop3A_384 : i32
        %parallel_loop3A_419 = arith.index_cast %parallel_loop3A_418 : i32 to index
        %parallel_loop3A_420 = tpu.vector_load %arg7[%parallel_loop3A_419] {strides = array<i32>} : memref<24576xf32, #tpu.memory_space<vmem>>, vector<16xf32>,
        %parallel_loop3A_421 = arith.addi %squeeze3A_171, %parallel_loop3A_384 : i32
        %parallel_loop3A_422 = arith.index_cast %parallel_loop3A_421 : i32 to index
        %parallel_loop3A_423 = tpu.vector_load %arg8[%parallel_loop3A_422] {strides = array<i32>} : memref<24576xf32, #tpu.memory_space<vmem>>, vector<16xf32>,
        %parallel_loop3A_424 = arith.addf %parallel_loop3A_420, %parallel_loop3A_423 : vector<16xf32>
        %parallel_loop3A_425 = arith.constant 3 : i32
        %parallel_loop3A_426 = arith.index_cast %parallel_loop3A_425 : i32 to index
        %parallel_loop3A_427 = arith.index_cast %parallel_loop3A_384 : i32 to index
        %parallel_loop3A_428 = tpu.vector_load %arg12[%parallel_loop3A_426, %parallel_loop3A_427] {strides = array<i32>} : memref<16x768xf32, #tpu.memory_space<vmem>>, vector<16xf32>,
        tpu.vector_store %arg12[%parallel_loop3A_426, %parallel_loop3A_427], %parallel_loop3A_424 {strides = array<i32>} : memref<16x768xf32, #tpu.memory_space<vmem>>, vector<16xf32>,
        %parallel_loop3A_429 = arith.addi %squeeze3A_141, %parallel_loop3A_384 : i32
        %parallel_loop3A_430 = arith.index_cast %parallel_loop3A_429 : i32 to index
        %parallel_loop3A_431 = tpu.vector_load %arg7[%parallel_loop3A_430] {strides = array<i32>} : memref<24576xf32, #tpu.memory_space<vmem>>, vector<16xf32>,
        %parallel_loop3A_432 = arith.addi %squeeze3A_173, %parallel_loop3A_384 : i32
        %parallel_loop3A_433 = arith.index_cast %parallel_loop3A_432 : i32 to index
        %parallel_loop3A_434 = tpu.vector_load %arg8[%parallel_loop3A_433] {strides = array<i32>} : memref<24576xf32, #tpu.memory_space<vmem>>, vector<16xf32>,
        %parallel_loop3A_435 = arith.addf %parallel_loop3A_431, %parallel_loop3A_434 : vector<16xf32>
        %parallel_loop3A_436 = arith.constant 4 : i32
        %parallel_loop3A_437 = arith.index_cast %parallel_loop3A_436 : i32 to index
        %parallel_loop3A_438 = arith.index_cast %parallel_loop3A_384 : i32 to index
        %parallel_loop3A_439 = tpu.vector_load %arg12[%parallel_loop3A_437, %parallel_loop3A_438] {strides = array<i32>} : memref<16x768xf32, #tpu.memory_space<vmem>>, vector<16xf32>,
        tpu.vector_store %arg12[%parallel_loop3A_437, %parallel_loop3A_438], %parallel_loop3A_435 {strides = array<i32>} : memref<16x768xf32, #tpu.memory_space<vmem>>, vector<16xf32>,
        %parallel_loop3A_440 = arith.addi %squeeze3A_143, %parallel_loop3A_384 : i32
        %parallel_loop3A_441 = arith.index_cast %parallel_loop3A_440 : i32 to index
        %parallel_loop3A_442 = tpu.vector_load %arg7[%parallel_loop3A_441] {strides = array<i32>} : memref<24576xf32, #tpu.memory_space<vmem>>, vector<16xf32>,
        %parallel_loop3A_443 = arith.addi %squeeze3A_175, %parallel_loop3A_384 : i32
        %parallel_loop3A_444 = arith.index_cast %parallel_loop3A_443 : i32 to index
        %parallel_loop3A_445 = tpu.vector_load %arg8[%parallel_loop3A_444] {strides = array<i32>} : memref<24576xf32, #tpu.memory_space<vmem>>, vector<16xf32>,
        %parallel_loop3A_446 = arith.addf %parallel_loop3A_442, %parallel_loop3A_445 : vector<16xf32>
        %parallel_loop3A_447 = arith.constant 5 : i32
        %parallel_loop3A_448 = arith.index_cast %parallel_loop3A_447 : i32 to index
        %parallel_loop3A_449 = arith.index_cast %parallel_loop3A_384 : i32 to index
        %parallel_loop3A_450 = tpu.vector_load %arg12[%parallel_loop3A_448, %parallel_loop3A_449] {strides = array<i32>} : memref<16x768xf32, #tpu.memory_space<vmem>>, vector<16xf32>,
        tpu.vector_store %arg12[%parallel_loop3A_448, %parallel_loop3A_449], %parallel_loop3A_446 {strides = array<i32>} : memref<16x768xf32, #tpu.memory_space<vmem>>, vector<16xf32>,
        %parallel_loop3A_451 = arith.addi %squeeze3A_145, %parallel_loop3A_384 : i32
        %parallel_loop3A_452 = arith.index_cast %parallel_loop3A_451 : i32 to index
        %parallel_loop3A_453 = tpu.vector_load %arg7[%parallel_loop3A_452] {strides = array<i32>} : memref<24576xf32, #tpu.memory_space<vmem>>, vector<16xf32>,
        %parallel_loop3A_454 = arith.addi %squeeze3A_177, %parallel_loop3A_384 : i32
        %parallel_loop3A_455 = arith.index_cast %parallel_loop3A_454 : i32 to index
        %parallel_loop3A_456 = tpu.vector_load %arg8[%parallel_loop3A_455] {strides = array<i32>} : memref<24576xf32, #tpu.memory_space<vmem>>, vector<16xf32>,
        %parallel_loop3A_457 = arith.addf %parallel_loop3A_453, %parallel_loop3A_456 : vector<16xf32>
        %parallel_loop3A_458 = arith.constant 6 : i32
        %parallel_loop3A_459 = arith.index_cast %parallel_loop3A_458 : i32 to index
        %parallel_loop3A_460 = arith.index_cast %parallel_loop3A_384 : i32 to index
        %parallel_loop3A_461 = tpu.vector_load %arg12[%parallel_loop3A_459, %parallel_loop3A_460] {strides = array<i32>} : memref<16x768xf32, #tpu.memory_space<vmem>>, vector<16xf32>,
        tpu.vector_store %arg12[%parallel_loop3A_459, %parallel_loop3A_460], %parallel_loop3A_457 {strides = array<i32>} : memref<16x768xf32, #tpu.memory_space<vmem>>, vector<16xf32>,
        %parallel_loop3A_462 = arith.addi %squeeze3A_147, %parallel_loop3A_384 : i32
        %parallel_loop3A_463 = arith.index_cast %parallel_loop3A_462 : i32 to index
        %parallel_loop3A_464 = tpu.vector_load %arg7[%parallel_loop3A_463] {strides = array<i32>} : memref<24576xf32, #tpu.memory_space<vmem>>, vector<16xf32>,
        %parallel_loop3A_465 = arith.addi %squeeze3A_179, %parallel_loop3A_384 : i32
        %parallel_loop3A_466 = arith.index_cast %parallel_loop3A_465 : i32 to index
        %parallel_loop3A_467 = tpu.vector_load %arg8[%parallel_loop3A_466] {strides = array<i32>} : memref<24576xf32, #tpu.memory_space<vmem>>, vector<16xf32>,
        %parallel_loop3A_468 = arith.addf %parallel_loop3A_464, %parallel_loop3A_467 : vector<16xf32>
        %parallel_loop3A_469 = arith.constant 7 : i32
        %parallel_loop3A_470 = arith.index_cast %parallel_loop3A_469 : i32 to index
        %parallel_loop3A_471 = arith.index_cast %parallel_loop3A_384 : i32 to index
        %parallel_loop3A_472 = tpu.vector_load %arg12[%parallel_loop3A_470, %parallel_loop3A_471] {strides = array<i32>} : memref<16x768xf32, #tpu.memory_space<vmem>>, vector<16xf32>,
        tpu.vector_store %arg12[%parallel_loop3A_470, %parallel_loop3A_471], %parallel_loop3A_468 {strides = array<i32>} : memref<16x768xf32, #tpu.memory_space<vmem>>, vector<16xf32>,
        %parallel_loop3A_473 = arith.addi %squeeze3A_149, %parallel_loop3A_384 : i32
        %parallel_loop3A_474 = arith.index_cast %parallel_loop3A_473 : i32 to index
        %parallel_loop3A_475 = tpu.vector_load %arg7[%parallel_loop3A_474] {strides = array<i32>} : memref<24576xf32, #tpu.memory_space<vmem>>, vector<16xf32>,
        %parallel_loop3A_476 = arith.addi %squeeze3A_181, %parallel_loop3A_384 : i32
        %parallel_loop3A_477 = arith.index_cast %parallel_loop3A_476 : i32 to index
        %parallel_loop3A_478 = tpu.vector_load %arg8[%parallel_loop3A_477] {strides = array<i32>} : memref<24576xf32, #tpu.memory_space<vmem>>, vector<16xf32>,
        %parallel_loop3A_479 = arith.addf %parallel_loop3A_475, %parallel_loop3A_478 : vector<16xf32>
        %parallel_loop3A_480 = arith.constant 8 : i32
        %parallel_loop3A_481 = arith.index_cast %parallel_loop3A_480 : i32 to index
        %parallel_loop3A_482 = arith.index_cast %parallel_loop3A_384 : i32 to index
        %parallel_loop3A_483 = tpu.vector_load %arg12[%parallel_loop3A_481, %parallel_loop3A_482] {strides = array<i32>} : memref<16x768xf32, #tpu.memory_space<vmem>>, vector<16xf32>,
        tpu.vector_store %arg12[%parallel_loop3A_481, %parallel_loop3A_482], %parallel_loop3A_479 {strides = array<i32>} : memref<16x768xf32, #tpu.memory_space<vmem>>, vector<16xf32>,
        %parallel_loop3A_484 = arith.addi %squeeze3A_151, %parallel_loop3A_384 : i32
        %parallel_loop3A_485 = arith.index_cast %parallel_loop3A_484 : i32 to index
        %parallel_loop3A_486 = tpu.vector_load %arg7[%parallel_loop3A_485] {strides = array<i32>} : memref<24576xf32, #tpu.memory_space<vmem>>, vector<16xf32>,
        %parallel_loop3A_487 = arith.addi %squeeze3A_183, %parallel_loop3A_384 : i32
        %parallel_loop3A_488 = arith.index_cast %parallel_loop3A_487 : i32 to index
        %parallel_loop3A_489 = tpu.vector_load %arg8[%parallel_loop3A_488] {strides = array<i32>} : memref<24576xf32, #tpu.memory_space<vmem>>, vector<16xf32>,
        %parallel_loop3A_490 = arith.addf %parallel_loop3A_486, %parallel_loop3A_489 : vector<16xf32>
        %parallel_loop3A_491 = arith.constant 9 : i32
        %parallel_loop3A_492 = arith.index_cast %parallel_loop3A_491 : i32 to index
        %parallel_loop3A_493 = arith.index_cast %parallel_loop3A_384 : i32 to index
        %parallel_loop3A_494 = tpu.vector_load %arg12[%parallel_loop3A_492, %parallel_loop3A_493] {strides = array<i32>} : memref<16x768xf32, #tpu.memory_space<vmem>>, vector<16xf32>,
        tpu.vector_store %arg12[%parallel_loop3A_492, %parallel_loop3A_493], %parallel_loop3A_490 {strides = array<i32>} : memref<16x768xf32, #tpu.memory_space<vmem>>, vector<16xf32>,
        %parallel_loop3A_495 = arith.addi %squeeze3A_153, %parallel_loop3A_384 : i32
        %parallel_loop3A_496 = arith.index_cast %parallel_loop3A_495 : i32 to index
        %parallel_loop3A_497 = tpu.vector_load %arg7[%parallel_loop3A_496] {strides = array<i32>} : memref<24576xf32, #tpu.memory_space<vmem>>, vector<16xf32>,
        %parallel_loop3A_498 = arith.addi %squeeze3A_185, %parallel_loop3A_384 : i32
        %parallel_loop3A_499 = arith.index_cast %parallel_loop3A_498 : i32 to index
        %parallel_loop3A_500 = tpu.vector_load %arg8[%parallel_loop3A_499] {strides = array<i32>} : memref<24576xf32, #tpu.memory_space<vmem>>, vector<16xf32>,
        %parallel_loop3A_501 = arith.addf %parallel_loop3A_497, %parallel_loop3A_500 : vector<16xf32>
        %parallel_loop3A_502 = arith.constant 10 : i32
        %parallel_loop3A_503 = arith.index_cast %parallel_loop3A_502 : i32 to index
        %parallel_loop3A_504 = arith.index_cast %parallel_loop3A_384 : i32 to index
        %parallel_loop3A_505 = tpu.vector_load %arg12[%parallel_loop3A_503, %parallel_loop3A_504] {strides = array<i32>} : memref<16x768xf32, #tpu.memory_space<vmem>>, vector<16xf32>,
        tpu.vector_store %arg12[%parallel_loop3A_503, %parallel_loop3A_504], %parallel_loop3A_501 {strides = array<i32>} : memref<16x768xf32, #tpu.memory_space<vmem>>, vector<16xf32>,
        %parallel_loop3A_506 = arith.addi %squeeze3A_155, %parallel_loop3A_384 : i32
        %parallel_loop3A_507 = arith.index_cast %parallel_loop3A_506 : i32 to index
        %parallel_loop3A_508 = tpu.vector_load %arg7[%parallel_loop3A_507] {strides = array<i32>} : memref<24576xf32, #tpu.memory_space<vmem>>, vector<16xf32>,
        %parallel_loop3A_509 = arith.addi %squeeze3A_187, %parallel_loop3A_384 : i32
        %parallel_loop3A_510 = arith.index_cast %parallel_loop3A_509 : i32 to index
        %parallel_loop3A_511 = tpu.vector_load %arg8[%parallel_loop3A_510] {strides = array<i32>} : memref<24576xf32, #tpu.memory_space<vmem>>, vector<16xf32>,
        %parallel_loop3A_512 = arith.addf %parallel_loop3A_508, %parallel_loop3A_511 : vector<16xf32>
        %parallel_loop3A_513 = arith.constant 11 : i32
        %parallel_loop3A_514 = arith.index_cast %parallel_loop3A_513 : i32 to index
        %parallel_loop3A_515 = arith.index_cast %parallel_loop3A_384 : i32 to index
        %parallel_loop3A_516 = tpu.vector_load %arg12[%parallel_loop3A_514, %parallel_loop3A_515] {strides = array<i32>} : memref<16x768xf32, #tpu.memory_space<vmem>>, vector<16xf32>,
        tpu.vector_store %arg12[%parallel_loop3A_514, %parallel_loop3A_515], %parallel_loop3A_512 {strides = array<i32>} : memref<16x768xf32, #tpu.memory_space<vmem>>, vector<16xf32>,
        %parallel_loop3A_517 = arith.addi %squeeze3A_157, %parallel_loop3A_384 : i32
        %parallel_loop3A_518 = arith.index_cast %parallel_loop3A_517 : i32 to index
        %parallel_loop3A_519 = tpu.vector_load %arg7[%parallel_loop3A_518] {strides = array<i32>} : memref<24576xf32, #tpu.memory_space<vmem>>, vector<16xf32>,
        %parallel_loop3A_520 = arith.addi %squeeze3A_189, %parallel_loop3A_384 : i32
        %parallel_loop3A_521 = arith.index_cast %parallel_loop3A_520 : i32 to index
        %parallel_loop3A_522 = tpu.vector_load %arg8[%parallel_loop3A_521] {strides = array<i32>} : memref<24576xf32, #tpu.memory_space<vmem>>, vector<16xf32>,
        %parallel_loop3A_523 = arith.addf %parallel_loop3A_519, %parallel_loop3A_522 : vector<16xf32>
        %parallel_loop3A_524 = arith.constant 12 : i32
        %parallel_loop3A_525 = arith.index_cast %parallel_loop3A_524 : i32 to index
        %parallel_loop3A_526 = arith.index_cast %parallel_loop3A_384 : i32 to index
        %parallel_loop3A_527 = tpu.vector_load %arg12[%parallel_loop3A_525, %parallel_loop3A_526] {strides = array<i32>} : memref<16x768xf32, #tpu.memory_space<vmem>>, vector<16xf32>,
        tpu.vector_store %arg12[%parallel_loop3A_525, %parallel_loop3A_526], %parallel_loop3A_523 {strides = array<i32>} : memref<16x768xf32, #tpu.memory_space<vmem>>, vector<16xf32>,
        %parallel_loop3A_528 = arith.addi %squeeze3A_159, %parallel_loop3A_384 : i32
        %parallel_loop3A_529 = arith.index_cast %parallel_loop3A_528 : i32 to index
        %parallel_loop3A_530 = tpu.vector_load %arg7[%parallel_loop3A_529] {strides = array<i32>} : memref<24576xf32, #tpu.memory_space<vmem>>, vector<16xf32>,
        %parallel_loop3A_531 = arith.addi %squeeze3A_191, %parallel_loop3A_384 : i32
        %parallel_loop3A_532 = arith.index_cast %parallel_loop3A_531 : i32 to index
        %parallel_loop3A_533 = tpu.vector_load %arg8[%parallel_loop3A_532] {strides = array<i32>} : memref<24576xf32, #tpu.memory_space<vmem>>, vector<16xf32>,
        %parallel_loop3A_534 = arith.addf %parallel_loop3A_530, %parallel_loop3A_533 : vector<16xf32>
        %parallel_loop3A_535 = arith.constant 13 : i32
        %parallel_loop3A_536 = arith.index_cast %parallel_loop3A_535 : i32 to index
        %parallel_loop3A_537 = arith.index_cast %parallel_loop3A_384 : i32 to index
        %parallel_loop3A_538 = tpu.vector_load %arg12[%parallel_loop3A_536, %parallel_loop3A_537] {strides = array<i32>} : memref<16x768xf32, #tpu.memory_space<vmem>>, vector<16xf32>,
        tpu.vector_store %arg12[%parallel_loop3A_536, %parallel_loop3A_537], %parallel_loop3A_534 {strides = array<i32>} : memref<16x768xf32, #tpu.memory_space<vmem>>, vector<16xf32>,
        %parallel_loop3A_539 = arith.addi %squeeze3A_161, %parallel_loop3A_384 : i32
        %parallel_loop3A_540 = arith.index_cast %parallel_loop3A_539 : i32 to index
        %parallel_loop3A_541 = tpu.vector_load %arg7[%parallel_loop3A_540] {strides = array<i32>} : memref<24576xf32, #tpu.memory_space<vmem>>, vector<16xf32>,
        %parallel_loop3A_542 = arith.addi %squeeze3A_193, %parallel_loop3A_384 : i32
        %parallel_loop3A_543 = arith.index_cast %parallel_loop3A_542 : i32 to index
        %parallel_loop3A_544 = tpu.vector_load %arg8[%parallel_loop3A_543] {strides = array<i32>} : memref<24576xf32, #tpu.memory_space<vmem>>, vector<16xf32>,
        %parallel_loop3A_545 = arith.addf %parallel_loop3A_541, %parallel_loop3A_544 : vector<16xf32>
        %parallel_loop3A_546 = arith.constant 14 : i32
        %parallel_loop3A_547 = arith.index_cast %parallel_loop3A_546 : i32 to index
        %parallel_loop3A_548 = arith.index_cast %parallel_loop3A_384 : i32 to index
        %parallel_loop3A_549 = tpu.vector_load %arg12[%parallel_loop3A_547, %parallel_loop3A_548] {strides = array<i32>} : memref<16x768xf32, #tpu.memory_space<vmem>>, vector<16xf32>,
        tpu.vector_store %arg12[%parallel_loop3A_547, %parallel_loop3A_548], %parallel_loop3A_545 {strides = array<i32>} : memref<16x768xf32, #tpu.memory_space<vmem>>, vector<16xf32>,
        %parallel_loop3A_550 = arith.addi %squeeze3A_163, %parallel_loop3A_384 : i32
        %parallel_loop3A_551 = arith.index_cast %parallel_loop3A_550 : i32 to index
        %parallel_loop3A_552 = tpu.vector_load %arg7[%parallel_loop3A_551] {strides = array<i32>} : memref<24576xf32, #tpu.memory_space<vmem>>, vector<16xf32>,
        %parallel_loop3A_553 = arith.addi %squeeze3A_195, %parallel_loop3A_384 : i32
        %parallel_loop3A_554 = arith.index_cast %parallel_loop3A_553 : i32 to index
        %parallel_loop3A_555 = tpu.vector_load %arg8[%parallel_loop3A_554] {strides = array<i32>} : memref<24576xf32, #tpu.memory_space<vmem>>, vector<16xf32>,
        %parallel_loop3A_556 = arith.addf %parallel_loop3A_552, %parallel_loop3A_555 : vector<16xf32>
        %parallel_loop3A_557 = arith.constant 15 : i32
        %parallel_loop3A_558 = arith.index_cast %parallel_loop3A_557 : i32 to index
        %parallel_loop3A_559 = arith.index_cast %parallel_loop3A_384 : i32 to index
        %parallel_loop3A_560 = tpu.vector_load %arg12[%parallel_loop3A_558, %parallel_loop3A_559] {strides = array<i32>} : memref<16x768xf32, #tpu.memory_space<vmem>>, vector<16xf32>,
        tpu.vector_store %arg12[%parallel_loop3A_558, %parallel_loop3A_559], %parallel_loop3A_556 {strides = array<i32>} : memref<16x768xf32, #tpu.memory_space<vmem>>, vector<16xf32>,
      } {sc.loop_unroll_factor = 6 : i64, sc.parallel_access}
      %mul3A_198 = arith.constant 16 : i32
      %mul3A_199 = arith.muli %add3A_90, %mul3A_198 : i32
      %dma_wait3A_200 = tpu.memref_slice %arg9[%mul3A_199] : memref<2048xi32, #tpu.memory_space<vmem>> -> memref<16xi32, #tpu.memory_space<vmem>>
      %dma_wait3A_201 = arith.constant 0 : i32
      %dma_wait3A_202 = arith.constant 0 : i32
      %dma_wait3A_203 = tpu.memref_slice %arg2[%dma_wait3A_201, %dma_wait3A_202] : memref<1024x768xf32, #tpu.memory_space<hbm>> -> memref<1024x768xf32, #tpu.memory_space<hbm>>
      tpu.wait_indirect_dma semaphore(%arg16 : memref<!tpu.dma_semaphore, #tpu.memory_space<semaphore_mem>>) src(%dma_wait3A_203 : memref<1024x768xf32, #tpu.memory_space<hbm>>) dst(%arg10 : memref<16x768xf32, #tpu.memory_space<vmem>>)
      %mul3A_204 = arith.constant 16 : i32
      %mul3A_205 = arith.muli %add3A_90, %mul3A_204 : i32
      %add3A_206 = arith.addi %mul3A_2, %mul3A_205 : i32
      %dma_start3A_207 = arith.constant 0 : i32
      %dma_start3A_208 = tpu.memref_slice %arg6[%add3A_206, %dma_start3A_207] : memref<65536x768xf32, #tpu.memory_space<hbm>> -> memref<16x768xf32, #tpu.memory_space<hbm>>
      %dma_start3A_209 = arith.constant 0 : i32
      %dma_start3A_210 = tpu.memref_slice %arg6[%add3A_206, %dma_start3A_209] : memref<65536x768xf32, #tpu.memory_space<hbm>> -> memref<16x768xf32, #tpu.memory_space<hbm>>
      tpu.enqueue_dma source(%arg10 : memref<16x768xf32, #tpu.memory_space<vmem>>) target(%dma_start3A_210 : memref<16x768xf32, #tpu.memory_space<hbm>>) target_semaphore(%arg22 : memref<!tpu.dma_semaphore, #tpu.memory_space<semaphore_mem>>)
      %mul3A_211 = arith.constant 16 : i32
      %mul3A_212 = arith.muli %add3A_92, %mul3A_211 : i32
      %dma_wait3A_213 = tpu.memref_slice %arg9[%mul3A_212] : memref<2048xi32, #tpu.memory_space<vmem>> -> memref<16xi32, #tpu.memory_space<vmem>>
      %dma_wait3A_214 = arith.constant 0 : i32
      %dma_wait3A_215 = arith.constant 0 : i32
      %dma_wait3A_216 = tpu.memref_slice %arg2[%dma_wait3A_214, %dma_wait3A_215] : memref<1024x768xf32, #tpu.memory_space<hbm>> -> memref<1024x768xf32, #tpu.memory_space<hbm>>
      tpu.wait_indirect_dma semaphore(%arg17 : memref<!tpu.dma_semaphore, #tpu.memory_space<semaphore_mem>>) src(%dma_wait3A_216 : memref<1024x768xf32, #tpu.memory_space<hbm>>) dst(%arg11 : memref<16x768xf32, #tpu.memory_space<vmem>>)
      %mul3A_217 = arith.constant 16 : i32
      %mul3A_218 = arith.muli %add3A_92, %mul3A_217 : i32
      %add3A_219 = arith.addi %mul3A_2, %mul3A_218 : i32
      %dma_start3A_220 = arith.constant 0 : i32
      %dma_start3A_221 = tpu.memref_slice %arg6[%add3A_219, %dma_start3A_220] : memref<65536x768xf32, #tpu.memory_space<hbm>> -> memref<16x768xf32, #tpu.memory_space<hbm>>
      %dma_start3A_222 = arith.constant 0 : i32
      %dma_start3A_223 = tpu.memref_slice %arg6[%add3A_219, %dma_start3A_222] : memref<65536x768xf32, #tpu.memory_space<hbm>> -> memref<16x768xf32, #tpu.memory_space<hbm>>
      tpu.enqueue_dma source(%arg11 : memref<16x768xf32, #tpu.memory_space<vmem>>) target(%dma_start3A_223 : memref<16x768xf32, #tpu.memory_space<hbm>>) target_semaphore(%arg23 : memref<!tpu.dma_semaphore, #tpu.memory_space<semaphore_mem>>)
      %mul3A_224 = arith.constant 16 : i32
      %mul3A_225 = arith.muli %add3A_94, %mul3A_224 : i32
      %add3A_226 = arith.addi %mul3A_2, %mul3A_225 : i32
      %dma_start3A_227 = arith.constant 0 : i32
      %dma_start3A_228 = tpu.memref_slice %arg6[%add3A_226, %dma_start3A_227] : memref<65536x768xf32, #tpu.memory_space<hbm>> -> memref<16x768xf32, #tpu.memory_space<hbm>>
      %dma_start3A_229 = arith.constant 0 : i32
      %dma_start3A_230 = tpu.memref_slice %arg6[%add3A_226, %dma_start3A_229] : memref<65536x768xf32, #tpu.memory_space<hbm>> -> memref<16x768xf32, #tpu.memory_space<hbm>>
      tpu.enqueue_dma source(%arg12 : memref<16x768xf32, #tpu.memory_space<vmem>>) target(%dma_start3A_230 : memref<16x768xf32, #tpu.memory_space<hbm>>) target_semaphore(%arg24 : memref<!tpu.dma_semaphore, #tpu.memory_space<semaphore_mem>>)
      %mul3A_231 = arith.constant 6 : i32
      %mul3A_232 = arith.muli %mul3A_231, %scan3A_86 : i32
      %add3A_233 = arith.constant 3 : i32
      %add3A_234 = arith.addi %mul3A_232, %add3A_233 : i32
      %add3A_235 = arith.constant 1 : i32
      %add3A_236 = arith.addi %add3A_234, %add3A_235 : i32
      %add3A_237 = arith.constant 2 : i32
      %add3A_238 = arith.addi %add3A_234, %add3A_237 : i32
      %gt3A_239 = arith.constant 0 : i32
      %gt3A_240 = arith.cmpi sgt, %scan3A_86, %gt3A_239 : i32
      %convert_element_type3A_241 = arith.extui %gt3A_240 : i1 to i32
      %cond3A_242 = arith.constant 0 : i32
      %cond3A_243 = arith.cmpi ne, %convert_element_type3A_241, %cond3A_242 : i32
      scf.if %cond3A_243 {
        %sub3A = arith.constant 6 : i32
        %sub3A_384 = arith.subi %add3A_234, %sub3A : i32
        %mul3A_385 = arith.constant 16 : i32
        %mul3A_386 = arith.muli %sub3A_384, %mul3A_385 : i32
        %add3A_387 = arith.addi %mul3A_2, %mul3A_386 : i32
        %dma_wait3A_388 = arith.constant 0 : i32
        %dma_wait3A_389 = tpu.memref_slice %arg6[%add3A_387, %dma_wait3A_388] : memref<65536x768xf32, #tpu.memory_space<hbm>> -> memref<16x768xf32, #tpu.memory_space<hbm>>
        %dma_wait3A_390 = arith.constant 0 : i32
        %dma_wait3A_391 = tpu.memref_slice %arg6[%add3A_387, %dma_wait3A_390] : memref<65536x768xf32, #tpu.memory_space<hbm>> -> memref<16x768xf32, #tpu.memory_space<hbm>>
        tpu.wait_dma2 semaphore(%arg25 : memref<!tpu.dma_semaphore, #tpu.memory_space<semaphore_mem>>) src(%arg13 : memref<16x768xf32, #tpu.memory_space<vmem>>) dst(%dma_wait3A_391 : memref<16x768xf32, #tpu.memory_space<hbm>>)
      } else {
      }
      %mul3A_244 = arith.constant 16 : i32
      %mul3A_245 = arith.muli %add3A_234, %mul3A_244 : i32
      %dma_start3A_246 = tpu.memref_slice %arg9[%mul3A_245] : memref<2048xi32, #tpu.memory_space<vmem>> -> memref<16xi32, #tpu.memory_space<vmem>>
      %dma_start3A_247 = arith.constant 0 : i32
      %dma_start3A_248 = arith.constant 0 : i32
      %dma_start3A_249 = tpu.memref_slice %arg2[%dma_start3A_247, %dma_start3A_248] : memref<1024x768xf32, #tpu.memory_space<hbm>> -> memref<1024x768xf32, #tpu.memory_space<hbm>>
      tpu.enqueue_indirect_dma source(%dma_start3A_249 : memref<1024x768xf32, #tpu.memory_space<hbm>>) target(%arg13 : memref<16x768xf32, #tpu.memory_space<vmem>>) offsets(%dma_start3A_246 : memref<16xi32, #tpu.memory_space<vmem>>) semaphore(%arg19 : memref<!tpu.dma_semaphore, #tpu.memory_space<semaphore_mem>>)
      %gt3A_250 = arith.constant 0 : i32
      %gt3A_251 = arith.cmpi sgt, %scan3A_86, %gt3A_250 : i32
      %convert_element_type3A_252 = arith.extui %gt3A_251 : i1 to i32
      %cond3A_253 = arith.constant 0 : i32
      %cond3A_254 = arith.cmpi ne, %convert_element_type3A_252, %cond3A_253 : i32
      scf.if %cond3A_254 {
        %sub3A = arith.constant 6 : i32
        %sub3A_384 = arith.subi %add3A_236, %sub3A : i32
        %mul3A_385 = arith.constant 16 : i32
        %mul3A_386 = arith.muli %sub3A_384, %mul3A_385 : i32
        %add3A_387 = arith.addi %mul3A_2, %mul3A_386 : i32
        %dma_wait3A_388 = arith.constant 0 : i32
        %dma_wait3A_389 = tpu.memref_slice %arg6[%add3A_387, %dma_wait3A_388] : memref<65536x768xf32, #tpu.memory_space<hbm>> -> memref<16x768xf32, #tpu.memory_space<hbm>>
        %dma_wait3A_390 = arith.constant 0 : i32
        %dma_wait3A_391 = tpu.memref_slice %arg6[%add3A_387, %dma_wait3A_390] : memref<65536x768xf32, #tpu.memory_space<hbm>> -> memref<16x768xf32, #tpu.memory_space<hbm>>
        tpu.wait_dma2 semaphore(%arg26 : memref<!tpu.dma_semaphore, #tpu.memory_space<semaphore_mem>>) src(%arg14 : memref<16x768xf32, #tpu.memory_space<vmem>>) dst(%dma_wait3A_391 : memref<16x768xf32, #tpu.memory_space<hbm>>)
      } else {
      }
      %mul3A_255 = arith.constant 16 : i32
      %mul3A_256 = arith.muli %add3A_236, %mul3A_255 : i32
      %dma_start3A_257 = tpu.memref_slice %arg9[%mul3A_256] : memref<2048xi32, #tpu.memory_space<vmem>> -> memref<16xi32, #tpu.memory_space<vmem>>
      %dma_start3A_258 = arith.constant 0 : i32
      %dma_start3A_259 = arith.constant 0 : i32
      %dma_start3A_260 = tpu.memref_slice %arg2[%dma_start3A_258, %dma_start3A_259] : memref<1024x768xf32, #tpu.memory_space<hbm>> -> memref<1024x768xf32, #tpu.memory_space<hbm>>
      tpu.enqueue_indirect_dma source(%dma_start3A_260 : memref<1024x768xf32, #tpu.memory_space<hbm>>) target(%arg14 : memref<16x768xf32, #tpu.memory_space<vmem>>) offsets(%dma_start3A_257 : memref<16xi32, #tpu.memory_space<vmem>>) semaphore(%arg20 : memref<!tpu.dma_semaphore, #tpu.memory_space<semaphore_mem>>)
      %gt3A_261 = arith.constant 0 : i32
      %gt3A_262 = arith.cmpi sgt, %scan3A_86, %gt3A_261 : i32
      %convert_element_type3A_263 = arith.extui %gt3A_262 : i1 to i32
      %cond3A_264 = arith.constant 0 : i32
      %cond3A_265 = arith.cmpi ne, %convert_element_type3A_263, %cond3A_264 : i32
      scf.if %cond3A_265 {
        %sub3A = arith.constant 6 : i32
        %sub3A_384 = arith.subi %add3A_238, %sub3A : i32
        %mul3A_385 = arith.constant 16 : i32
        %mul3A_386 = arith.muli %sub3A_384, %mul3A_385 : i32
        %add3A_387 = arith.addi %mul3A_2, %mul3A_386 : i32
        %dma_wait3A_388 = arith.constant 0 : i32
        %dma_wait3A_389 = tpu.memref_slice %arg6[%add3A_387, %dma_wait3A_388] : memref<65536x768xf32, #tpu.memory_space<hbm>> -> memref<16x768xf32, #tpu.memory_space<hbm>>
        %dma_wait3A_390 = arith.constant 0 : i32
        %dma_wait3A_391 = tpu.memref_slice %arg6[%add3A_387, %dma_wait3A_390] : memref<65536x768xf32, #tpu.memory_space<hbm>> -> memref<16x768xf32, #tpu.memory_space<hbm>>
        tpu.wait_dma2 semaphore(%arg27 : memref<!tpu.dma_semaphore, #tpu.memory_space<semaphore_mem>>) src(%arg15 : memref<16x768xf32, #tpu.memory_space<vmem>>) dst(%dma_wait3A_391 : memref<16x768xf32, #tpu.memory_space<hbm>>)
      } else {
      }
      %mul3A_266 = arith.constant 16 : i32
      %mul3A_267 = arith.muli %add3A_238, %mul3A_266 : i32
      %add3A_268 = arith.constant 0 : i32
      %add3A_269 = arith.addi %mul3A_267, %add3A_268 : i32
      %get3A_270 = arith.index_cast %add3A_269 : i32 to index
      %get3A_271 = tpu.vector_load %arg9[%get3A_270] {strides = array<i32>} : memref<2048xi32, #tpu.memory_space<vmem>>, vector<16xi32>,
      %shift_right_arithmetic3A_272 = arith.constant 5 : i32
      %shift_right_arithmetic3A_273 = vector.broadcast %shift_right_arithmetic3A_272 : i32 to vector<16xi32>
      %shift_right_arithmetic3A_274 = arith.shrsi %get3A_271, %shift_right_arithmetic3A_273 : vector<16xi32>
      %mul3A_275 = arith.constant 768 : i32
      %mul3A_276 = vector.broadcast %mul3A_275 : i32 to vector<16xi32>
      %mul3A_277 = arith.muli %shift_right_arithmetic3A_274, %mul3A_276 : vector<16xi32>
      %and3A_278 = arith.constant 31 : i32
      %and3A_279 = vector.broadcast %and3A_278 : i32 to vector<16xi32>
      %and3A_280 = arith.andi %get3A_271, %and3A_279 : vector<16xi32>
      %mul3A_281 = arith.constant 768 : i32
      %mul3A_282 = vector.broadcast %mul3A_281 : i32 to vector<16xi32>
      %mul3A_283 = arith.muli %and3A_280, %mul3A_282 : vector<16xi32>
      %slice3A_284 = vector.extract_strided_slice %mul3A_277 {offsets = [0], sizes = [1], strides = [1]} : vector<16xi32> to vector<1xi32>
      %squeeze3A_285 = vector.extract %slice3A_284[0] : i32 from vector<1xi32>
      %slice3A_286 = vector.extract_strided_slice %mul3A_277 {offsets = [1], sizes = [1], strides = [1]} : vector<16xi32> to vector<1xi32>
      %squeeze3A_287 = vector.extract %slice3A_286[0] : i32 from vector<1xi32>
      %slice3A_288 = vector.extract_strided_slice %mul3A_277 {offsets = [2], sizes = [1], strides = [1]} : vector<16xi32> to vector<1xi32>
      %squeeze3A_289 = vector.extract %slice3A_288[0] : i32 from vector<1xi32>
      %slice3A_290 = vector.extract_strided_slice %mul3A_277 {offsets = [3], sizes = [1], strides = [1]} : vector<16xi32> to vector<1xi32>
      %squeeze3A_291 = vector.extract %slice3A_290[0] : i32 from vector<1xi32>
      %slice3A_292 = vector.extract_strided_slice %mul3A_277 {offsets = [4], sizes = [1], strides = [1]} : vector<16xi32> to vector<1xi32>
      %squeeze3A_293 = vector.extract %slice3A_292[0] : i32 from vector<1xi32>
      %slice3A_294 = vector.extract_strided_slice %mul3A_277 {offsets = [5], sizes = [1], strides = [1]} : vector<16xi32> to vector<1xi32>
      %squeeze3A_295 = vector.extract %slice3A_294[0] : i32 from vector<1xi32>
      %slice3A_296 = vector.extract_strided_slice %mul3A_277 {offsets = [6], sizes = [1], strides = [1]} : vector<16xi32> to vector<1xi32>
      %squeeze3A_297 = vector.extract %slice3A_296[0] : i32 from vector<1xi32>
      %slice3A_298 = vector.extract_strided_slice %mul3A_277 {offsets = [7], sizes = [1], strides = [1]} : vector<16xi32> to vector<1xi32>
      %squeeze3A_299 = vector.extract %slice3A_298[0] : i32 from vector<1xi32>
      %slice3A_300 = vector.extract_strided_slice %mul3A_277 {offsets = [8], sizes = [1], strides = [1]} : vector<16xi32> to vector<1xi32>
      %squeeze3A_301 = vector.extract %slice3A_300[0] : i32 from vector<1xi32>
      %slice3A_302 = vector.extract_strided_slice %mul3A_277 {offsets = [9], sizes = [1], strides = [1]} : vector<16xi32> to vector<1xi32>
      %squeeze3A_303 = vector.extract %slice3A_302[0] : i32 from vector<1xi32>
      %slice3A_304 = vector.extract_strided_slice %mul3A_277 {offsets = [10], sizes = [1], strides = [1]} : vector<16xi32> to vector<1xi32>
      %squeeze3A_305 = vector.extract %slice3A_304[0] : i32 from vector<1xi32>
      %slice3A_306 = vector.extract_strided_slice %mul3A_277 {offsets = [11], sizes = [1], strides = [1]} : vector<16xi32> to vector<1xi32>
      %squeeze3A_307 = vector.extract %slice3A_306[0] : i32 from vector<1xi32>
      %slice3A_308 = vector.extract_strided_slice %mul3A_277 {offsets = [12], sizes = [1], strides = [1]} : vector<16xi32> to vector<1xi32>
      %squeeze3A_309 = vector.extract %slice3A_308[0] : i32 from vector<1xi32>
      %slice3A_310 = vector.extract_strided_slice %mul3A_277 {offsets = [13], sizes = [1], strides = [1]} : vector<16xi32> to vector<1xi32>
      %squeeze3A_311 = vector.extract %slice3A_310[0] : i32 from vector<1xi32>
      %slice3A_312 = vector.extract_strided_slice %mul3A_277 {offsets = [14], sizes = [1], strides = [1]} : vector<16xi32> to vector<1xi32>
      %squeeze3A_313 = vector.extract %slice3A_312[0] : i32 from vector<1xi32>
      %slice3A_314 = vector.extract_strided_slice %mul3A_277 {offsets = [15], sizes = [1], strides = [1]} : vector<16xi32> to vector<1xi32>
      %squeeze3A_315 = vector.extract %slice3A_314[0] : i32 from vector<1xi32>
      %slice3A_316 = vector.extract_strided_slice %mul3A_283 {offsets = [0], sizes = [1], strides = [1]} : vector<16xi32> to vector<1xi32>
      %squeeze3A_317 = vector.extract %slice3A_316[0] : i32 from vector<1xi32>
      %slice3A_318 = vector.extract_strided_slice %mul3A_283 {offsets = [1], sizes = [1], strides = [1]} : vector<16xi32> to vector<1xi32>
      %squeeze3A_319 = vector.extract %slice3A_318[0] : i32 from vector<1xi32>
      %slice3A_320 = vector.extract_strided_slice %mul3A_283 {offsets = [2], sizes = [1], strides = [1]} : vector<16xi32> to vector<1xi32>
      %squeeze3A_321 = vector.extract %slice3A_320[0] : i32 from vector<1xi32>
      %slice3A_322 = vector.extract_strided_slice %mul3A_283 {offsets = [3], sizes = [1], strides = [1]} : vector<16xi32> to vector<1xi32>
      %squeeze3A_323 = vector.extract %slice3A_322[0] : i32 from vector<1xi32>
      %slice3A_324 = vector.extract_strided_slice %mul3A_283 {offsets = [4], sizes = [1], strides = [1]} : vector<16xi32> to vector<1xi32>
      %squeeze3A_325 = vector.extract %slice3A_324[0] : i32 from vector<1xi32>
      %slice3A_326 = vector.extract_strided_slice %mul3A_283 {offsets = [5], sizes = [1], strides = [1]} : vector<16xi32> to vector<1xi32>
      %squeeze3A_327 = vector.extract %slice3A_326[0] : i32 from vector<1xi32>
      %slice3A_328 = vector.extract_strided_slice %mul3A_283 {offsets = [6], sizes = [1], strides = [1]} : vector<16xi32> to vector<1xi32>
      %squeeze3A_329 = vector.extract %slice3A_328[0] : i32 from vector<1xi32>
      %slice3A_330 = vector.extract_strided_slice %mul3A_283 {offsets = [7], sizes = [1], strides = [1]} : vector<16xi32> to vector<1xi32>
      %squeeze3A_331 = vector.extract %slice3A_330[0] : i32 from vector<1xi32>
      %slice3A_332 = vector.extract_strided_slice %mul3A_283 {offsets = [8], sizes = [1], strides = [1]} : vector<16xi32> to vector<1xi32>
      %squeeze3A_333 = vector.extract %slice3A_332[0] : i32 from vector<1xi32>
      %slice3A_334 = vector.extract_strided_slice %mul3A_283 {offsets = [9], sizes = [1], strides = [1]} : vector<16xi32> to vector<1xi32>
      %squeeze3A_335 = vector.extract %slice3A_334[0] : i32 from vector<1xi32>
      %slice3A_336 = vector.extract_strided_slice %mul3A_283 {offsets = [10], sizes = [1], strides = [1]} : vector<16xi32> to vector<1xi32>
      %squeeze3A_337 = vector.extract %slice3A_336[0] : i32 from vector<1xi32>
      %slice3A_338 = vector.extract_strided_slice %mul3A_283 {offsets = [11], sizes = [1], strides = [1]} : vector<16xi32> to vector<1xi32>
      %squeeze3A_339 = vector.extract %slice3A_338[0] : i32 from vector<1xi32>
      %slice3A_340 = vector.extract_strided_slice %mul3A_283 {offsets = [12], sizes = [1], strides = [1]} : vector<16xi32> to vector<1xi32>
      %squeeze3A_341 = vector.extract %slice3A_340[0] : i32 from vector<1xi32>
      %slice3A_342 = vector.extract_strided_slice %mul3A_283 {offsets = [13], sizes = [1], strides = [1]} : vector<16xi32> to vector<1xi32>
      %squeeze3A_343 = vector.extract %slice3A_342[0] : i32 from vector<1xi32>
      %slice3A_344 = vector.extract_strided_slice %mul3A_283 {offsets = [14], sizes = [1], strides = [1]} : vector<16xi32> to vector<1xi32>
      %squeeze3A_345 = vector.extract %slice3A_344[0] : i32 from vector<1xi32>
      %slice3A_346 = vector.extract_strided_slice %mul3A_283 {offsets = [15], sizes = [1], strides = [1]} : vector<16xi32> to vector<1xi32>
      %squeeze3A_347 = vector.extract %slice3A_346[0] : i32 from vector<1xi32>
      %parallel_loop3A_348 = arith.constant 0 : i32
      %parallel_loop3A_349 = arith.constant 768 : i32
      %parallel_loop3A_350 = arith.constant 16 : i32
      scf.for %parallel_loop3A_384 = %parallel_loop3A_348 to %parallel_loop3A_349 step %parallel_loop3A_350  : i32 {
        %parallel_loop3A_385 = arith.addi %squeeze3A_285, %parallel_loop3A_384 : i32
        %parallel_loop3A_386 = arith.index_cast %parallel_loop3A_385 : i32 to index
        %parallel_loop3A_387 = tpu.vector_load %arg7[%parallel_loop3A_386] {strides = array<i32>} : memref<24576xf32, #tpu.memory_space<vmem>>, vector<16xf32>,
        %parallel_loop3A_388 = arith.addi %squeeze3A_317, %parallel_loop3A_384 : i32
        %parallel_loop3A_389 = arith.index_cast %parallel_loop3A_388 : i32 to index
        %parallel_loop3A_390 = tpu.vector_load %arg8[%parallel_loop3A_389] {strides = array<i32>} : memref<24576xf32, #tpu.memory_space<vmem>>, vector<16xf32>,
        %parallel_loop3A_391 = arith.addf %parallel_loop3A_387, %parallel_loop3A_390 : vector<16xf32>
        %parallel_loop3A_392 = arith.constant 0 : i32
        %parallel_loop3A_393 = arith.index_cast %parallel_loop3A_392 : i32 to index
        %parallel_loop3A_394 = arith.index_cast %parallel_loop3A_384 : i32 to index
        %parallel_loop3A_395 = tpu.vector_load %arg15[%parallel_loop3A_393, %parallel_loop3A_394] {strides = array<i32>} : memref<16x768xf32, #tpu.memory_space<vmem>>, vector<16xf32>,
        tpu.vector_store %arg15[%parallel_loop3A_393, %parallel_loop3A_394], %parallel_loop3A_391 {strides = array<i32>} : memref<16x768xf32, #tpu.memory_space<vmem>>, vector<16xf32>,
        %parallel_loop3A_396 = arith.addi %squeeze3A_287, %parallel_loop3A_384 : i32
        %parallel_loop3A_397 = arith.index_cast %parallel_loop3A_396 : i32 to index
        %parallel_loop3A_398 = tpu.vector_load %arg7[%parallel_loop3A_397] {strides = array<i32>} : memref<24576xf32, #tpu.memory_space<vmem>>, vector<16xf32>,
        %parallel_loop3A_399 = arith.addi %squeeze3A_319, %parallel_loop3A_384 : i32
        %parallel_loop3A_400 = arith.index_cast %parallel_loop3A_399 : i32 to index
        %parallel_loop3A_401 = tpu.vector_load %arg8[%parallel_loop3A_400] {strides = array<i32>} : memref<24576xf32, #tpu.memory_space<vmem>>, vector<16xf32>,
        %parallel_loop3A_402 = arith.addf %parallel_loop3A_398, %parallel_loop3A_401 : vector<16xf32>
        %parallel_loop3A_403 = arith.constant 1 : i32
        %parallel_loop3A_404 = arith.index_cast %parallel_loop3A_403 : i32 to index
        %parallel_loop3A_405 = arith.index_cast %parallel_loop3A_384 : i32 to index
        %parallel_loop3A_406 = tpu.vector_load %arg15[%parallel_loop3A_404, %parallel_loop3A_405] {strides = array<i32>} : memref<16x768xf32, #tpu.memory_space<vmem>>, vector<16xf32>,
        tpu.vector_store %arg15[%parallel_loop3A_404, %parallel_loop3A_405], %parallel_loop3A_402 {strides = array<i32>} : memref<16x768xf32, #tpu.memory_space<vmem>>, vector<16xf32>,
        %parallel_loop3A_407 = arith.addi %squeeze3A_289, %parallel_loop3A_384 : i32
        %parallel_loop3A_408 = arith.index_cast %parallel_loop3A_407 : i32 to index
        %parallel_loop3A_409 = tpu.vector_load %arg7[%parallel_loop3A_408] {strides = array<i32>} : memref<24576xf32, #tpu.memory_space<vmem>>, vector<16xf32>,
        %parallel_loop3A_410 = arith.addi %squeeze3A_321, %parallel_loop3A_384 : i32
        %parallel_loop3A_411 = arith.index_cast %parallel_loop3A_410 : i32 to index
        %parallel_loop3A_412 = tpu.vector_load %arg8[%parallel_loop3A_411] {strides = array<i32>} : memref<24576xf32, #tpu.memory_space<vmem>>, vector<16xf32>,
        %parallel_loop3A_413 = arith.addf %parallel_loop3A_409, %parallel_loop3A_412 : vector<16xf32>
        %parallel_loop3A_414 = arith.constant 2 : i32
        %parallel_loop3A_415 = arith.index_cast %parallel_loop3A_414 : i32 to index
        %parallel_loop3A_416 = arith.index_cast %parallel_loop3A_384 : i32 to index
        %parallel_loop3A_417 = tpu.vector_load %arg15[%parallel_loop3A_415, %parallel_loop3A_416] {strides = array<i32>} : memref<16x768xf32, #tpu.memory_space<vmem>>, vector<16xf32>,
        tpu.vector_store %arg15[%parallel_loop3A_415, %parallel_loop3A_416], %parallel_loop3A_413 {strides = array<i32>} : memref<16x768xf32, #tpu.memory_space<vmem>>, vector<16xf32>,
        %parallel_loop3A_418 = arith.addi %squeeze3A_291, %parallel_loop3A_384 : i32
        %parallel_loop3A_419 = arith.index_cast %parallel_loop3A_418 : i32 to index
        %parallel_loop3A_420 = tpu.vector_load %arg7[%parallel_loop3A_419] {strides = array<i32>} : memref<24576xf32, #tpu.memory_space<vmem>>, vector<16xf32>,
        %parallel_loop3A_421 = arith.addi %squeeze3A_323, %parallel_loop3A_384 : i32
        %parallel_loop3A_422 = arith.index_cast %parallel_loop3A_421 : i32 to index
        %parallel_loop3A_423 = tpu.vector_load %arg8[%parallel_loop3A_422] {strides = array<i32>} : memref<24576xf32, #tpu.memory_space<vmem>>, vector<16xf32>,
        %parallel_loop3A_424 = arith.addf %parallel_loop3A_420, %parallel_loop3A_423 : vector<16xf32>
        %parallel_loop3A_425 = arith.constant 3 : i32
        %parallel_loop3A_426 = arith.index_cast %parallel_loop3A_425 : i32 to index
        %parallel_loop3A_427 = arith.index_cast %parallel_loop3A_384 : i32 to index
        %parallel_loop3A_428 = tpu.vector_load %arg15[%parallel_loop3A_426, %parallel_loop3A_427] {strides = array<i32>} : memref<16x768xf32, #tpu.memory_space<vmem>>, vector<16xf32>,
        tpu.vector_store %arg15[%parallel_loop3A_426, %parallel_loop3A_427], %parallel_loop3A_424 {strides = array<i32>} : memref<16x768xf32, #tpu.memory_space<vmem>>, vector<16xf32>,
        %parallel_loop3A_429 = arith.addi %squeeze3A_293, %parallel_loop3A_384 : i32
        %parallel_loop3A_430 = arith.index_cast %parallel_loop3A_429 : i32 to index
        %parallel_loop3A_431 = tpu.vector_load %arg7[%parallel_loop3A_430] {strides = array<i32>} : memref<24576xf32, #tpu.memory_space<vmem>>, vector<16xf32>,
        %parallel_loop3A_432 = arith.addi %squeeze3A_325, %parallel_loop3A_384 : i32
        %parallel_loop3A_433 = arith.index_cast %parallel_loop3A_432 : i32 to index
        %parallel_loop3A_434 = tpu.vector_load %arg8[%parallel_loop3A_433] {strides = array<i32>} : memref<24576xf32, #tpu.memory_space<vmem>>, vector<16xf32>,
        %parallel_loop3A_435 = arith.addf %parallel_loop3A_431, %parallel_loop3A_434 : vector<16xf32>
        %parallel_loop3A_436 = arith.constant 4 : i32
        %parallel_loop3A_437 = arith.index_cast %parallel_loop3A_436 : i32 to index
        %parallel_loop3A_438 = arith.index_cast %parallel_loop3A_384 : i32 to index
        %parallel_loop3A_439 = tpu.vector_load %arg15[%parallel_loop3A_437, %parallel_loop3A_438] {strides = array<i32>} : memref<16x768xf32, #tpu.memory_space<vmem>>, vector<16xf32>,
        tpu.vector_store %arg15[%parallel_loop3A_437, %parallel_loop3A_438], %parallel_loop3A_435 {strides = array<i32>} : memref<16x768xf32, #tpu.memory_space<vmem>>, vector<16xf32>,
        %parallel_loop3A_440 = arith.addi %squeeze3A_295, %parallel_loop3A_384 : i32
        %parallel_loop3A_441 = arith.index_cast %parallel_loop3A_440 : i32 to index
        %parallel_loop3A_442 = tpu.vector_load %arg7[%parallel_loop3A_441] {strides = array<i32>} : memref<24576xf32, #tpu.memory_space<vmem>>, vector<16xf32>,
        %parallel_loop3A_443 = arith.addi %squeeze3A_327, %parallel_loop3A_384 : i32
        %parallel_loop3A_444 = arith.index_cast %parallel_loop3A_443 : i32 to index
        %parallel_loop3A_445 = tpu.vector_load %arg8[%parallel_loop3A_444] {strides = array<i32>} : memref<24576xf32, #tpu.memory_space<vmem>>, vector<16xf32>,
        %parallel_loop3A_446 = arith.addf %parallel_loop3A_442, %parallel_loop3A_445 : vector<16xf32>
        %parallel_loop3A_447 = arith.constant 5 : i32
        %parallel_loop3A_448 = arith.index_cast %parallel_loop3A_447 : i32 to index
        %parallel_loop3A_449 = arith.index_cast %parallel_loop3A_384 : i32 to index
        %parallel_loop3A_450 = tpu.vector_load %arg15[%parallel_loop3A_448, %parallel_loop3A_449] {strides = array<i32>} : memref<16x768xf32, #tpu.memory_space<vmem>>, vector<16xf32>,
        tpu.vector_store %arg15[%parallel_loop3A_448, %parallel_loop3A_449], %parallel_loop3A_446 {strides = array<i32>} : memref<16x768xf32, #tpu.memory_space<vmem>>, vector<16xf32>,
        %parallel_loop3A_451 = arith.addi %squeeze3A_297, %parallel_loop3A_384 : i32
        %parallel_loop3A_452 = arith.index_cast %parallel_loop3A_451 : i32 to index
        %parallel_loop3A_453 = tpu.vector_load %arg7[%parallel_loop3A_452] {strides = array<i32>} : memref<24576xf32, #tpu.memory_space<vmem>>, vector<16xf32>,
        %parallel_loop3A_454 = arith.addi %squeeze3A_329, %parallel_loop3A_384 : i32
        %parallel_loop3A_455 = arith.index_cast %parallel_loop3A_454 : i32 to index
        %parallel_loop3A_456 = tpu.vector_load %arg8[%parallel_loop3A_455] {strides = array<i32>} : memref<24576xf32, #tpu.memory_space<vmem>>, vector<16xf32>,
        %parallel_loop3A_457 = arith.addf %parallel_loop3A_453, %parallel_loop3A_456 : vector<16xf32>
        %parallel_loop3A_458 = arith.constant 6 : i32
        %parallel_loop3A_459 = arith.index_cast %parallel_loop3A_458 : i32 to index
        %parallel_loop3A_460 = arith.index_cast %parallel_loop3A_384 : i32 to index
        %parallel_loop3A_461 = tpu.vector_load %arg15[%parallel_loop3A_459, %parallel_loop3A_460] {strides = array<i32>} : memref<16x768xf32, #tpu.memory_space<vmem>>, vector<16xf32>,
        tpu.vector_store %arg15[%parallel_loop3A_459, %parallel_loop3A_460], %parallel_loop3A_457 {strides = array<i32>} : memref<16x768xf32, #tpu.memory_space<vmem>>, vector<16xf32>,
        %parallel_loop3A_462 = arith.addi %squeeze3A_299, %parallel_loop3A_384 : i32
        %parallel_loop3A_463 = arith.index_cast %parallel_loop3A_462 : i32 to index
        %parallel_loop3A_464 = tpu.vector_load %arg7[%parallel_loop3A_463] {strides = array<i32>} : memref<24576xf32, #tpu.memory_space<vmem>>, vector<16xf32>,
        %parallel_loop3A_465 = arith.addi %squeeze3A_331, %parallel_loop3A_384 : i32
        %parallel_loop3A_466 = arith.index_cast %parallel_loop3A_465 : i32 to index
        %parallel_loop3A_467 = tpu.vector_load %arg8[%parallel_loop3A_466] {strides = array<i32>} : memref<24576xf32, #tpu.memory_space<vmem>>, vector<16xf32>,
        %parallel_loop3A_468 = arith.addf %parallel_loop3A_464, %parallel_loop3A_467 : vector<16xf32>
        %parallel_loop3A_469 = arith.constant 7 : i32
        %parallel_loop3A_470 = arith.index_cast %parallel_loop3A_469 : i32 to index
        %parallel_loop3A_471 = arith.index_cast %parallel_loop3A_384 : i32 to index
        %parallel_loop3A_472 = tpu.vector_load %arg15[%parallel_loop3A_470, %parallel_loop3A_471] {strides = array<i32>} : memref<16x768xf32, #tpu.memory_space<vmem>>, vector<16xf32>,
        tpu.vector_store %arg15[%parallel_loop3A_470, %parallel_loop3A_471], %parallel_loop3A_468 {strides = array<i32>} : memref<16x768xf32, #tpu.memory_space<vmem>>, vector<16xf32>,
        %parallel_loop3A_473 = arith.addi %squeeze3A_301, %parallel_loop3A_384 : i32
        %parallel_loop3A_474 = arith.index_cast %parallel_loop3A_473 : i32 to index
        %parallel_loop3A_475 = tpu.vector_load %arg7[%parallel_loop3A_474] {strides = array<i32>} : memref<24576xf32, #tpu.memory_space<vmem>>, vector<16xf32>,
        %parallel_loop3A_476 = arith.addi %squeeze3A_333, %parallel_loop3A_384 : i32
        %parallel_loop3A_477 = arith.index_cast %parallel_loop3A_476 : i32 to index
        %parallel_loop3A_478 = tpu.vector_load %arg8[%parallel_loop3A_477] {strides = array<i32>} : memref<24576xf32, #tpu.memory_space<vmem>>, vector<16xf32>,
        %parallel_loop3A_479 = arith.addf %parallel_loop3A_475, %parallel_loop3A_478 : vector<16xf32>
        %parallel_loop3A_480 = arith.constant 8 : i32
        %parallel_loop3A_481 = arith.index_cast %parallel_loop3A_480 : i32 to index
        %parallel_loop3A_482 = arith.index_cast %parallel_loop3A_384 : i32 to index
        %parallel_loop3A_483 = tpu.vector_load %arg15[%parallel_loop3A_481, %parallel_loop3A_482] {strides = array<i32>} : memref<16x768xf32, #tpu.memory_space<vmem>>, vector<16xf32>,
        tpu.vector_store %arg15[%parallel_loop3A_481, %parallel_loop3A_482], %parallel_loop3A_479 {strides = array<i32>} : memref<16x768xf32, #tpu.memory_space<vmem>>, vector<16xf32>,
        %parallel_loop3A_484 = arith.addi %squeeze3A_303, %parallel_loop3A_384 : i32
        %parallel_loop3A_485 = arith.index_cast %parallel_loop3A_484 : i32 to index
        %parallel_loop3A_486 = tpu.vector_load %arg7[%parallel_loop3A_485] {strides = array<i32>} : memref<24576xf32, #tpu.memory_space<vmem>>, vector<16xf32>,
        %parallel_loop3A_487 = arith.addi %squeeze3A_335, %parallel_loop3A_384 : i32
        %parallel_loop3A_488 = arith.index_cast %parallel_loop3A_487 : i32 to index
        %parallel_loop3A_489 = tpu.vector_load %arg8[%parallel_loop3A_488] {strides = array<i32>} : memref<24576xf32, #tpu.memory_space<vmem>>, vector<16xf32>,
        %parallel_loop3A_490 = arith.addf %parallel_loop3A_486, %parallel_loop3A_489 : vector<16xf32>
        %parallel_loop3A_491 = arith.constant 9 : i32
        %parallel_loop3A_492 = arith.index_cast %parallel_loop3A_491 : i32 to index
        %parallel_loop3A_493 = arith.index_cast %parallel_loop3A_384 : i32 to index
        %parallel_loop3A_494 = tpu.vector_load %arg15[%parallel_loop3A_492, %parallel_loop3A_493] {strides = array<i32>} : memref<16x768xf32, #tpu.memory_space<vmem>>, vector<16xf32>,
        tpu.vector_store %arg15[%parallel_loop3A_492, %parallel_loop3A_493], %parallel_loop3A_490 {strides = array<i32>} : memref<16x768xf32, #tpu.memory_space<vmem>>, vector<16xf32>,
        %parallel_loop3A_495 = arith.addi %squeeze3A_305, %parallel_loop3A_384 : i32
        %parallel_loop3A_496 = arith.index_cast %parallel_loop3A_495 : i32 to index
        %parallel_loop3A_497 = tpu.vector_load %arg7[%parallel_loop3A_496] {strides = array<i32>} : memref<24576xf32, #tpu.memory_space<vmem>>, vector<16xf32>,
        %parallel_loop3A_498 = arith.addi %squeeze3A_337, %parallel_loop3A_384 : i32
        %parallel_loop3A_499 = arith.index_cast %parallel_loop3A_498 : i32 to index
        %parallel_loop3A_500 = tpu.vector_load %arg8[%parallel_loop3A_499] {strides = array<i32>} : memref<24576xf32, #tpu.memory_space<vmem>>, vector<16xf32>,
        %parallel_loop3A_501 = arith.addf %parallel_loop3A_497, %parallel_loop3A_500 : vector<16xf32>
        %parallel_loop3A_502 = arith.constant 10 : i32
        %parallel_loop3A_503 = arith.index_cast %parallel_loop3A_502 : i32 to index
        %parallel_loop3A_504 = arith.index_cast %parallel_loop3A_384 : i32 to index
        %parallel_loop3A_505 = tpu.vector_load %arg15[%parallel_loop3A_503, %parallel_loop3A_504] {strides = array<i32>} : memref<16x768xf32, #tpu.memory_space<vmem>>, vector<16xf32>,
        tpu.vector_store %arg15[%parallel_loop3A_503, %parallel_loop3A_504], %parallel_loop3A_501 {strides = array<i32>} : memref<16x768xf32, #tpu.memory_space<vmem>>, vector<16xf32>,
        %parallel_loop3A_506 = arith.addi %squeeze3A_307, %parallel_loop3A_384 : i32
        %parallel_loop3A_507 = arith.index_cast %parallel_loop3A_506 : i32 to index
        %parallel_loop3A_508 = tpu.vector_load %arg7[%parallel_loop3A_507] {strides = array<i32>} : memref<24576xf32, #tpu.memory_space<vmem>>, vector<16xf32>,
        %parallel_loop3A_509 = arith.addi %squeeze3A_339, %parallel_loop3A_384 : i32
        %parallel_loop3A_510 = arith.index_cast %parallel_loop3A_509 : i32 to index
        %parallel_loop3A_511 = tpu.vector_load %arg8[%parallel_loop3A_510] {strides = array<i32>} : memref<24576xf32, #tpu.memory_space<vmem>>, vector<16xf32>,
        %parallel_loop3A_512 = arith.addf %parallel_loop3A_508, %parallel_loop3A_511 : vector<16xf32>
        %parallel_loop3A_513 = arith.constant 11 : i32
        %parallel_loop3A_514 = arith.index_cast %parallel_loop3A_513 : i32 to index
        %parallel_loop3A_515 = arith.index_cast %parallel_loop3A_384 : i32 to index
        %parallel_loop3A_516 = tpu.vector_load %arg15[%parallel_loop3A_514, %parallel_loop3A_515] {strides = array<i32>} : memref<16x768xf32, #tpu.memory_space<vmem>>, vector<16xf32>,
        tpu.vector_store %arg15[%parallel_loop3A_514, %parallel_loop3A_515], %parallel_loop3A_512 {strides = array<i32>} : memref<16x768xf32, #tpu.memory_space<vmem>>, vector<16xf32>,
        %parallel_loop3A_517 = arith.addi %squeeze3A_309, %parallel_loop3A_384 : i32
        %parallel_loop3A_518 = arith.index_cast %parallel_loop3A_517 : i32 to index
        %parallel_loop3A_519 = tpu.vector_load %arg7[%parallel_loop3A_518] {strides = array<i32>} : memref<24576xf32, #tpu.memory_space<vmem>>, vector<16xf32>,
        %parallel_loop3A_520 = arith.addi %squeeze3A_341, %parallel_loop3A_384 : i32
        %parallel_loop3A_521 = arith.index_cast %parallel_loop3A_520 : i32 to index
        %parallel_loop3A_522 = tpu.vector_load %arg8[%parallel_loop3A_521] {strides = array<i32>} : memref<24576xf32, #tpu.memory_space<vmem>>, vector<16xf32>,
        %parallel_loop3A_523 = arith.addf %parallel_loop3A_519, %parallel_loop3A_522 : vector<16xf32>
        %parallel_loop3A_524 = arith.constant 12 : i32
        %parallel_loop3A_525 = arith.index_cast %parallel_loop3A_524 : i32 to index
        %parallel_loop3A_526 = arith.index_cast %parallel_loop3A_384 : i32 to index
        %parallel_loop3A_527 = tpu.vector_load %arg15[%parallel_loop3A_525, %parallel_loop3A_526] {strides = array<i32>} : memref<16x768xf32, #tpu.memory_space<vmem>>, vector<16xf32>,
        tpu.vector_store %arg15[%parallel_loop3A_525, %parallel_loop3A_526], %parallel_loop3A_523 {strides = array<i32>} : memref<16x768xf32, #tpu.memory_space<vmem>>, vector<16xf32>,
        %parallel_loop3A_528 = arith.addi %squeeze3A_311, %parallel_loop3A_384 : i32
        %parallel_loop3A_529 = arith.index_cast %parallel_loop3A_528 : i32 to index
        %parallel_loop3A_530 = tpu.vector_load %arg7[%parallel_loop3A_529] {strides = array<i32>} : memref<24576xf32, #tpu.memory_space<vmem>>, vector<16xf32>,
        %parallel_loop3A_531 = arith.addi %squeeze3A_343, %parallel_loop3A_384 : i32
        %parallel_loop3A_532 = arith.index_cast %parallel_loop3A_531 : i32 to index
        %parallel_loop3A_533 = tpu.vector_load %arg8[%parallel_loop3A_532] {strides = array<i32>} : memref<24576xf32, #tpu.memory_space<vmem>>, vector<16xf32>,
        %parallel_loop3A_534 = arith.addf %parallel_loop3A_530, %parallel_loop3A_533 : vector<16xf32>
        %parallel_loop3A_535 = arith.constant 13 : i32
        %parallel_loop3A_536 = arith.index_cast %parallel_loop3A_535 : i32 to index
        %parallel_loop3A_537 = arith.index_cast %parallel_loop3A_384 : i32 to index
        %parallel_loop3A_538 = tpu.vector_load %arg15[%parallel_loop3A_536, %parallel_loop3A_537] {strides = array<i32>} : memref<16x768xf32, #tpu.memory_space<vmem>>, vector<16xf32>,
        tpu.vector_store %arg15[%parallel_loop3A_536, %parallel_loop3A_537], %parallel_loop3A_534 {strides = array<i32>} : memref<16x768xf32, #tpu.memory_space<vmem>>, vector<16xf32>,
        %parallel_loop3A_539 = arith.addi %squeeze3A_313, %parallel_loop3A_384 : i32
        %parallel_loop3A_540 = arith.index_cast %parallel_loop3A_539 : i32 to index
        %parallel_loop3A_541 = tpu.vector_load %arg7[%parallel_loop3A_540] {strides = array<i32>} : memref<24576xf32, #tpu.memory_space<vmem>>, vector<16xf32>,
        %parallel_loop3A_542 = arith.addi %squeeze3A_345, %parallel_loop3A_384 : i32
        %parallel_loop3A_543 = arith.index_cast %parallel_loop3A_542 : i32 to index
        %parallel_loop3A_544 = tpu.vector_load %arg8[%parallel_loop3A_543] {strides = array<i32>} : memref<24576xf32, #tpu.memory_space<vmem>>, vector<16xf32>,
        %parallel_loop3A_545 = arith.addf %parallel_loop3A_541, %parallel_loop3A_544 : vector<16xf32>
        %parallel_loop3A_546 = arith.constant 14 : i32
        %parallel_loop3A_547 = arith.index_cast %parallel_loop3A_546 : i32 to index
        %parallel_loop3A_548 = arith.index_cast %parallel_loop3A_384 : i32 to index
        %parallel_loop3A_549 = tpu.vector_load %arg15[%parallel_loop3A_547, %parallel_loop3A_548] {strides = array<i32>} : memref<16x768xf32, #tpu.memory_space<vmem>>, vector<16xf32>,
        tpu.vector_store %arg15[%parallel_loop3A_547, %parallel_loop3A_548], %parallel_loop3A_545 {strides = array<i32>} : memref<16x768xf32, #tpu.memory_space<vmem>>, vector<16xf32>,
        %parallel_loop3A_550 = arith.addi %squeeze3A_315, %parallel_loop3A_384 : i32
        %parallel_loop3A_551 = arith.index_cast %parallel_loop3A_550 : i32 to index
        %parallel_loop3A_552 = tpu.vector_load %arg7[%parallel_loop3A_551] {strides = array<i32>} : memref<24576xf32, #tpu.memory_space<vmem>>, vector<16xf32>,
        %parallel_loop3A_553 = arith.addi %squeeze3A_347, %parallel_loop3A_384 : i32
        %parallel_loop3A_554 = arith.index_cast %parallel_loop3A_553 : i32 to index
        %parallel_loop3A_555 = tpu.vector_load %arg8[%parallel_loop3A_554] {strides = array<i32>} : memref<24576xf32, #tpu.memory_space<vmem>>, vector<16xf32>,
        %parallel_loop3A_556 = arith.addf %parallel_loop3A_552, %parallel_loop3A_555 : vector<16xf32>
        %parallel_loop3A_557 = arith.constant 15 : i32
        %parallel_loop3A_558 = arith.index_cast %parallel_loop3A_557 : i32 to index
        %parallel_loop3A_559 = arith.index_cast %parallel_loop3A_384 : i32 to index
        %parallel_loop3A_560 = tpu.vector_load %arg15[%parallel_loop3A_558, %parallel_loop3A_559] {strides = array<i32>} : memref<16x768xf32, #tpu.memory_space<vmem>>, vector<16xf32>,
        tpu.vector_store %arg15[%parallel_loop3A_558, %parallel_loop3A_559], %parallel_loop3A_556 {strides = array<i32>} : memref<16x768xf32, #tpu.memory_space<vmem>>, vector<16xf32>,
      } {sc.loop_unroll_factor = 6 : i64, sc.parallel_access}
      %mul3A_351 = arith.constant 16 : i32
      %mul3A_352 = arith.muli %add3A_234, %mul3A_351 : i32
      %dma_wait3A_353 = tpu.memref_slice %arg9[%mul3A_352] : memref<2048xi32, #tpu.memory_space<vmem>> -> memref<16xi32, #tpu.memory_space<vmem>>
      %dma_wait3A_354 = arith.constant 0 : i32
      %dma_wait3A_355 = arith.constant 0 : i32
      %dma_wait3A_356 = tpu.memref_slice %arg2[%dma_wait3A_354, %dma_wait3A_355] : memref<1024x768xf32, #tpu.memory_space<hbm>> -> memref<1024x768xf32, #tpu.memory_space<hbm>>
      tpu.wait_indirect_dma semaphore(%arg19 : memref<!tpu.dma_semaphore, #tpu.memory_space<semaphore_mem>>) src(%dma_wait3A_356 : memref<1024x768xf32, #tpu.memory_space<hbm>>) dst(%arg13 : memref<16x768xf32, #tpu.memory_space<vmem>>)
      %mul3A_357 = arith.constant 16 : i32
      %mul3A_358 = arith.muli %add3A_234, %mul3A_357 : i32
      %add3A_359 = arith.addi %mul3A_2, %mul3A_358 : i32
      %dma_start3A_360 = arith.constant 0 : i32
      %dma_start3A_361 = tpu.memref_slice %arg6[%add3A_359, %dma_start3A_360] : memref<65536x768xf32, #tpu.memory_space<hbm>> -> memref<16x768xf32, #tpu.memory_space<hbm>>
      %dma_start3A_362 = arith.constant 0 : i32
      %dma_start3A_363 = tpu.memref_slice %arg6[%add3A_359, %dma_start3A_362] : memref<65536x768xf32, #tpu.memory_space<hbm>> -> memref<16x768xf32, #tpu.memory_space<hbm>>
      tpu.enqueue_dma source(%arg13 : memref<16x768xf32, #tpu.memory_space<vmem>>) target(%dma_start3A_363 : memref<16x768xf32, #tpu.memory_space<hbm>>) target_semaphore(%arg25 : memref<!tpu.dma_semaphore, #tpu.memory_space<semaphore_mem>>)
      %mul3A_364 = arith.constant 16 : i32
      %mul3A_365 = arith.muli %add3A_236, %mul3A_364 : i32
      %dma_wait3A_366 = tpu.memref_slice %arg9[%mul3A_365] : memref<2048xi32, #tpu.memory_space<vmem>> -> memref<16xi32, #tpu.memory_space<vmem>>
      %dma_wait3A_367 = arith.constant 0 : i32
      %dma_wait3A_368 = arith.constant 0 : i32
      %dma_wait3A_369 = tpu.memref_slice %arg2[%dma_wait3A_367, %dma_wait3A_368] : memref<1024x768xf32, #tpu.memory_space<hbm>> -> memref<1024x768xf32, #tpu.memory_space<hbm>>
      tpu.wait_indirect_dma semaphore(%arg20 : memref<!tpu.dma_semaphore, #tpu.memory_space<semaphore_mem>>) src(%dma_wait3A_369 : memref<1024x768xf32, #tpu.memory_space<hbm>>) dst(%arg14 : memref<16x768xf32, #tpu.memory_space<vmem>>)
      %mul3A_370 = arith.constant 16 : i32
      %mul3A_371 = arith.muli %add3A_236, %mul3A_370 : i32
      %add3A_372 = arith.addi %mul3A_2, %mul3A_371 : i32
      %dma_start3A_373 = arith.constant 0 : i32
      %dma_start3A_374 = tpu.memref_slice %arg6[%add3A_372, %dma_start3A_373] : memref<65536x768xf32, #tpu.memory_space<hbm>> -> memref<16x768xf32, #tpu.memory_space<hbm>>
      %dma_start3A_375 = arith.constant 0 : i32
      %dma_start3A_376 = tpu.memref_slice %arg6[%add3A_372, %dma_start3A_375] : memref<65536x768xf32, #tpu.memory_space<hbm>> -> memref<16x768xf32, #tpu.memory_space<hbm>>
      tpu.enqueue_dma source(%arg14 : memref<16x768xf32, #tpu.memory_space<vmem>>) target(%dma_start3A_376 : memref<16x768xf32, #tpu.memory_space<hbm>>) target_semaphore(%arg26 : memref<!tpu.dma_semaphore, #tpu.memory_space<semaphore_mem>>)
      %mul3A_377 = arith.constant 16 : i32
      %mul3A_378 = arith.muli %add3A_238, %mul3A_377 : i32
      %add3A_379 = arith.addi %mul3A_2, %mul3A_378 : i32
      %dma_start3A_380 = arith.constant 0 : i32
      %dma_start3A_381 = tpu.memref_slice %arg6[%add3A_379, %dma_start3A_380] : memref<65536x768xf32, #tpu.memory_space<hbm>> -> memref<16x768xf32, #tpu.memory_space<hbm>>
      %dma_start3A_382 = arith.constant 0 : i32
      %dma_start3A_383 = tpu.memref_slice %arg6[%add3A_379, %dma_start3A_382] : memref<65536x768xf32, #tpu.memory_space<hbm>> -> memref<16x768xf32, #tpu.memory_space<hbm>>
      tpu.enqueue_dma source(%arg15 : memref<16x768xf32, #tpu.memory_space<vmem>>) target(%dma_start3A_383 : memref<16x768xf32, #tpu.memory_space<hbm>>) target_semaphore(%arg27 : memref<!tpu.dma_semaphore, #tpu.memory_space<semaphore_mem>>)
    }
    %scan3A_7 = arith.constant 21 : i32
    %add3A_8 = arith.constant 1920 : i32
    %add3A_9 = arith.addi %mul3A_2, %add3A_8 : i32
    %dma_wait3A = arith.constant 0 : i32
    %dma_wait3A_10 = tpu.memref_slice %arg6[%add3A_9, %dma_wait3A] : memref<65536x768xf32, #tpu.memory_space<hbm>> -> memref<16x768xf32, #tpu.memory_space<hbm>>
    %dma_wait3A_11 = arith.constant 0 : i32
    %dma_wait3A_12 = tpu.memref_slice %arg6[%add3A_9, %dma_wait3A_11] : memref<65536x768xf32, #tpu.memory_space<hbm>> -> memref<16x768xf32, #tpu.memory_space<hbm>>
    tpu.wait_dma2 semaphore(%arg22 : memref<!tpu.dma_semaphore, #tpu.memory_space<semaphore_mem>>) src(%arg10 : memref<16x768xf32, #tpu.memory_space<vmem>>) dst(%dma_wait3A_12 : memref<16x768xf32, #tpu.memory_space<hbm>>)
    %dma_start3A = arith.constant 2016 : i32
    %dma_start3A_13 = tpu.memref_slice %arg9[%dma_start3A] : memref<2048xi32, #tpu.memory_space<vmem>> -> memref<16xi32, #tpu.memory_space<vmem>>
    %dma_start3A_14 = arith.constant 0 : i32
    %dma_start3A_15 = arith.constant 0 : i32
    %dma_start3A_16 = tpu.memref_slice %arg2[%dma_start3A_14, %dma_start3A_15] : memref<1024x768xf32, #tpu.memory_space<hbm>> -> memref<1024x768xf32, #tpu.memory_space<hbm>>
    tpu.enqueue_indirect_dma source(%dma_start3A_16 : memref<1024x768xf32, #tpu.memory_space<hbm>>) target(%arg10 : memref<16x768xf32, #tpu.memory_space<vmem>>) offsets(%dma_start3A_13 : memref<16xi32, #tpu.memory_space<vmem>>) semaphore(%arg16 : memref<!tpu.dma_semaphore, #tpu.memory_space<semaphore_mem>>)
    %add3A_17 = arith.constant 1936 : i32
    %add3A_18 = arith.addi %mul3A_2, %add3A_17 : i32
    %dma_wait3A_19 = arith.constant 0 : i32
    %dma_wait3A_20 = tpu.memref_slice %arg6[%add3A_18, %dma_wait3A_19] : memref<65536x768xf32, #tpu.memory_space<hbm>> -> memref<16x768xf32, #tpu.memory_space<hbm>>
    %dma_wait3A_21 = arith.constant 0 : i32
    %dma_wait3A_22 = tpu.memref_slice %arg6[%add3A_18, %dma_wait3A_21] : memref<65536x768xf32, #tpu.memory_space<hbm>> -> memref<16x768xf32, #tpu.memory_space<hbm>>
    tpu.wait_dma2 semaphore(%arg23 : memref<!tpu.dma_semaphore, #tpu.memory_space<semaphore_mem>>) src(%arg11 : memref<16x768xf32, #tpu.memory_space<vmem>>) dst(%dma_wait3A_22 : memref<16x768xf32, #tpu.memory_space<hbm>>)
    %dma_start3A_23 = arith.constant 2032 : i32
    %dma_start3A_24 = tpu.memref_slice %arg9[%dma_start3A_23] : memref<2048xi32, #tpu.memory_space<vmem>> -> memref<16xi32, #tpu.memory_space<vmem>>
    %dma_start3A_25 = arith.constant 0 : i32
    %dma_start3A_26 = arith.constant 0 : i32
    %dma_start3A_27 = tpu.memref_slice %arg2[%dma_start3A_25, %dma_start3A_26] : memref<1024x768xf32, #tpu.memory_space<hbm>> -> memref<1024x768xf32, #tpu.memory_space<hbm>>
    tpu.enqueue_indirect_dma source(%dma_start3A_27 : memref<1024x768xf32, #tpu.memory_space<hbm>>) target(%arg11 : memref<16x768xf32, #tpu.memory_space<vmem>>) offsets(%dma_start3A_24 : memref<16xi32, #tpu.memory_space<vmem>>) semaphore(%arg17 : memref<!tpu.dma_semaphore, #tpu.memory_space<semaphore_mem>>)
    %add3A_28 = arith.constant 1952 : i32
    %add3A_29 = arith.addi %mul3A_2, %add3A_28 : i32
    %dma_wait3A_30 = arith.constant 0 : i32
    %dma_wait3A_31 = tpu.memref_slice %arg6[%add3A_29, %dma_wait3A_30] : memref<65536x768xf32, #tpu.memory_space<hbm>> -> memref<16x768xf32, #tpu.memory_space<hbm>>
    %dma_wait3A_32 = arith.constant 0 : i32
    %dma_wait3A_33 = tpu.memref_slice %arg6[%add3A_29, %dma_wait3A_32] : memref<65536x768xf32, #tpu.memory_space<hbm>> -> memref<16x768xf32, #tpu.memory_space<hbm>>
    tpu.wait_dma2 semaphore(%arg24 : memref<!tpu.dma_semaphore, #tpu.memory_space<semaphore_mem>>) src(%arg12 : memref<16x768xf32, #tpu.memory_space<vmem>>) dst(%dma_wait3A_33 : memref<16x768xf32, #tpu.memory_space<hbm>>)
    %add3A_34 = arith.constant 1968 : i32
    %add3A_35 = arith.addi %mul3A_2, %add3A_34 : i32
    %dma_wait3A_36 = arith.constant 0 : i32
    %dma_wait3A_37 = tpu.memref_slice %arg6[%add3A_35, %dma_wait3A_36] : memref<65536x768xf32, #tpu.memory_space<hbm>> -> memref<16x768xf32, #tpu.memory_space<hbm>>
    %dma_wait3A_38 = arith.constant 0 : i32
    %dma_wait3A_39 = tpu.memref_slice %arg6[%add3A_35, %dma_wait3A_38] : memref<65536x768xf32, #tpu.memory_space<hbm>> -> memref<16x768xf32, #tpu.memory_space<hbm>>
    tpu.wait_dma2 semaphore(%arg25 : memref<!tpu.dma_semaphore, #tpu.memory_space<semaphore_mem>>) src(%arg13 : memref<16x768xf32, #tpu.memory_space<vmem>>) dst(%dma_wait3A_39 : memref<16x768xf32, #tpu.memory_space<hbm>>)
    %add3A_40 = arith.constant 1984 : i32
    %add3A_41 = arith.addi %mul3A_2, %add3A_40 : i32
    %dma_wait3A_42 = arith.constant 0 : i32
    %dma_wait3A_43 = tpu.memref_slice %arg6[%add3A_41, %dma_wait3A_42] : memref<65536x768xf32, #tpu.memory_space<hbm>> -> memref<16x768xf32, #tpu.memory_space<hbm>>
    %dma_wait3A_44 = arith.constant 0 : i32
    %dma_wait3A_45 = tpu.memref_slice %arg6[%add3A_41, %dma_wait3A_44] : memref<65536x768xf32, #tpu.memory_space<hbm>> -> memref<16x768xf32, #tpu.memory_space<hbm>>
    tpu.wait_dma2 semaphore(%arg26 : memref<!tpu.dma_semaphore, #tpu.memory_space<semaphore_mem>>) src(%arg14 : memref<16x768xf32, #tpu.memory_space<vmem>>) dst(%dma_wait3A_45 : memref<16x768xf32, #tpu.memory_space<hbm>>)
    %add3A_46 = arith.constant 2000 : i32
    %add3A_47 = arith.addi %mul3A_2, %add3A_46 : i32
    %dma_wait3A_48 = arith.constant 0 : i32
    %dma_wait3A_49 = tpu.memref_slice %arg6[%add3A_47, %dma_wait3A_48] : memref<65536x768xf32, #tpu.memory_space<hbm>> -> memref<16x768xf32, #tpu.memory_space<hbm>>
    %dma_wait3A_50 = arith.constant 0 : i32
    %dma_wait3A_51 = tpu.memref_slice %arg6[%add3A_47, %dma_wait3A_50] : memref<65536x768xf32, #tpu.memory_space<hbm>> -> memref<16x768xf32, #tpu.memory_space<hbm>>
    tpu.wait_dma2 semaphore(%arg27 : memref<!tpu.dma_semaphore, #tpu.memory_space<semaphore_mem>>) src(%arg15 : memref<16x768xf32, #tpu.memory_space<vmem>>) dst(%dma_wait3A_51 : memref<16x768xf32, #tpu.memory_space<hbm>>)
    %dma_wait3A_52 = arith.constant 2016 : i32
    %dma_wait3A_53 = tpu.memref_slice %arg9[%dma_wait3A_52] : memref<2048xi32, #tpu.memory_space<vmem>> -> memref<16xi32, #tpu.memory_space<vmem>>
    %dma_wait3A_54 = arith.constant 0 : i32
    %dma_wait3A_55 = arith.constant 0 : i32
    %dma_wait3A_56 = tpu.memref_slice %arg2[%dma_wait3A_54, %dma_wait3A_55] : memref<1024x768xf32, #tpu.memory_space<hbm>> -> memref<1024x768xf32, #tpu.memory_space<hbm>>
    tpu.wait_indirect_dma semaphore(%arg16 : memref<!tpu.dma_semaphore, #tpu.memory_space<semaphore_mem>>) src(%dma_wait3A_56 : memref<1024x768xf32, #tpu.memory_space<hbm>>) dst(%arg10 : memref<16x768xf32, #tpu.memory_space<vmem>>)
    %add3A_57 = arith.constant 2016 : i32
    %add3A_58 = arith.addi %mul3A_2, %add3A_57 : i32
    %dma_start3A_59 = arith.constant 0 : i32
    %dma_start3A_60 = tpu.memref_slice %arg6[%add3A_58, %dma_start3A_59] : memref<65536x768xf32, #tpu.memory_space<hbm>> -> memref<16x768xf32, #tpu.memory_space<hbm>>
    %dma_start3A_61 = arith.constant 0 : i32
    %dma_start3A_62 = tpu.memref_slice %arg6[%add3A_58, %dma_start3A_61] : memref<65536x768xf32, #tpu.memory_space<hbm>> -> memref<16x768xf32, #tpu.memory_space<hbm>>
    tpu.enqueue_dma source(%arg10 : memref<16x768xf32, #tpu.memory_space<vmem>>) target(%dma_start3A_62 : memref<16x768xf32, #tpu.memory_space<hbm>>) target_semaphore(%arg22 : memref<!tpu.dma_semaphore, #tpu.memory_space<semaphore_mem>>)
    %dma_wait3A_63 = arith.constant 2032 : i32
    %dma_wait3A_64 = tpu.memref_slice %arg9[%dma_wait3A_63] : memref<2048xi32, #tpu.memory_space<vmem>> -> memref<16xi32, #tpu.memory_space<vmem>>
    %dma_wait3A_65 = arith.constant 0 : i32
    %dma_wait3A_66 = arith.constant 0 : i32
    %dma_wait3A_67 = tpu.memref_slice %arg2[%dma_wait3A_65, %dma_wait3A_66] : memref<1024x768xf32, #tpu.memory_space<hbm>> -> memref<1024x768xf32, #tpu.memory_space<hbm>>
    tpu.wait_indirect_dma semaphore(%arg17 : memref<!tpu.dma_semaphore, #tpu.memory_space<semaphore_mem>>) src(%dma_wait3A_67 : memref<1024x768xf32, #tpu.memory_space<hbm>>) dst(%arg11 : memref<16x768xf32, #tpu.memory_space<vmem>>)
    %add3A_68 = arith.constant 2032 : i32
    %add3A_69 = arith.addi %mul3A_2, %add3A_68 : i32
    %dma_start3A_70 = arith.constant 0 : i32
    %dma_start3A_71 = tpu.memref_slice %arg6[%add3A_69, %dma_start3A_70] : memref<65536x768xf32, #tpu.memory_space<hbm>> -> memref<16x768xf32, #tpu.memory_space<hbm>>
    %dma_start3A_72 = arith.constant 0 : i32
    %dma_start3A_73 = tpu.memref_slice %arg6[%add3A_69, %dma_start3A_72] : memref<65536x768xf32, #tpu.memory_space<hbm>> -> memref<16x768xf32, #tpu.memory_space<hbm>>
    tpu.enqueue_dma source(%arg11 : memref<16x768xf32, #tpu.memory_space<vmem>>) target(%dma_start3A_73 : memref<16x768xf32, #tpu.memory_space<hbm>>) target_semaphore(%arg23 : memref<!tpu.dma_semaphore, #tpu.memory_space<semaphore_mem>>)
    %add3A_74 = arith.constant 2016 : i32
    %add3A_75 = arith.addi %mul3A_2, %add3A_74 : i32
    %dma_wait3A_76 = arith.constant 0 : i32
    %dma_wait3A_77 = tpu.memref_slice %arg6[%add3A_75, %dma_wait3A_76] : memref<65536x768xf32, #tpu.memory_space<hbm>> -> memref<16x768xf32, #tpu.memory_space<hbm>>
    %dma_wait3A_78 = arith.constant 0 : i32
    %dma_wait3A_79 = tpu.memref_slice %arg6[%add3A_75, %dma_wait3A_78] : memref<65536x768xf32, #tpu.memory_space<hbm>> -> memref<16x768xf32, #tpu.memory_space<hbm>>
    tpu.wait_dma2 semaphore(%arg22 : memref<!tpu.dma_semaphore, #tpu.memory_space<semaphore_mem>>) src(%arg10 : memref<16x768xf32, #tpu.memory_space<vmem>>) dst(%dma_wait3A_79 : memref<16x768xf32, #tpu.memory_space<hbm>>)
    %add3A_80 = arith.constant 2032 : i32
    %add3A_81 = arith.addi %mul3A_2, %add3A_80 : i32
    %dma_wait3A_82 = arith.constant 0 : i32
    %dma_wait3A_83 = tpu.memref_slice %arg6[%add3A_81, %dma_wait3A_82] : memref<65536x768xf32, #tpu.memory_space<hbm>> -> memref<16x768xf32, #tpu.memory_space<hbm>>
    %dma_wait3A_84 = arith.constant 0 : i32
    %dma_wait3A_85 = tpu.memref_slice %arg6[%add3A_81, %dma_wait3A_84] : memref<65536x768xf32, #tpu.memory_space<hbm>> -> memref<16x768xf32, #tpu.memory_space<hbm>>
    tpu.wait_dma2 semaphore(%arg23 : memref<!tpu.dma_semaphore, #tpu.memory_space<semaphore_mem>>) src(%arg11 : memref<16x768xf32, #tpu.memory_space<vmem>>) dst(%dma_wait3A_85 : memref<16x768xf32, #tpu.memory_space<hbm>>)
    return
  }
}

module attributes {stable_mosaic.version = 14 : i64} {
  func.func @_prep_body(%arg0: memref<64x1024xi32, #tpu.memory_space<vmem>>, %arg1: memref<64x1024xi32, #tpu.memory_space<vmem>>, %arg2: memref<32x768xf32, #tpu.memory_space<vmem>>, %arg3: memref<32x768xf32, #tpu.memory_space<vmem>>, %arg4: memref<64x1024xi32, #tpu.memory_space<vmem>>, %arg5: memref<32x32x768xf32, #tpu.memory_space<vmem>>) attributes {dimension_semantics = [], scalar_prefetch = 0 : i64, scratch_operands = 0 : i64, tpu.core_type = #tpu.core_type<tc>} {
    %get3A = arith.constant 0 : index
    %get3A_0 = arith.constant 0 : index
    %get3A_1 = vector.load %arg0[%get3A, %get3A_0] : memref<64x1024xi32, #tpu.memory_space<vmem>>, vector<64x1024xi32>
    %mul3A = arith.constant 32 : i32
    %mul3A_2 = vector.broadcast %mul3A : i32 to vector<64x1024xi32>
    %mul3A_3 = arith.muli %get3A_1, %mul3A_2 : vector<64x1024xi32>
    %get3A_4 = arith.constant 0 : index
    %get3A_5 = arith.constant 0 : index
    %get3A_6 = vector.load %arg1[%get3A_4, %get3A_5] : memref<64x1024xi32, #tpu.memory_space<vmem>>, vector<64x1024xi32>
    %add3A = arith.addi %mul3A_3, %get3A_6 : vector<64x1024xi32>
    %swap3A = arith.constant 0 : index
    %swap3A_7 = arith.constant 0 : index
    %swap3A_8 = vector.load %arg4[%swap3A, %swap3A_7] : memref<64x1024xi32, #tpu.memory_space<vmem>>, vector<64x1024xi32>
    tpu.vector_store %arg4[%swap3A, %swap3A_7], %add3A {strides = array<i32>} : memref<64x1024xi32, #tpu.memory_space<vmem>>, vector<64x1024xi32>,
    %get3A_9 = arith.constant 0 : index
    %get3A_10 = arith.constant 0 : index
    %get3A_11 = vector.load %arg2[%get3A_9, %get3A_10] : memref<32x768xf32, #tpu.memory_space<vmem>>, vector<32x768xf32>
    %broadcast_in_dim3A = vector.shape_cast %get3A_11 : vector<32x768xf32> to vector<32x1x768xf32>
    %get3A_12 = arith.constant 0 : index
    %get3A_13 = arith.constant 0 : index
    %get3A_14 = vector.load %arg3[%get3A_12, %get3A_13] : memref<32x768xf32, #tpu.memory_space<vmem>>, vector<32x768xf32>
    %broadcast_in_dim3A_15 = vector.shape_cast %get3A_14 : vector<32x768xf32> to vector<1x32x768xf32>
    %add3A_16 = vector.broadcast %broadcast_in_dim3A : vector<32x1x768xf32> to vector<32x32x768xf32>
    %add3A_17 = vector.broadcast %broadcast_in_dim3A_15 : vector<1x32x768xf32> to vector<32x32x768xf32>
    %add3A_18 = arith.addf %add3A_16, %add3A_17 : vector<32x32x768xf32>
    %swap3A_19 = arith.constant 0 : index
    %swap3A_20 = arith.constant 0 : index
    %swap3A_21 = arith.constant 0 : index
    %swap3A_22 = vector.load %arg5[%swap3A_19, %swap3A_20, %swap3A_21] : memref<32x32x768xf32, #tpu.memory_space<vmem>>, vector<32x32x768xf32>
    tpu.vector_store %arg5[%swap3A_19, %swap3A_20, %swap3A_21], %add3A_18 {strides = array<i32>} : memref<32x32x768xf32, #tpu.memory_space<vmem>>, vector<32x32x768xf32>,
    return
  }
}

</mosaic_0001>

<sc_bundles>
// kernel: kernel.4.cloned.1.call-start
scs
__scs_entry_jumppad:
0x0: {  	(pc) =	sbr.rel $0x88, $3  }
0x1: {  	(tag) =	ssettag $0x0;
	lr =	simm.s32 $0x1  }
0x2: {  	[smem:$0x3F9D] =	sst lr;
	_ =	strace $0xD0000000  }
0x3: {  	_ = 	snop  }
0x4: {  	_ = 	snop  }
0x5: {  	_ = 	snop  }
0x6: {  	_ = 	snop  }
0x7: {  	_ = 	snop  }
__scs_overlays_trampoline_lowered:
0x8: {  	[smem:$0x3FAC] =	sst s0  }
0x9: {  	[smem:$0x3FAD] =	sst s1  }
0xa: {  	[smem:$0x3FAE] =	sst s2  }
0xb: {  	[smem:$0x3FAF] =	sst s3  }
0xc: {  	[smem:$0x3FB0] =	sst s4  }
0xd: {  	[smem:$0x3FB1] =	sst s5  }
0xe: {  	[smem:$0x3FB2] =	sst s6  }
0xf: {  	[smem:$0x3FB3] =	sst s7  }
0x10: {  	[smem:$0x3FB4] =	sst s8  }
0x11: {  	[smem:$0x3FB5] =	sst s9;
	s0 =	simm.s32 @!p0 $0x0  }
0x12: {  	s1 =	sld [smem:$0x3F9B];
	s0 =	simm.s32 @p0 $0x1  }
0x13: {  	[smem:$0x3FB6] =	sst s0;
	s0 =	simm.s32 @!p1 $0x0  }
0x14: {  	s2 =	sld [smem:$0x3F9A];
	s0 =	simm.s32 @p1 $0x1  }
0x15: {  	[smem:$0x3FB7] =	sst s0;
	s0 =	simm.s32 @!p2 $0x0  }
0x16: {  	s3 =	sld [smem:$0x3FDB];
	s0 =	simm.s32 @p2 $0x1  }
0x17: {  	s4 =	simm.s32 $0x1BF5;
	[smem:$0x3FB9] =	sst s0  }
0x18: {  	s0 =	sld [smem:$0x3F9C];
	_ =	swait.ge [sflag:s4], $0x0  }
0x19: {  	s7 =	sld [smem:$0x3F9D]  }
0x1a: {  	s8 =	sadd.s32 $0xFFFFE003, lr  }
0x1b: {  	s9 =	sadd.s32 $0xFFFFFEF7, lr;
	s5 =	simm.s32 $0xFFFFFFFF;
	p2 =	slt.u32 s8, $0xFFFFF086  }
0x1c: {  	p1 =	slt.u32 s9, $0xF7A;
	s5 =	simm.s32 @!p2 $0x0  }
0x1d: {  	s5 =	simm.s32 @p1 $0x1;
	p0 =	seq.s32 s7, s2  }
0x1e: {  	s7 =	smul.u32 @!p0 $0xF7A, s2;
	p2 =	seq.s32 @!p0 s5, $0x0  }
0x1f: {  	s9 =	smul.u32 $0xF7A, s1;
	s8 =	simm.s32 @!p0 $0x1BF5;
	p2 =	por !p2, p0  }
0x20: {  	[sflag:s8] =	ssyncset.s32 @!p0 $0xFFFFF086;
	s6 =	sadd.s32 @!p0 s3, s7;
	s7 =	simm.s32 @!p0 $0x108  }
0x21: {  	s3 =	sadd.s32 s3, s9;
	s6 =	sadd.s32 @!p0 $0x88, s6;
	s7 =	simm.s32 @p2 $0x1082  }
0x22: {  	[simem:s7], [sflag:s8] =	dma.local @!p0 [hbm:s6], $0xF7A  }
0x23: {  	s9 =	sor.u32 $0xD0000000, s2;
	s6 =	simm.s32 $0x108;
	_ =	swait.ge @!p0 [sflag:s8], $0x0  }
0x24: {  	s3 =	sadd.s32 $0x88, s3;
	s6 =	simm.s32 @!p1 $0x1082;
	[sflag:s4] =	ssyncset.s32 $0xFFFFF086  }
0x25: {  	[simem:s6], [sflag:s4] =	dma.local [hbm:s3], $0xF7A  }
0x26: {  	[smem:$0x3F9D] =	sst s1;
	(tag) =	ssettag s2;
	_ =	strace s9  }
0x27: {  	s1 =	sld [smem:$0x3FAD]  }
0x28: {  	s2 =	sld [smem:$0x3FAE]  }
0x29: {  	s4 =	sld [smem:$0x3FB0]  }
0x2a: {  	p0 =	seq.s32 s5, $0x0;
	s5 =	sld [smem:$0x3FB1]  }
0x2b: {  	s6 =	sld [smem:$0x3FB2]  }
0x2c: {  	s7 =	sld [smem:$0x3FB3]  }
0x2d: {  	s3 =	simm.s32 $0x108;
	s8 =	sld [smem:$0x3FB4]  }
0x2e: {  	s3 =	simm.s32 @!p0 $0x1082;
	s9 =	sld [smem:$0x3FB5]  }
0x2f: {  	lr =	sadd.s32 s0, s3;
	s0 =	sld [smem:$0x3FAC]  }
0x30: {  	s3 =	sld [smem:$0x3FAF]  }
0x31: {  	[smem:$0x3FB8] =	sst s10  }
0x32: {  	s10 =	sld [smem:$0x3FB6];
	_ =	sdelay $0x3  }
0x33: {  	p0 =	seq.s32 s10, $0x1;
	s10 =	sld [smem:$0x3FB8];
	_ =	sdelay $0x3  }
0x34: {  	[smem:$0x3FB8] =	sst s10  }
0x35: {  	s10 =	sld [smem:$0x3FB7];
	_ =	sdelay $0x3  }
0x36: {  	p1 =	seq.s32 s10, $0x1;
	s10 =	sld [smem:$0x3FB8];
	_ =	sdelay $0x3  }
0x37: {  	[smem:$0x3FB8] =	sst s10  }
0x38: {  	s10 =	sld [smem:$0x3FB9]  }
0x39: {  	_ = 	snop;
	(pc) =	sbr.ind lr, $3  }
0x3a: {  	_ = 	snop  }
0x3b: {  	_ = 	snop  }
0x3c: {  	p2 =	seq.s32 s10, $0x1;
	s10 =	sld [smem:$0x3FB8]  }
0x3d: {  	_ =	shalt  }
0x3e: {  	_ =	shalt  }
0x3f: {  	_ =	shalt  }
0x40: {  	_ =	shalt  }
0x41: {  	_ =	shalt  }
0x42: {  	_ =	shalt  }
0x43: {  	_ =	shalt  }
0x44: {  	_ =	shalt  }
0x45: {  	_ =	shalt  }
0x46: {  	_ =	shalt  }
0x47: {  	_ =	shalt  }
0x48: {  	_ =	shalt  }
0x49: {  	_ =	shalt  }
0x4a: {  	_ =	shalt  }
0x4b: {  	_ =	shalt  }
0x4c: {  	_ =	shalt  }
0x4d: {  	_ =	shalt  }
0x4e: {  	_ =	shalt  }
0x4f: {  	_ =	shalt  }
0x50: {  	_ =	shalt  }
0x51: {  	_ =	shalt  }
0x52: {  	_ =	shalt  }
0x53: {  	_ =	shalt  }
0x54: {  	_ =	shalt  }
0x55: {  	_ =	shalt  }
0x56: {  	_ =	shalt  }
0x57: {  	_ =	shalt  }
0x58: {  	_ =	shalt  }
0x59: {  	_ =	shalt  }
0x5a: {  	_ =	shalt  }
0x5b: {  	_ =	shalt  }
0x5c: {  	_ =	shalt  }
0x5d: {  	_ =	shalt  }
0x5e: {  	_ =	shalt  }
0x5f: {  	_ =	shalt  }
0x60: {  	_ =	shalt  }
0x61: {  	_ =	shalt  }
0x62: {  	_ =	shalt  }
0x63: {  	_ =	shalt  }
0x64: {  	_ =	shalt  }
0x65: {  	_ =	shalt  }
0x66: {  	_ =	shalt  }
0x67: {  	_ =	shalt  }
0x68: {  	_ =	shalt  }
0x69: {  	_ =	shalt  }
0x6a: {  	_ =	shalt  }
0x6b: {  	_ =	shalt  }
0x6c: {  	_ =	shalt  }
0x6d: {  	_ =	shalt  }
0x6e: {  	_ =	shalt  }
0x6f: {  	_ =	shalt  }
0x70: {  	_ =	shalt  }
0x71: {  	_ =	shalt  }
0x72: {  	_ =	shalt  }
0x73: {  	_ =	shalt  }
0x74: {  	_ =	shalt  }
0x75: {  	_ =	shalt  }
0x76: {  	_ =	shalt  }
0x77: {  	_ =	shalt  }
0x78: {  	_ =	shalt  }
0x79: {  	_ =	shalt  }
0x7a: {  	_ =	shalt  }
0x7b: {  	_ =	shalt  }
0x7c: {  	_ =	shalt  }
0x7d: {  	_ =	shalt  }
0x7e: {  	_ =	shalt  }
0x7f: {  	_ =	shalt  }
0x80: {  	_ =	shalt  }
0x81: {  	_ =	shalt  }
0x82: {  	_ =	shalt  }
0x83: {  	_ =	shalt  }
0x84: {  	_ =	shalt  }
0x85: {  	_ =	shalt  }
0x86: {  	_ =	shalt  }
0x87: {  	_ =	shalt  }
.Lfunc_end0:
.L_simem_size_0:
called_computation_lowered:
.L_overlay_start_0:
0x88: {  	s2 =	sld [smem:$0x3FD9]  }
0x89: {  	s3 =	sld [smem:$0x3FFE];
	_ =	sdelay $0x1  }
0x8a: {  	s1 =	srdreg.scid  }
0x8b: {  	s0 =	sand.u32 $0x1, s1  }
0x8c: {  	s17 =	sshll.u32 s0, $0xA;
	s2 =	sadd.s32 s3, s2  }
0x8d: {  	s2 =	sadd.s32 s2, s17  }
0x8e: {  	[smem:$0x3FC4] =	sst s2  }
0x8f: {  	_ = 	snop  }
0x90: {  	s2 =	sld [smem:$0x3FD0];
	(tm) =	ssettm $0x1  }
0x91: {  	s18 =	sld [smem:$0x3FFB];
	_ =	sdelay $0x3  }
0x92: {  	_ =	strace s18  }
0x93: {  	s3 =	sld [smem:$0x3FFC];
	_ =	sdelay $0x3  }
0x94: {  	_ =	strace s3  }
0x95: {  	s3 =	sld [smem:$0x3FFD];
	_ =	sdelay $0x3  }
0x96: {  	_ =	strace s3  }
0x97: {  	_ =	strace $0x8FFFFFFF  }
0x98: {  	s19 =	sld [smem:$0x3FDB];
	_ =	sdelay $0x1  }
0x99: {  	s4 =	simm.s32 $_scs_section_size  }
0x9a: {  	s5 =	simm.s32 $_size__tile_overlayer_lowered;
	s6 =	simm.s32 $_tile_overlayer_lowered  }
0x9b: {  	s22 =	simm.s32 $0x1BFF;
	s21 =	sshll.u32 s6, $0x1;
	s3 =	sadd.s32 s4, s19  }
0x9c: {  	s7 =	simm.s32 $0x0;
	s20 =	sshll.u32 s5, $0x1;
	s5 =	sadd.s32 s21, s3  }
0x9d: {  	[timem:s7], [sflag:s22] =	dma.local [hbm:s5], s20  }
0x9e: {  	_ =	swait.ge [sflag:s22], s20  }
0x9f: {  	s4 =	ssub.s32 $0x0, s20;
	[sflag:s22] =	ssyncset.done $0x0  }
0xa0: {  	[sflag:s22] =	ssyncadd.s32 s4;
	_ =	sdelay $0x1  }
0xa1: {  	s23 =	simm.s32 $0x1B8B  }
0xa2: {  	_ =	swait.ge [sflag:s23], $0x1  }
0xa3: {  	[sflag:s23] =	ssyncset.done $0x0  }
0xa4: {  	s25 =	simm.s32 $0x1B8E;
	s24 =	sld [smem:$0x3FFE];
	[sflag:s23] =	ssyncadd.s32 $0xFFFFFFFF  }
0xa5: {  	s26 =	simm.s32 $execute0_lowered;
	[smem:$0x3FD2] =	sst s25  }
0xa6: {  	s5 =	sshll.u32 s26, $0x1;
	_ =	strace $0x80000046;
	[dreg:$0x1] =	wrdreg $0xFFFFFFFF  }
0xa7: {  	s28 =	simm.s32 $_size_execute0_lowered;
	s3 =	sadd.s32 s3, s5;
	[dreg:$0x0] =	wrdreg $0x0  }
0xa8: {  	s5 =	sshll.u32 s28, $0x1;
	[dreg:$0x2] =	wrdreg s3  }
0xa9: {  	[dreg:$0x3] =	wrdreg s5  }
0xaa: {  	[dreg:$0x4] =	wrdreg $0xC0  }
0xab: {  	_ =	task [dreg:s7], $0x5FFFF  }
0xac: {  	[dreg:$0x1] =	wrdreg $0xFFFFFFFF  }
0xad: {  	[dreg:$0x0] =	wrdreg $0x60  }
0xae: {  	[dreg:$0x2] =	wrdreg s24  }
0xaf: {  	[dreg:$0x3] =	wrdreg s2  }
0xb0: {  	[dreg:$0x4] =	wrdreg $0x9  }
0xb1: {  	_ =	task.clear_ibuf [dreg:s7], $0x5FFFF;
	_ =	strace $0x90000046  }
0xb2: {  	s29 =	simm.s32 $0x9;
	_ =	strace $0x80000048  }
0xb3: {  	_ =	swait.ge [sflag:s29], $0x1  }
0xb4: {  	[sflag:s29] =	ssyncadd.s32 $0xFFFFFFFF  }
0xb5: {  	_ =	strace $0x90000048  }
0xb6: {  	_ =	sfence  }
0xb7: {  	s30 =	sld [smem:$0x0];
	_ =	sdelay $0x2  }
0xb8: {  	s31 =	sshll.u32 s1, $0xD;
	s1 =	sshrl.u32 s1, $0x2  }
0xb9: {  	s3 =	sand.u32 $0x4000, s31;
	s1 =	sadd.s32 s1, s30  }
0xba: {  	s0 =	sor.u32 s3, s0;
	s1 =	sshll.u32 s1, $0x11  }
0xbb: {  	s0 =	sor.u32 s1, s0  }
0xbc: {  	s0 =	sadd.s32 $0x8F2B, s0  }
0xbd: {  	[sflag:s0] =	ssyncadd.remote.s32 $0x1  }
0xbe: {  	_ =	sfence.sel $0xFFFF  }
0xbf: {  	[dreg:$0x0] =	wrdreg $0xFFFFFFFF;
	(pc) =	sbr.abs _section_cstart, $3  }
0xc0: {  	[dreg:$0x1] =	wrdreg $0xFFFFFFFF  }
0xc1: {  	_ =	task.clear_ibuf [dreg:s7], $0x2FFFF;
	_ =	strace $0x9FFFFFFF  }
0xc2: {  	(tm) =	ssettm $0x7FFFFFFF  }
0xc3: {  	_ =	shalt  }
tec
execute0_lowered:
.L_overlay_start_1:
0x0: {  	(tag) =	ssettag $0x1  }
0x1: {  	s0 =	srdreg.scid  }
0x2: {  	s1 =	rddreg [dreg:$0x0];
	s2 =	stileid.u32  }
0x3: {  	s5 =	rddreg [dreg:$0x1];
	s6 =	simm.s32 $0x0;
	s0 =	sand.u32 $0x1, s0  }
0x4: {  	s2 =	sshll.u32 s2, $0xC;
	[smem:$0x7FF] =	sst s6;
	s3 =	sshll.u32 s0, $0xB  }
0x5: {  	s23 =	sadd.s32 $0x2800, s1;
	s4 =	sadd.s32 $0x1000, s1;
	s2 =	sor.u32 s3, s2  }
0x6: {  	s25 =	sadd.s32 $0x1C00, s1;
	s29 =	sadd.s32 $0x2900, s1;
	[smem:$0x7F4] =	sst s2  }
0x7: {  	s0 =	ssub.s32 $0x2, s0;
	_ =	strace $0x80000047;
	[smem:$0x7F5] =	sst s23  }
0x8: {  	s26 =	sshrl.u32 s0, $0x1;
	s2 =	sshrl.u32 s2, $0x3;
	[smem:$0x7F6] =	sst s4  }
0x9: {  	s0 =	ssub.s32 s0, s26;
	s24 =	smul.u32 $0x1800, s2;
	[smem:$0x7F7] =	sst s25  }
0xa: {  	s2 =	sadd.s32 s2, s1;
	[smem:$0x7F9] =	sst s29;
	s1 =	sadd.s32 $0x2A00, s1  }
0xb: {  	s0 =	smax.u32 s0, $0x1;
	[smem:$0x7FA] =	sst s1;
	s3 =	sshrl.u32 s24, $0x3  }
0xc: {  	s2 =	sadd.s32 $0x1A800, s2;
	[smem:$0x7FD] =	sst s0;
	s28 =	sadd.s32 s5, s3  }
0xd: {  	v2 =	vlaneseq.u32;
	[smem:$0x7F8] =	sst s2;
	s30 =	sadd.s32 $0x2F400, s28  }
0xe: {  	vm0 =	vmmov $0xffff;
	v1 =	vshrl.u32 v2, $0x3;
	s31 =	sadd.s32 $0x2FA00, s28;
	[smem:$0x7FB] =	sst s30  }
0xf: {  	v0 =	vand.u32 $0x7, v2;
	v2 =	vor.u32 $0x8, v2;
	v1 =	vmul.u32 $0x8, v1;
	s1 =	simm.s32 $0x0;
	[smem:$0x7FC] =	sst s31  }
.LBB2_1:
0x10: {  	s0 =	sld [smem:$0x7F6];
	_ =	sdelay $0x1  }
0x11: {  	[smem:$0x7F3] =	sst s1;
	s28 =	simm.s32 $0xB  }
0x12: {  	[tilespmem:s6], [sflag:$0xB] =	stream.linear.gather [hbm4b:s0+s6], $0x6000, $0x38;
	[tilespmem:$0x1E800] =	vst v63  }
0x13: {  	_ =	swait.ge [sflag:s28], $0x6000  }
0x14: {  	s29 =	sld [smem:$0x7F7]  }
0x15: {  	[sflag:s28] =	ssyncset.done $0x0  }
0x16: {  	s2 =	simm.s32 $0x6000;
	[sflag:s28] =	ssyncadd.s32 $0xFFFFA000  }
0x17: {  	[tilespmem:s2], [sflag:$0xB] =	stream.linear.gather [hbm4b:s29+s6], $0x6000, $0x38;
	[tilespmem:$0x1E800] =	vst v63  }
0x18: {  	_ =	swait.ge [sflag:s28], $0x6000  }
0x19: {  	s30 =	sld [smem:$0x7F8]  }
0x1a: {  	[sflag:s28] =	ssyncset.done $0x0  }
0x1b: {  	s31 =	simm.s32 $0xC000;
	[sflag:s28] =	ssyncadd.s32 $0xFFFFA000  }
0x1c: {  	[tilespmem:s31], [sflag:$0xB] =	stream.linear.gather [hbm4b:s30+s6], $0x800, $0x38;
	[tilespmem:$0x1E800] =	vst v63  }
0x1d: {  	_ =	swait.ge [sflag:s28], $0x800  }
0x1e: {  	[sflag:s28] =	ssyncset.done $0x0  }
0x1f: {  	s1 =	simm.s32 $0x0;
	[sflag:s28] =	ssyncadd.s32 $0xFFFFF800  }
.LBB2_2:
0x20: {  	p0 =	seq.s32 s1, $0x0  }
0x21: {  	s0 =	simm.s32 @!p0 $0x5  }
0x22: {  	_ =	swait.ge @!p0 [sflag:s0], $0x3000  }
0x23: {  	s4 =	smul.u32 $0x60, s1;
	[sflag:s0] =	ssyncset.done @!p0 $0x0  }
0x24: {  	[sflag:s0] =	ssyncadd.s32 @!p0 $0xFFFFD000  }
0x25: {  	v3 =	vld [tilespmem:s4+$0xC000];
	_ =	sdelay $0x4  }
0x26: {  	v4 =	vshrl.u32 v3, $0x3  }
0x27: {  	v4 =	vmul.u32 $0x30, v4  }
0x28: {  	v3 =	vand.u32 $0x7, v3  }
0x29: {  	v3 =	vor.u32 v3, v4  }
0x2a: {  	v4 =	vperm.xlane v3, v0;
	_ =	sdelay $0x1  }
0x2b: {  	v4 =	vadd.s32 v1, v4;
	_ =	sdelay $0x1  }
0x2c: {  	s8 =	sld [smem:$0x7F5];
	_ =	sdelay $0x1  }
0x2d: {  	s9 =	simm.s32 $0xC800;
	s2 =	sld [smem:$0x7F9];
	v3 =	vperm.xlane v3, v2  }
0x2e: {  	[tilespmem:s9], [sflag:$0x1] =	stream.indirect_vreg.gather [hbm4b:s8+s6], $0x80, v4, vm0, $0xb8;
	[tilespmem:$0x1E800] =	vst v63  }
0x2f: {  	s10 =	simm.s32 $0xD000;
	s3 =	sld [smem:$0x7FA];
	v3 =	vadd.s32 v1, v3  }
0x30: {  	[tilespmem:s10], [sflag:$0x1] =	stream.indirect_vreg.gather [hbm4b:s2+s6], $0x80, v4, vm0, $0xb8;
	[tilespmem:$0x1E800] =	vst v63  }
0x31: {  	s11 =	simm.s32 $0xD800  }
0x32: {  	[tilespmem:s11], [sflag:$0x1] =	stream.indirect_vreg.gather [hbm4b:s3+s6], $0x80, v4, vm0, $0xb8;
	[tilespmem:$0x1E800] =	vst v63  }
0x33: {  	s12 =	simm.s32 $0xE000  }
0x34: {  	[tilespmem:s12], [sflag:$0x1] =	stream.indirect_vreg.gather [hbm4b:s8+s6], $0x80, v3, vm0, $0xb8;
	[tilespmem:$0x1E800] =	vst v63  }
0x35: {  	s13 =	simm.s32 $0xE800  }
0x36: {  	[tilespmem:s13], [sflag:$0x1] =	stream.indirect_vreg.gather [hbm4b:s2+s6], $0x80, v3, vm0, $0xb8;
	[tilespmem:$0x1E800] =	vst v63  }
0x37: {  	s14 =	simm.s32 $0xF000;
	[smem:$0x7EB] =	sst s1;
	s0 =	simm.s32 @!p0 $0x6  }
0x38: {  	[tilespmem:s14], [sflag:$0x1] =	stream.indirect_vreg.gather [hbm4b:s3+s6], $0x80, v3, vm0, $0xb8;
	[tilespmem:$0x1E800] =	vst v63  }
0x39: {  	_ =	swait.ge @!p0 [sflag:s0], $0x3000  }
0x3a: {  	[sflag:s0] =	ssyncset.done @!p0 $0x0  }
0x3b: {  	[sflag:s0] =	ssyncadd.s32 @!p0 $0xFFFFD000  }
0x3c: {  	v3 =	vld [tilespmem:s4+$0xC010];
	_ =	sdelay $0x4  }
0x3d: {  	v62 =	vshrl.u32 v3, $0x3  }
0x3e: {  	v4 =	vmul.u32 $0x30, v62  }
0x3f: {  	v3 =	vand.u32 $0x7, v3  }
0x40: {  	v3 =	vor.u32 v3, v4  }
0x41: {  	v4 =	vperm.xlane v3, v0;
	_ =	sdelay $0x1  }
0x42: {  	v4 =	vadd.s32 v1, v4;
	_ =	sdelay $0x3  }
0x43: {  	s15 =	simm.s32 $0xF800;
	v3 =	vperm.xlane v3, v2  }
0x44: {  	[tilespmem:s15], [sflag:$0x2] =	stream.indirect_vreg.gather [hbm4b:s8+s6], $0x80, v4, vm0, $0xb8;
	[tilespmem:$0x1E800] =	vst v63  }
0x45: {  	s16 =	simm.s32 $0x10000;
	v3 =	vadd.s32 v1, v3  }
0x46: {  	[tilespmem:s16], [sflag:$0x2] =	stream.indirect_vreg.gather [hbm4b:s2+s6], $0x80, v4, vm0, $0xb8;
	[tilespmem:$0x1E800] =	vst v63  }
0x47: {  	s17 =	simm.s32 $0x10800  }
0x48: {  	[tilespmem:s17], [sflag:$0x2] =	stream.indirect_vreg.gather [hbm4b:s3+s6], $0x80, v4, vm0, $0xb8;
	[tilespmem:$0x1E800] =	vst v63  }
0x49: {  	s18 =	simm.s32 $0x11000  }
0x4a: {  	[tilespmem:s18], [sflag:$0x2] =	stream.indirect_vreg.gather [hbm4b:s8+s6], $0x80, v3, vm0, $0xb8;
	[tilespmem:$0x1E800] =	vst v63  }
0x4b: {  	s19 =	simm.s32 $0x11800  }
0x4c: {  	[tilespmem:s19], [sflag:$0x2] =	stream.indirect_vreg.gather [hbm4b:s2+s6], $0x80, v3, vm0, $0xb8;
	[tilespmem:$0x1E800] =	vst v63  }
0x4d: {  	s20 =	simm.s32 $0x12000;
	s0 =	simm.s32 @!p0 $0x7  }
0x4e: {  	[tilespmem:s20], [sflag:$0x2] =	stream.indirect_vreg.gather [hbm4b:s3+s6], $0x80, v3, vm0, $0xb8;
	[tilespmem:$0x1E800] =	vst v63  }
0x4f: {  	_ =	swait.ge @!p0 [sflag:s0], $0x3000  }
0x50: {  	[sflag:s0] =	ssyncset.done @!p0 $0x0  }
0x51: {  	[sflag:s0] =	ssyncadd.s32 @!p0 $0xFFFFD000  }
0x52: {  	v3 =	vld [tilespmem:s4+$0xC020];
	_ =	sdelay $0x4  }
0x53: {  	v63 =	vshrl.u32 v3, $0x5  }
0x54: {  	v4 =	vmul.u32 $0x300, v63;
	_ =	sdelay $0x1  }
0x55: {  	(v2sf) =	vpush v4, $0x0  }
0x56: {  	(v2sf) =	vpush v4, $0x1  }
0x57: {  	(v2sf) =	vpush v4, $0x2  }
0x58: {  	(v2sf) =	vpush v4, $0x3  }
0x59: {  	(v2sf) =	vpush v4, $0x4  }
0x5a: {  	(v2sf) =	vpush v4, $0x5;
	_ =	sdelay $0x1  }
0x5b: {  	(v2sf) =	vpush v4, $0x6;
	_ =	sdelay $0x1  }
0x5c: {  	(v2sf) =	vpush v4, $0x7  }
0x5d: {  	(v2sf) =	vpush v4, $0x8;
	_ =	sdelay $0x1  }
0x5e: {  	(v2sf) =	vpush v4, $0x9  }
0x5f: {  	(v2sf) =	vpush v4, $0xA  }
0x60: {  	(v2sf) =	vpush v4, $0xB  }
0x61: {  	[smem:$0x7EE] =	sst s4;
	(v2sf) =	vpush v4, $0xC;
	s21 =	spop (v2sf)  }
0x62: {  	v3 =	vand.u32 $0x1F, v3;
	(v2sf) =	vpush v4, $0xD;
	[dreg:$0x3] =	wrdreg s21;
	s22 =	spop (v2sf)  }
0x63: {  	v3 =	vmul.u32 $0x300, v3;
	(v2sf) =	vpush v4, $0xE;
	[dreg:$0x4] =	wrdreg s22;
	s23 =	spop (v2sf)  }
0x64: {  	(v2sf) =	vpush v4, $0xF;
	[dreg:$0x5] =	wrdreg s23;
	s24 =	spop (v2sf)  }
0x65: {  	(v2sf) =	vpush v3, $0x0;
	[dreg:$0x6] =	wrdreg s24;
	s25 =	spop (v2sf)  }
0x66: {  	(v2sf) =	vpush v3, $0x1;
	[dreg:$0x7] =	wrdreg s25;
	s26 =	spop (v2sf)  }
0x67: {  	(v2sf) =	vpush v3, $0x2;
	s25 =	sor.u32 $0x10, s4;
	[dreg:$0x8] =	wrdreg s26  }
0x68: {  	(v2sf) =	vpush v3, $0x3;
	s29 =	spop (v2sf);
	[smem:$0x7EC] =	sst s25  }
0x69: {  	(v2sf) =	vpush v3, $0x4;
	s26 =	sadd.s32 $0x20, s4;
	[dreg:$0x9] =	wrdreg s29  }
0x6a: {  	(v2sf) =	vpush v3, $0x5;
	s30 =	spop (v2sf);
	[smem:$0x7EF] =	sst s26  }
0x6b: {  	(v2sf) =	vpush v3, $0x6;
	[dreg:$0xa] =	wrdreg s30;
	s1 =	spop (v2sf)  }
0x6c: {  	(v2sf) =	vpush v3, $0x7;
	s30 =	simm.s32 $0x0;
	[dreg:$0xb] =	wrdreg s1  }
0x6d: {  	s2 =	spop (v2sf);
	(v2sf) =	vpush v3, $0x8;
	[smem:$0x7F2] =	sst s30  }
0x6e: {  	[dreg:$0xc] =	wrdreg s2;
	s3 =	spop (v2sf);
	(v2sf) =	vpush v3, $0x9  }
0x6f: {  	[dreg:$0xd] =	wrdreg s3;
	s5 =	spop (v2sf);
	(v2sf) =	vpush v3, $0xA  }
0x70: {  	[dreg:$0xe] =	wrdreg s5;
	s6 =	spop (v2sf);
	(v2sf) =	vpush v3, $0xB  }
0x71: {  	[dreg:$0xf] =	wrdreg s6;
	s7 =	spop (v2sf);
	(v2sf) =	vpush v3, $0xC  }
0x72: {  	[dreg:$0x10] =	wrdreg s7;
	s8 =	spop (v2sf);
	(v2sf) =	vpush v3, $0xD  }
0x73: {  	[dreg:$0x11] =	wrdreg s8;
	s9 =	spop (v2sf);
	(v2sf) =	vpush v3, $0xE  }
0x74: {  	[dreg:$0x12] =	wrdreg s9;
	s10 =	spop (v2sf);
	(v2sf) =	vpush v3, $0xF  }
0x75: {  	s11 =	spop (v2sf);
	[dreg:$0x13] =	wrdreg s10  }
0x76: {  	s12 =	spop (v2sf);
	[dreg:$0x14] =	wrdreg s11  }
0x77: {  	s13 =	spop (v2sf);
	[dreg:$0x15] =	wrdreg s12  }
0x78: {  	s14 =	spop (v2sf);
	[dreg:$0x16] =	wrdreg s13  }
0x79: {  	s15 =	spop (v2sf);
	[dreg:$0x17] =	wrdreg s14  }
0x7a: {  	s16 =	spop (v2sf);
	[dreg:$0x18] =	wrdreg s15  }
0x7b: {  	s17 =	spop (v2sf);
	[dreg:$0x19] =	wrdreg s16  }
0x7c: {  	s18 =	spop (v2sf);
	[dreg:$0x1a] =	wrdreg s17  }
0x7d: {  	s19 =	spop (v2sf);
	[dreg:$0x1b] =	wrdreg s18  }
0x7e: {  	s20 =	spop (v2sf);
	[dreg:$0x1c] =	wrdreg s19  }
0x7f: {  	s28 =	simm.s32 $0x2;
	s21 =	spop (v2sf);
	[dreg:$0x1d] =	wrdreg s20  }
0x80: {  	s31 =	simm.s32 $0x1;
	s22 =	spop (v2sf);
	[dreg:$0x1e] =	wrdreg s21  }
0x81: {  	s25 =	simm.s32 $0x4;
	s23 =	spop (v2sf);
	[dreg:$0x1f] =	wrdreg s22  }
0x82: {  	s7 =	simm.s32 $0x0;
	s24 =	spop (v2sf);
	[smem:$0x7ED] =	sst s23  }
0x83: {  	s8 =	simm.s32 $0x2;
	[smem:$0x7F0] =	sst s24;
	s29 =	spop (v2sf)  }
0x84: {  	s12 =	simm.s32 $0x0;
	s22 =	simm.s32 $0x0;
	[smem:$0x7F1] =	sst s29  }
.LBB2_3:
0x85: {  	s0 =	rddreg [dreg:$0x3]  }
0x86: {  	s1 =	rddreg [dreg:$0x13]  }
0x87: {  	s5 =	sadd.s32 s22, s0;
	s9 =	sadd.s32 s22, s1  }
0x88: {  	s24 =	sand.u32 $0x60, s22;
	s16 =	sand.u32 $0xFFFFFF80, s5;
	s17 =	sand.u32 $0xFF80, s9  }
0x89: {  	s18 =	sor.u32 s24, s16;
	s21 =	sadd.s32 $0x6000, s17  }
0x8a: {  	v3 =	vld [tilespmem:s18+$0x0];
	s0 =	sor.u32 s24, s21  }
0x8b: {  	v4 =	vld [tilespmem:s0+$0x0];
	_ =	sdelay $0x2  }
0x8c: {  	s19 =	rddreg [dreg:$0x4]  }
0x8d: {  	s2 =	rddreg [dreg:$0x14];
	s20 =	sand.u32 $0x1C00, s7  }
0x8e: {  	s1 =	sadd.s32 s22, s19;
	s4 =	sadd.s32 s22, s2;
	s17 =	sadd.s32 $0x12800, s20;
	v3 =	vadd.f32 v4, v3  }
0x8f: {  	s29 =	sand.u32 $0xFFFFFF80, s1;
	s23 =	sand.u32 $0xFF80, s4;
	s2 =	sor.u32 s24, s17  }
0x90: {  	s3 =	sor.u32 s24, s29;
	s30 =	sadd.s32 $0x6000, s23;
	[tilespmem:s2+$0x0] =	vst v3  }
0x91: {  	s0 =	sor.u32 s24, s30;
	v3 =	vld [tilespmem:s3+$0x0]  }
0x92: {  	v28 =	vld [tilespmem:s0+$0x0];
	_ =	sdelay $0x1  }
0x93: {  	[smem:$0x7B5] =	sst s25  }
0x94: {  	s25 =	rddreg [dreg:$0x5]  }
0x95: {  	s26 =	rddreg [dreg:$0x15]  }
0x96: {  	s0 =	sadd.s32 s22, s25;
	s3 =	sadd.s32 s22, s26;
	v3 =	vadd.f32 v28, v3  }
0x97: {  	s19 =	sand.u32 $0xFFFFFF80, s0;
	s6 =	sand.u32 $0xFF80, s3  }
0x98: {  	s10 =	sor.u32 s24, s19;
	s18 =	sadd.s32 $0x6000, s6;
	[tilespmem:s2+$0x80] =	vst v3  }
0x99: {  	[smem:$0x7B7] =	sst s0;
	s0 =	sor.u32 s24, s18;
	v3 =	vld [tilespmem:s10+$0x0]  }
0x9a: {  	v29 =	vld [tilespmem:s0+$0x0];
	_ =	sdelay $0x2  }
0x9b: {  	s11 =	rddreg [dreg:$0x6]  }
0x9c: {  	s13 =	rddreg [dreg:$0x16]  }
0x9d: {  	[smem:$0x7B8] =	sst s3;
	s3 =	sadd.s32 s22, s13;
	s0 =	sadd.s32 s22, s11;
	v3 =	vadd.f32 v29, v3  }
0x9e: {  	s14 =	sand.u32 $0xFF80, s3;
	s23 =	sand.u32 $0xFFFFFF80, s0  }
0x9f: {  	[smem:$0x7E9] =	sst s20;
	s20 =	sadd.s32 $0x6000, s14;
	s15 =	sor.u32 s24, s23;
	[tilespmem:s2+$0x100] =	vst v3  }
0xa0: {  	[smem:$0x7BB] =	sst s0;
	s0 =	sor.u32 s24, s20;
	v3 =	vld [tilespmem:s15+$0x0]  }
0xa1: {  	v30 =	vld [tilespmem:s0+$0x0];
	_ =	sdelay $0x2  }
0xa2: {  	s25 =	rddreg [dreg:$0x7]  }
0xa3: {  	s26 =	rddreg [dreg:$0x17]  }
0xa4: {  	[smem:$0x7BD] =	sst s3;
	s3 =	sadd.s32 s22, s26;
	s0 =	sadd.s32 s22, s25;
	v3 =	vadd.f32 v30, v3  }
0xa5: {  	[smem:$0x7B4] =	sst s28;
	s6 =	sand.u32 $0xFF80, s3;
	s28 =	sand.u32 $0xFFFFFF80, s0  }
0xa6: {  	s25 =	sadd.s32 $0x6000, s6;
	s10 =	sor.u32 s24, s28;
	[tilespmem:s2+$0x180] =	vst v3  }
0xa7: {  	[smem:$0x7C0] =	sst s0;
	s0 =	sor.u32 s24, s25;
	v3 =	vld [tilespmem:s10+$0x0]  }
0xa8: {  	v31 =	vld [tilespmem:s0+$0x0];
	_ =	sdelay $0x2  }
0xa9: {  	s13 =	rddreg [dreg:$0x18]  }
0xaa: {  	s11 =	rddreg [dreg:$0x8]  }
0xab: {  	[smem:$0x7C2] =	sst s3;
	s3 =	sadd.s32 s22, s13;
	s0 =	sadd.s32 s22, s11;
	v3 =	vadd.f32 v31, v3  }
0xac: {  	[smem:$0x7B6] =	sst s31;
	s14 =	sand.u32 $0xFF80, s3;
	s31 =	sand.u32 $0xFFFFFF80, s0  }
0xad: {  	[smem:$0x7C5] =	sst s0;
	s0 =	sadd.s32 $0x6000, s14;
	s15 =	sor.u32 s24, s31;
	[tilespmem:s2+$0x200] =	vst v3  }
0xae: {  	s26 =	sor.u32 s24, s0;
	v3 =	vld [tilespmem:s15+$0x0]  }
0xaf: {  	v32 =	vld [tilespmem:s26+$0x0];
	_ =	sdelay $0x2  }
0xb0: {  	s6 =	rddreg [dreg:$0x9]  }
0xb1: {  	s10 =	rddreg [dreg:$0x19]  }
0xb2: {  	[smem:$0x7C7] =	sst s3;
	s3 =	sadd.s32 s22, s6;
	s6 =	sadd.s32 s22, s10;
	v3 =	vadd.f32 v32, v3  }
0xb3: {  	s13 =	sand.u32 $0xFFFFFF80, s3;
	s11 =	sand.u32 $0xFF80, s6  }
0xb4: {  	[smem:$0x7C8] =	sst s3;
	s14 =	sor.u32 s24, s13;
	s3 =	sadd.s32 $0x6000, s11;
	[tilespmem:s2+$0x280] =	vst v3  }
0xb5: {  	s15 =	sor.u32 s24, s3;
	v3 =	vld [tilespmem:s14+$0x0]  }
0xb6: {  	v33 =	vld [tilespmem:s15+$0x0];
	_ =	sdelay $0x1  }
0xb7: {  	[smem:$0x7C9] =	sst s6  }
0xb8: {  	s26 =	rddreg [dreg:$0xa];
	s14 =	sand.u32 $0x3, s12  }
0xb9: {  	s6 =	rddreg [dreg:$0x1a];
	s11 =	sadd.s32 s22, s26;
	s14 =	sshll.u32 s14, $0x5  }
0xba: {  	[smem:$0x7CB] =	sst s11;
	s15 =	sadd.s32 s22, s6;
	s14 =	sadd.s32 s14, s7;
	v3 =	vadd.f32 v33, v3  }
0xbb: {  	s10 =	sand.u32 $0xFFFFFF80, s11;
	s11 =	sand.u32 $0xFF80, s15;
	s26 =	sor.u32 $0x300, s14  }
0xbc: {  	s2 =	sadd.s32 $0x6000, s11;
	s14 =	sadd.s32 $0x10, s22;
	[tilespmem:s26+$0x12800] =	vst v3;
	s26 =	sor.u32 s24, s10  }
0xbd: {  	[smem:$0x7CC] =	sst s15;
	s15 =	sor.u32 s24, s2;
	v3 =	vld [tilespmem:s26+$0x0];
	s26 =	sand.u32 $0x70, s14  }
0xbe: {  	[smem:$0x7D0] =	sst s12;
	v34 =	vld [tilespmem:s15+$0x0];
	s12 =	sor.u32 s26, s16  }
0xbf: {  	s16 =	sor.u32 s26, s21;
	v5 =	vld [tilespmem:s12+$0x0]  }
0xc0: {  	v6 =	vld [tilespmem:s16+$0x0]  }
0xc1: {  	s6 =	rddreg [dreg:$0x1b]  }
0xc2: {  	s21 =	rddreg [dreg:$0xb]  }
0xc3: {  	s11 =	sadd.s32 s22, s21;
	s12 =	sadd.s32 s22, s6;
	s21 =	sor.u32 s7, s22;
	v3 =	vadd.f32 v34, v3  }
0xc4: {  	s15 =	sor.u32 $0x380, s21;
	s16 =	sand.u32 $0xFFFFFF80, s11;
	s6 =	sand.u32 $0xFF80, s12  }
0xc5: {  	[smem:$0x7CE] =	sst s11;
	s21 =	sadd.s32 $0x6000, s6;
	s11 =	sor.u32 s24, s16;
	[tilespmem:s15+$0x12800] =	vst v3;
	v3 =	vadd.f32 v6, v5  }
0xc6: {  	s17 =	sor.u32 s26, s17;
	[smem:$0x7CF] =	sst s12;
	s12 =	sor.u32 s24, s21;
	v35 =	vld [tilespmem:s11+$0x0]  }
0xc7: {  	[smem:$0x7EA] =	sst s8;
	s29 =	sor.u32 s26, s29;
	v36 =	vld [tilespmem:s12+$0x0];
	[tilespmem:s17+$0x0] =	vst v3  }
0xc8: {  	s6 =	sor.u32 s26, s30;
	s11 =	rddreg [dreg:$0xc];
	v3 =	vld [tilespmem:s29+$0x0]  }
0xc9: {  	s30 =	sadd.s32 s22, s11;
	s11 =	sld [smem:$0x7E9];
	v37 =	vld [tilespmem:s6+$0x0]  }
0xca: {  	s12 =	rddreg [dreg:$0x1c]  }
0xcb: {  	[smem:$0x7D2] =	sst s30;
	s6 =	sadd.s32 s22, s12  }
0xcc: {  	[smem:$0x7D4] =	sst s6;
	s6 =	sand.u32 $0xFF80, s6;
	s29 =	sor.u32 $0x14000, s11;
	v4 =	vadd.f32 v36, v35  }
0xcd: {  	s30 =	sand.u32 $0xFFFFFF80, s30;
	s6 =	sadd.s32 $0x6000, s6;
	s15 =	sor.u32 s24, s29  }
0xce: {  	[smem:$0x7BA] =	sst s6;
	s6 =	sor.u32 s24, s6;
	[tilespmem:s15+$0x0] =	vst v4;
	v3 =	vadd.f32 v37, v3;
	s15 =	sor.u32 s24, s30  }
0xcf: {  	v4 =	vld [tilespmem:s15+$0x0];
	s15 =	sor.u32 s26, s19;
	s19 =	sor.u32 s26, s18;
	s18 =	rddreg [dreg:$0x1d]  }
0xd0: {  	v38 =	vld [tilespmem:s6+$0x0];
	s6 =	rddreg [dreg:$0xd];
	[tilespmem:s17+$0x80] =	vst v3;
	s18 =	sadd.s32 s22, s18  }
0xd1: {  	v3 =	vld [tilespmem:s15+$0x0];
	s15 =	sadd.s32 s22, s6;
	[smem:$0x7D8] =	sst s18  }
0xd2: {  	v39 =	vld [tilespmem:s19+$0x0];
	s19 =	sor.u32 $0x14080, s11;
	[smem:$0x7D6] =	sst s15  }
0xd3: {  	s6 =	sand.u32 $0xFF80, s18;
	[smem:$0x7BC] =	sst s19;
	s12 =	sor.u32 s24, s19  }
0xd4: {  	s19 =	sand.u32 $0xFFFFFF80, s15;
	s18 =	sadd.s32 $0x6000, s6;
	s6 =	rddreg [dreg:$0xe]  }
0xd5: {  	[smem:$0x7BE] =	sst s19;
	v4 =	vadd.f32 v38, v4  }
0xd6: {  	[smem:$0x7BF] =	sst s18;
	s15 =	sor.u32 s24, s19  }
0xd7: {  	s19 =	sor.u32 s26, s23;
	s23 =	sor.u32 s26, s20;
	s20 =	sor.u32 $0x14100, s11;
	[tilespmem:s12+$0x0] =	vst v4;
	v3 =	vadd.f32 v39, v3  }
0xd8: {  	s18 =	sor.u32 s24, s18;
	[smem:$0x7C1] =	sst s20;
	v4 =	vld [tilespmem:s15+$0x0]  }
0xd9: {  	v40 =	vld [tilespmem:s18+$0x0];
	s18 =	rddreg [dreg:$0x1e];
	s15 =	sadd.s32 s22, s6;
	[tilespmem:s17+$0x100] =	vst v3  }
0xda: {  	[smem:$0x7D9] =	sst s15;
	s6 =	sand.u32 $0xFFFFFF80, s15;
	v3 =	vld [tilespmem:s19+$0x0]  }
0xdb: {  	v41 =	vld [tilespmem:s23+$0x0];
	[smem:$0x7C3] =	sst s6  }
0xdc: {  	s19 =	sadd.s32 s22, s18;
	s15 =	sor.u32 s24, s6;
	s6 =	rddreg [dreg:$0x1f]  }
0xdd: {  	s23 =	sor.u32 s24, s20;
	[smem:$0x7DB] =	sst s19;
	s20 =	sand.u32 $0xFF80, s19  }
0xde: {  	s19 =	sor.u32 s26, s28;
	s28 =	sld [smem:$0x7B4];
	s12 =	sadd.s32 s22, s6;
	v4 =	vadd.f32 v40, v4  }
0xdf: {  	[smem:$0x7DF] =	sst s12  }
0xe0: {  	s6 =	sand.u32 $0xFF80, s12;
	s12 =	sld [smem:$0x7ED];
	[tilespmem:s23+$0x0] =	vst v4;
	s23 =	sadd.s32 $0x6000, s20;
	v3 =	vadd.f32 v41, v3  }
0xe1: {  	s20 =	sor.u32 s26, s25;
	s25 =	sld [smem:$0x7B5];
	v4 =	vld [tilespmem:s15+$0x0];
	s18 =	sor.u32 s24, s23  }
0xe2: {  	[smem:$0x7C4] =	sst s23;
	v42 =	vld [tilespmem:s18+$0x0];
	[tilespmem:s17+$0x180] =	vst v3  }
0xe3: {  	s12 =	sadd.s32 s22, s12;
	s23 =	rddreg [dreg:$0xf];
	v3 =	vld [tilespmem:s19+$0x0]  }
0xe4: {  	[smem:$0x7E2] =	sst s12;
	s15 =	sadd.s32 s22, s23;
	v43 =	vld [tilespmem:s20+$0x0]  }
0xe5: {  	[smem:$0x7DD] =	sst s15;
	s19 =	sor.u32 $0x14180, s11  }
0xe6: {  	s0 =	sor.u32 s26, s0;
	s23 =	sand.u32 $0xFFFFFF80, s15;
	[smem:$0x7C6] =	sst s19  }
0xe7: {  	s15 =	sadd.s32 $0x6000, s6;
	s20 =	sor.u32 s24, s19;
	[smem:$0x7CA] =	sst s23;
	v4 =	vadd.f32 v42, v4  }
0xe8: {  	[smem:$0x7D3] =	sst s15;
	s18 =	sor.u32 s24, s23;
	s23 =	sand.u32 $0x7, s25  }
0xe9: {  	s19 =	sor.u32 s24, s15;
	s15 =	rddreg [dreg:$0x10];
	s6 =	sshll.u32 s23, $0x4;
	v3 =	vadd.f32 v43, v3;
	[tilespmem:s20+$0x0] =	vst v4  }
0xea: {  	s15 =	sadd.s32 s22, s15;
	s20 =	sor.u32 s26, s31;
	s31 =	sld [smem:$0x7B6];
	v4 =	vld [tilespmem:s18+$0x0]  }
0xeb: {  	[smem:$0x7E0] =	sst s15;
	v44 =	vld [tilespmem:s19+$0x0];
	[tilespmem:s17+$0x200] =	vst v3;
	s18 =	sadd.s32 s7, s6;
	s19 =	sand.u32 $0x3, s8  }
0xec: {  	v3 =	vld [tilespmem:s20+$0x0];
	[smem:$0x7D1] =	sst s18;
	s20 =	sand.u32 $0x7, s28;
	s18 =	sor.u32 $0x14200, s11  }
0xed: {  	v45 =	vld [tilespmem:s0+$0x0];
	s23 =	sand.u32 $0x3, s31;
	s8 =	sshll.u32 s20, $0x4;
	[smem:$0x7D5] =	sst s18  }
0xee: {  	s0 =	sshll.u32 s19, $0x5;
	[smem:$0x7B9] =	sst s8;
	s19 =	sshll.u32 s23, $0x5  }
0xef: {  	s23 =	sand.u32 $0xFFFFFF80, s15;
	s8 =	sand.u32 $0xFF80, s12;
	s15 =	sld [smem:$0x7F0]  }
0xf0: {  	[smem:$0x7D7] =	sst s23;
	s8 =	sadd.s32 $0x6000, s8;
	v4 =	vadd.f32 v44, v4  }
0xf1: {  	s20 =	sor.u32 s24, s18;
	[smem:$0x7DA] =	sst s8  }
0xf2: {  	s6 =	sor.u32 s24, s8;
	s8 =	sld [smem:$0x7F1];
	v3 =	vadd.f32 v45, v3;
	[tilespmem:s20+$0x0] =	vst v4  }
0xf3: {  	s20 =	sld [smem:$0x7F2];
	v46 =	vld [tilespmem:s6+$0x0];
	s6 =	sadd.s32 s22, s15  }
0xf4: {  	s13 =	sor.u32 s26, s13;
	[tilespmem:s17+$0x280] =	vst v3;
	[smem:$0x7E5] =	sst s6  }
0xf5: {  	s18 =	sor.u32 s24, s23;
	s15 =	sadd.s32 s22, s8;
	v3 =	vld [tilespmem:s13+$0x0];
	s13 =	rddreg [dreg:$0x12]  }
0xf6: {  	s14 =	sor.u32 s14, s7;
	v4 =	vld [tilespmem:s18+$0x0];
	[smem:$0x7E8] =	sst s15;
	s18 =	sand.u32 $0xFF80, s6  }
0xf7: {  	s6 =	sand.u32 $0xFF80, s15;
	[smem:$0x7F2] =	sst s20;
	s23 =	sand.u32 $0x7, s20  }
0xf8: {  	s8 =	sadd.s32 s22, s13;
	s12 =	sshll.u32 s23, $0x4;
	s23 =	rddreg [dreg:$0x11]  }
0xf9: {  	s3 =	sor.u32 s26, s3;
	s6 =	sadd.s32 $0x6000, s6;
	[smem:$0x7E6] =	sst s8  }
0xfa: {  	s2 =	sor.u32 s26, s2;
	[smem:$0x7E7] =	sst s6;
	s8 =	sand.u32 $0xFFFFFF80, s8  }
0xfb: {  	s17 =	sor.u32 s26, s30;
	s20 =	sadd.s32 s22, s23;
	[smem:$0x7E4] =	sst s8  }
0xfc: {  	v47 =	vld [tilespmem:s3+$0x0];
	s3 =	sadd.s32 s7, s12;
	s23 =	sadd.s32 $0x6000, s18;
	[smem:$0x7E3] =	sst s20  }
0xfd: {  	s12 =	sor.u32 s26, s10;
	s10 =	sor.u32 $0x14280, s11;
	[smem:$0x7E1] =	sst s23  }
0xfe: {  	s15 =	sadd.s32 $0x20, s9;
	s3 =	sadd.s32 $0x10, s3;
	[smem:$0x7DC] =	sst s10  }
0xff: {  	v4 =	vadd.f32 v46, v4;
	s13 =	sor.u32 s24, s10;
	s18 =	sand.u32 $0xFFFFFF80, s20;
	s10 =	sor.u32 s26, s21  }
0x100: {  	s21 =	sor.u32 s24, s23;
	s23 =	sadd.s32 $0x20, s22;
	s3 =	sor.u32 $0x300, s3  }
0x101: {  	[smem:$0x7DE] =	sst s18;
	v3 =	vadd.f32 v47, v3;
	s20 =	sor.u32 s24, s18;
	s18 =	sor.u32 s26, s29;
	[tilespmem:s13+$0x0] =	vst v4  }
0x102: {  	s29 =	sadd.s32 $0x20, s5;
	s13 =	sor.u32 $0x380, s14;
	s14 =	sor.u32 s26, s16;
	v4 =	vld [tilespmem:s20+$0x0]  }
0x103: {  	s30 =	sand.u32 $0xFFFFFF80, s29;
	s16 =	sand.u32 $0x60, s23;
	s23 =	sadd.s32 $0x20, s1;
	v48 =	vld [tilespmem:s21+$0x0];
	[tilespmem:s3+$0x12800] =	vst v3  }
0x104: {  	s29 =	sadd.s32 $0x20, s4;
	s20 =	sadd.s32 $0x100, s7;
	v3 =	vld [tilespmem:s12+$0x0];
	s12 =	sor.u32 s16, s30  }
0x105: {  	v49 =	vld [tilespmem:s2+$0x0];
	s2 =	sand.u32 $0xFF80, s15;
	s21 =	sadd.s32 s19, s20;
	s3 =	sand.u32 $0x3C00, s20  }
0x106: {  	s30 =	sor.u32 $0x14300, s11;
	s19 =	sand.u32 $0xFF80, s29;
	s29 =	sadd.s32 $0x30, s22  }
0x107: {  	[smem:$0x7CD] =	sst s21;
	s15 =	sor.u32 s16, s2;
	s3 =	sor.u32 s16, s3  }
0x108: {  	s2 =	sand.u32 $0xFFFFFF80, s23;
	s11 =	sor.u32 s24, s30;
	s19 =	sor.u32 s16, s19;
	v4 =	vadd.f32 v48, v4  }
0x109: {  	s21 =	sor.u32 s24, s8;
	s23 =	sor.u32 s24, s6;
	s6 =	sadd.s32 $0x30, s5  }
0x10a: {  	v51 =	vld [tilespmem:s12+$0x0];
	s20 =	sor.u32 s16, s2;
	s8 =	sand.u32 $0xFFFFFF80, s6;
	s2 =	sand.u32 $0x70, s29;
	v50 =	vadd.f32 v49, v3;
	[tilespmem:s11+$0x0] =	vst v4  }
0x10b: {  	s29 =	sadd.s32 $0x40, s22;
	s6 =	sadd.s32 $0x180, s7;
	s11 =	sadd.s32 $0x30, s9;
	v3 =	vld [tilespmem:s21+$0x0]  }
0x10c: {  	v4 =	vld [tilespmem:s23+$0x0];
	[tilespmem:s13+$0x12800] =	vst v50;
	s13 =	sor.u32 s2, s8;
	s21 =	sand.u32 $0xFF80, s11;
	s23 =	sadd.s32 $0x40, s5  }
0x10d: {  	v7 =	vld [tilespmem:s15+$0x6000];
	s8 =	sadd.s32 $0x40, s9;
	s5 =	sadd.s32 $0x50, s5;
	s9 =	sadd.s32 $0x50, s9  }
0x10e: {  	v5 =	vld [tilespmem:s14+$0x0];
	s12 =	sor.u32 s2, s21;
	s21 =	sand.u32 $0xFFFFFF80, s23;
	s14 =	sand.u32 $0x60, s29  }
0x10f: {  	v8 =	vld [tilespmem:s13+$0x0];
	s13 =	sand.u32 $0x3C00, s6;
	s29 =	sand.u32 $0xFF80, s8;
	s8 =	sadd.s32 $0x50, s22  }
0x110: {  	s9 =	sand.u32 $0xFF80, s9;
	s11 =	sor.u32 s14, s21;
	v9 =	vld [tilespmem:s12+$0x6000];
	s6 =	sor.u32 s14, s29  }
0x111: {  	s29 =	sadd.s32 $0x30, s1;
	s13 =	sor.u32 s2, s13;
	v10 =	vld [tilespmem:s11+$0x0];
	s11 =	sand.u32 $0xFFFFFF80, s5  }
0x112: {  	s5 =	sand.u32 $0x70, s8;
	v11 =	vld [tilespmem:s6+$0x6000];
	s6 =	sand.u32 $0xFFFFFF80, s29;
	s8 =	sadd.s32 $0x30, s4  }
0x113: {  	v6 =	vadd.f32 v7, v51;
	s23 =	sor.u32 s5, s11;
	s9 =	sor.u32 s5, s9;
	s12 =	sor.u32 s2, s6  }
0x114: {  	v13 =	vld [tilespmem:s10+$0x0];
	s11 =	sadd.s32 $0x200, s7;
	s6 =	sadd.s32 $0x40, s1;
	s1 =	sadd.s32 $0x50, s1  }
0x115: {  	[tilespmem:s3+$0x12800] =	vst v6;
	v52 =	vld [tilespmem:s9+$0x6000];
	s9 =	sand.u32 $0xFF80, s8;
	s29 =	sadd.s32 s0, s11;
	s21 =	sand.u32 $0x3C00, s11  }
0x116: {  	v54 =	vld [tilespmem:s20+$0x0];
	s0 =	sand.u32 $0xFFFFFF80, s6;
	s8 =	sadd.s32 $0x40, s4;
	s11 =	sadd.s32 $0x280, s7;
	v53 =	vadd.f32 v9, v8  }
0x117: {  	v12 =	vld [tilespmem:s23+$0x0];
	s20 =	sand.u32 $0xFFFFFF80, s1;
	s23 =	sor.u32 s2, s9;
	s9 =	sor.u32 s14, s21  }
0x118: {  	v55 =	vld [tilespmem:s19+$0x6000];
	s19 =	sand.u32 $0x3C00, s11;
	s21 =	sadd.s32 $0x50, s4;
	s11 =	sld [smem:$0x7B7];
	v56 =	vadd.f32 v11, v10;
	[tilespmem:s13+$0x12800] =	vst v53  }
0x119: {  	s15 =	sand.u32 $0xFF80, s8;
	s8 =	sld [smem:$0x7B8];
	s1 =	sand.u32 $0xFF80, s21;
	v57 =	vld [tilespmem:s12+$0x0]  }
0x11a: {  	s0 =	sor.u32 s14, s0;
	s10 =	sor.u32 s5, s19;
	s6 =	sor.u32 s5, s1;
	v58 =	vld [tilespmem:s23+$0x6000];
	[tilespmem:s9+$0x12800] =	vst v56  }
0x11b: {  	v5 =	vadd.f32 v13, v5;
	s12 =	sor.u32 s14, s15;
	s23 =	sadd.s32 $0x20, s11;
	s15 =	sadd.s32 $0x30, s11;
	v60 =	vld [tilespmem:s0+$0x0]  }
0x11c: {  	v59 =	vadd.f32 v52, v12;
	v61 =	vld [tilespmem:s12+$0x6000];
	s4 =	sand.u32 $0xFFFFFF80, s23;
	s0 =	sor.u32 s5, s20;
	s12 =	sadd.s32 $0x20, s8  }
0x11d: {  	[tilespmem:s18+$0x0] =	vst v5;
	s19 =	sand.u32 $0xFFFFFF80, s15;
	s20 =	sadd.s32 $0x30, s8;
	s23 =	sadd.s32 $0x40, s11  }
0x11e: {  	v8 =	vadd.f32 v55, v54;
	v63 =	vld [tilespmem:s17+$0x0];
	[tilespmem:s10+$0x12800] =	vst v59;
	s4 =	sor.u32 s16, s4;
	s1 =	sand.u32 $0xFF80, s12;
	s21 =	sor.u32 s2, s19  }
0x11f: {  	s12 =	sand.u32 $0xFF80, s20;
	s15 =	sand.u32 $0xFFFFFF80, s23;
	v6 =	vld [tilespmem:s0+$0x0];
	s0 =	sadd.s32 $0x12800, s3  }
0x120: {  	s19 =	sadd.s32 $0x50, s11;
	s23 =	sld [smem:$0x7B9];
	v62 =	vld [tilespmem:s6+$0x6000];
	s18 =	sor.u32 s16, s1;
	[tilespmem:s0+$0x80] =	vst v8;
	v15 =	vadd.f32 v58, v57  }
0x121: {  	s1 =	sadd.s32 $0x12800, s13;
	s12 =	sor.u32 s2, s12;
	s6 =	sadd.s32 $0x40, s8;
	v16 =	vld [tilespmem:s4+$0x0]  }
0x122: {  	s20 =	sand.u32 $0xFFFFFF80, s19;
	s19 =	sld [smem:$0x7BB];
	s17 =	sand.u32 $0xFF80, s6;
	v17 =	vld [tilespmem:s18+$0x6000];
	v7 =	vadd.f32 v61, v60;
	[tilespmem:s1+$0x80] =	vst v15  }
0x123: {  	s4 =	sor.u32 s14, s15;
	s15 =	sld [smem:$0x7BA];
	v8 =	vld [tilespmem:s21+$0x0];
	s21 =	sadd.s32 $0x12800, s9  }
0x124: {  	s18 =	sor.u32 s14, s17;
	s6 =	sadd.s32 s7, s23;
	s23 =	sld [smem:$0x7BC];
	v18 =	vld [tilespmem:s12+$0x6000];
	[tilespmem:s21+$0x80] =	vst v7  }
0x125: {  	s8 =	sadd.s32 $0x50, s8;
	s11 =	sor.u32 s5, s20;
	v5 =	vadd.f32 v62, v6;
	v7 =	vld [tilespmem:s18+$0x6000];
	s18 =	sld [smem:$0x7BD]  }
0x126: {  	s20 =	sadd.s32 $0x20, s19;
	s17 =	sor.u32 s26, s15;
	v19 =	vld [tilespmem:s4+$0x0];
	s4 =	sadd.s32 $0x12800, s10  }
0x127: {  	s8 =	sand.u32 $0xFF80, s8;
	s15 =	sand.u32 $0xFFFFFF80, s20;
	v21 =	vld [tilespmem:s17+$0x0];
	v10 =	vadd.f32 v17, v16;
	[tilespmem:s4+$0x80] =	vst v5  }
0x128: {  	s8 =	sor.u32 s5, s8;
	s20 =	sor.u32 s16, s15;
	v5 =	vld [tilespmem:s11+$0x0];
	s11 =	sadd.s32 $0x20, s18  }
0x129: {  	v20 =	vld [tilespmem:s8+$0x6000];
	s8 =	sor.u32 s26, s23;
	[tilespmem:s0+$0x100] =	vst v10;
	v8 =	vadd.f32 v18, v8;
	s23 =	sand.u32 $0xFF80, s11;
	s11 =	sadd.s32 $0x30, s19  }
0x12a: {  	v10 =	vld [tilespmem:s20+$0x0];
	s20 =	sor.u32 s16, s23;
	s23 =	sand.u32 $0xFFFFFF80, s11;
	s11 =	sadd.s32 $0x30, s18  }
0x12b: {  	[tilespmem:s1+$0x100] =	vst v8;
	v22 =	vld [tilespmem:s20+$0x6000];
	s20 =	sor.u32 s2, s23;
	s23 =	sand.u32 $0xFF80, s11  }
0x12c: {  	s17 =	sadd.s32 $0x50, s18;
	s11 =	sadd.s32 $0x40, s19;
	v23 =	vld [tilespmem:s20+$0x0];
	s20 =	sor.u32 s2, s23  }
0x12d: {  	s23 =	sand.u32 $0xFFFFFF80, s11;
	s11 =	sadd.s32 $0x40, s18;
	s18 =	sld [smem:$0x7BE]  }
0x12e: {  	v6 =	vadd.f32 v7, v19;
	s15 =	sor.u32 s14, s23  }
0x12f: {  	v8 =	vld [tilespmem:s20+$0x6000];
	s20 =	sand.u32 $0xFF80, s11;
	s23 =	sadd.s32 $0x50, s19;
	s19 =	sld [smem:$0x7BF]  }
0x130: {  	[tilespmem:s21+$0x100] =	vst v6;
	v5 =	vadd.f32 v20, v5;
	s11 =	sand.u32 $0xFFFFFF80, s23;
	s12 =	sor.u32 s26, s18;
	s18 =	sld [smem:$0x7C1]  }
0x131: {  	v6 =	vld [tilespmem:s15+$0x0];
	s15 =	sor.u32 s14, s20;
	s11 =	sor.u32 s5, s11  }
0x132: {  	[tilespmem:s4+$0x100] =	vst v5;
	v24 =	vld [tilespmem:s15+$0x6000];
	s15 =	sand.u32 $0xFF80, s17;
	s17 =	sor.u32 s26, s19;
	s19 =	sld [smem:$0x7C0]  }
0x133: {  	v5 =	vld [tilespmem:s11+$0x0];
	s11 =	sor.u32 s26, s18;
	s18 =	sld [smem:$0x7C2];
	_ =	sdelay $0x1  }
0x134: {  	v9 =	vadd.f32 v21, v63;
	s20 =	sor.u32 s5, s15;
	s23 =	sadd.s32 $0x20, s19  }
0x135: {  	v10 =	vadd.f32 v22, v10;
	v25 =	vld [tilespmem:s20+$0x6000];
	s20 =	sand.u32 $0xFFFFFF80, s23;
	s23 =	sadd.s32 $0x20, s18  }
0x136: {  	[tilespmem:s8+$0x0] =	vst v9;
	v7 =	vadd.f32 v8, v23;
	s8 =	sor.u32 s16, s20;
	s20 =	sand.u32 $0xFF80, s23;
	s23 =	sadd.s32 $0x30, s19  }
0x137: {  	v26 =	vld [tilespmem:s12+$0x0];
	[tilespmem:s0+$0x180] =	vst v10;
	s12 =	sor.u32 s16, s20;
	s20 =	sand.u32 $0xFFFFFF80, s23;
	s23 =	sadd.s32 $0x30, s18  }
0x138: {  	[tilespmem:s1+$0x180] =	vst v7;
	v10 =	vld [tilespmem:s12+$0x6000];
	s12 =	sor.u32 s2, s20;
	s20 =	sand.u32 $0xFF80, s23;
	s23 =	sadd.s32 $0x40, s19  }
0x139: {  	v7 =	vld [tilespmem:s12+$0x0];
	s12 =	sor.u32 s2, s20;
	s20 =	sand.u32 $0xFFFFFF80, s23;
	s23 =	sadd.s32 $0x40, s18  }
0x13a: {  	v5 =	vadd.f32 v25, v5;
	v28 =	vld [tilespmem:s12+$0x6000];
	s12 =	sor.u32 s14, s20;
	s20 =	sand.u32 $0xFF80, s23;
	s23 =	sadd.s32 $0x50, s19  }
0x13b: {  	v6 =	vadd.f32 v24, v6;
	s19 =	sor.u32 s14, s20;
	s20 =	sand.u32 $0xFFFFFF80, s23  }
0x13c: {  	s15 =	sld [smem:$0x7C4];
	v27 =	vld [tilespmem:s8+$0x0];
	[tilespmem:s4+$0x180] =	vst v5;
	s20 =	sor.u32 s5, s20  }
0x13d: {  	[tilespmem:s21+$0x180] =	vst v6;
	s23 =	sadd.s32 $0x50, s18;
	v5 =	vld [tilespmem:s20+$0x0];
	s20 =	sld [smem:$0x7C6]  }
0x13e: {  	v29 =	vld [tilespmem:s19+$0x6000];
	s19 =	sld [smem:$0x7C3];
	s23 =	sand.u32 $0xFF80, s23  }
0x13f: {  	v6 =	vld [tilespmem:s12+$0x0];
	s12 =	sor.u32 s5, s23;
	s23 =	sld [smem:$0x7C5]  }
0x140: {  	v30 =	vld [tilespmem:s12+$0x6000];
	s12 =	sor.u32 s26, s20;
	s20 =	sld [smem:$0x7C7];
	_ =	sdelay $0x1  }
0x141: {  	v8 =	vadd.f32 v10, v27;
	s18 =	sor.u32 s26, s19;
	s19 =	sadd.s32 $0x20, s23  }
0x142: {  	s8 =	sor.u32 s26, s15;
	s15 =	sand.u32 $0xFFFFFF80, s19;
	s19 =	sadd.s32 $0x20, s20  }
0x143: {  	v31 =	vld [tilespmem:s17+$0x0];
	[tilespmem:s0+$0x200] =	vst v8;
	v7 =	vadd.f32 v28, v7;
	s15 =	sor.u32 s16, s15;
	s17 =	sand.u32 $0xFF80, s19;
	s19 =	sadd.s32 $0x30, s23  }
0x144: {  	v8 =	vld [tilespmem:s15+$0x0];
	s15 =	sor.u32 s16, s17;
	s17 =	sand.u32 $0xFFFFFF80, s19;
	s19 =	sadd.s32 $0x30, s20  }
0x145: {  	[tilespmem:s1+$0x200] =	vst v7;
	v6 =	vadd.f32 v29, v6;
	v32 =	vld [tilespmem:s15+$0x6000];
	s15 =	sor.u32 s2, s17;
	s17 =	sand.u32 $0xFF80, s19;
	s19 =	sadd.s32 $0x40, s23  }
0x146: {  	v7 =	vld [tilespmem:s15+$0x0];
	s15 =	sor.u32 s2, s17;
	s17 =	sand.u32 $0xFFFFFF80, s19;
	s19 =	sadd.s32 $0x40, s20  }
0x147: {  	[tilespmem:s21+$0x200] =	vst v6;
	s23 =	sadd.s32 $0x50, s23;
	s17 =	sor.u32 s14, s17;
	s19 =	sand.u32 $0xFF80, s19  }
0x148: {  	v6 =	vld [tilespmem:s17+$0x0];
	s17 =	sor.u32 s14, s19;
	s19 =	sand.u32 $0xFFFFFF80, s23;
	s23 =	sadd.s32 $0x50, s20  }
0x149: {  	v34 =	vld [tilespmem:s17+$0x6000];
	s17 =	sand.u32 $0xFF80, s23;
	s23 =	sld [smem:$0x7C8]  }
0x14a: {  	v5 =	vadd.f32 v30, v5;
	_ =	sdelay $0x1  }
0x14b: {  	[tilespmem:s4+$0x200] =	vst v5;
	v33 =	vld [tilespmem:s15+$0x6000];
	s15 =	sor.u32 s5, s19;
	s20 =	sadd.s32 $0x20, s23  }
0x14c: {  	v5 =	vld [tilespmem:s15+$0x0];
	s15 =	sand.u32 $0xFFFFFF80, s20;
	s20 =	sld [smem:$0x7C9];
	_ =	sdelay $0x2  }
0x14d: {  	v8 =	vadd.f32 v32, v8;
	s17 =	sor.u32 s5, s17;
	s19 =	sadd.s32 $0x20, s20  }
0x14e: {  	v12 =	vadd.f32 v31, v26;
	v35 =	vld [tilespmem:s17+$0x6000];
	s17 =	sld [smem:$0x7CA];
	s19 =	sand.u32 $0xFF80, s19  }
0x14f: {  	[tilespmem:s0+$0x280] =	vst v8;
	s0 =	sor.u32 s16, s19;
	s19 =	sld [smem:$0x7CB]  }
0x150: {  	[tilespmem:s11+$0x0] =	vst v12  }
0x151: {  	v12 =	vld [tilespmem:s18+$0x0];
	s18 =	sadd.s32 $0x30, s23  }
0x152: {  	v7 =	vadd.f32 v33, v7;
	s11 =	sor.u32 s26, s17;
	s15 =	sor.u32 s16, s15;
	s17 =	sadd.s32 $0x20, s19  }
0x153: {  	v8 =	vld [tilespmem:s15+$0x0];
	s15 =	sand.u32 $0xFFFFFF80, s17;
	s17 =	sand.u32 $0xFFFFFF80, s18;
	s18 =	sadd.s32 $0x30, s20  }
0x154: {  	[tilespmem:s1+$0x280] =	vst v7;
	v6 =	vadd.f32 v34, v6;
	v36 =	vld [tilespmem:s0+$0x6000];
	s0 =	sor.u32 s2, s17;
	s17 =	sand.u32 $0xFF80, s18;
	s18 =	sadd.s32 $0x40, s23  }
0x155: {  	v7 =	vld [tilespmem:s0+$0x0];
	s0 =	sor.u32 s2, s17;
	s17 =	sand.u32 $0xFFFFFF80, s18;
	s18 =	sadd.s32 $0x40, s20  }
0x156: {  	[tilespmem:s21+$0x280] =	vst v6;
	v5 =	vadd.f32 v35, v5;
	s23 =	sadd.s32 $0x50, s23;
	s17 =	sor.u32 s14, s17;
	s21 =	sand.u32 $0xFF80, s18  }
0x157: {  	v6 =	vld [tilespmem:s17+$0x0];
	s17 =	sor.u32 s14, s21;
	s21 =	sand.u32 $0xFFFFFF80, s23;
	s23 =	sadd.s32 $0x50, s20  }
0x158: {  	[tilespmem:s4+$0x280] =	vst v5;
	s20 =	sld [smem:$0x7CC];
	v38 =	vld [tilespmem:s17+$0x6000];
	s17 =	sor.u32 s5, s21;
	s21 =	sand.u32 $0xFF80, s23  }
0x159: {  	v5 =	vld [tilespmem:s17+$0x0];
	s17 =	sor.u32 s5, s21;
	s21 =	sld [smem:$0x7CD]  }
0x15a: {  	v37 =	vld [tilespmem:s0+$0x6000]  }
0x15b: {  	v8 =	vadd.f32 v36, v8;
	s23 =	sadd.s32 $0x20, s20  }
0x15c: {  	s0 =	sor.u32 s16, s15;
	s18 =	sand.u32 $0xFF80, s23;
	s23 =	sor.u32 $0x300, s21  }
0x15d: {  	v39 =	vld [tilespmem:s17+$0x6000];
	s17 =	sadd.s32 $0x30, s19;
	s15 =	sor.u32 s16, s18;
	[tilespmem:s23+$0x12800] =	vst v8;
	s23 =	sld [smem:$0x7CE]  }
0x15e: {  	s18 =	sor.u32 $0x380, s21;
	s21 =	smov.u32 s19;
	s19 =	sadd.s32 $0x30, s20  }
0x15f: {  	v40 =	vld [tilespmem:s8+$0x0];
	v7 =	vadd.f32 v37, v7;
	s17 =	sand.u32 $0xFFFFFF80, s17;
	s19 =	sand.u32 $0xFF80, s19  }
0x160: {  	v6 =	vadd.f32 v38, v6;
	v41 =	vld [tilespmem:s15+$0x6000];
	s15 =	sor.u32 s2, s17;
	s17 =	sor.u32 $0x300, s29;
	s8 =	sadd.s32 $0x20, s23  }
0x161: {  	[tilespmem:s1+$0x300] =	vst v7;
	v8 =	vld [tilespmem:s0+$0x0];
	s0 =	sand.u32 $0xFFFFFF80, s8;
	s8 =	sor.u32 s2, s19;
	s19 =	sadd.s32 $0x40, s21  }
0x162: {  	v7 =	vld [tilespmem:s15+$0x0];
	[tilespmem:s17+$0x12800] =	vst v6;
	v5 =	vadd.f32 v39, v5;
	s17 =	sadd.s32 $0x50, s20;
	s1 =	sand.u32 $0xFFFFFF80, s19;
	s19 =	sadd.s32 $0x40, s20  }
0x163: {  	v42 =	vld [tilespmem:s8+$0x6000];
	s20 =	sand.u32 $0xFF80, s17;
	s17 =	sld [smem:$0x7CF];
	s1 =	sor.u32 s14, s1  }
0x164: {  	s21 =	sadd.s32 $0x50, s21;
	[tilespmem:s4+$0x300] =	vst v5;
	s19 =	sand.u32 $0xFF80, s19;
	s4 =	sor.u32 s5, s20;
	v6 =	vld [tilespmem:s1+$0x0]  }
0x165: {  	s15 =	sand.u32 $0xFFFFFF80, s21;
	s0 =	sor.u32 s16, s0;
	s8 =	sor.u32 s14, s19;
	v46 =	vld [tilespmem:s4+$0x6000]  }
0x166: {  	v44 =	vadd.f32 v40, v12;
	s19 =	sor.u32 s5, s15;
	s15 =	sadd.s32 $0x190, s6;
	v43 =	vld [tilespmem:s8+$0x6000];
	s21 =	sadd.s32 $0x20, s17  }
0x167: {  	v45 =	vld [tilespmem:s19+$0x0];
	s19 =	sadd.s32 $0x30, s23;
	s4 =	sor.u32 $0x300, s15;
	s20 =	sadd.s32 $0x30, s17  }
0x168: {  	[tilespmem:s12+$0x0] =	vst v44;
	v8 =	vadd.f32 v41, v8;
	s15 =	sadd.s32 $0x40, s23;
	s8 =	sand.u32 $0xFF80, s21;
	s6 =	sand.u32 $0xFFFFFF80, s19  }
0x169: {  	v47 =	vld [tilespmem:s11+$0x0];
	s11 =	sand.u32 $0xFF80, s20;
	s19 =	sand.u32 $0xFFFFFF80, s15;
	s20 =	sadd.s32 $0x40, s17  }
0x16a: {  	[tilespmem:s18+$0x12800] =	vst v8;
	s17 =	sadd.s32 $0x50, s17;
	s1 =	sor.u32 s16, s8;
	v7 =	vadd.f32 v42, v7;
	s8 =	sld [smem:$0x7D1]  }
0x16b: {  	v8 =	vld [tilespmem:s0+$0x0];
	s21 =	sor.u32 s2, s6;
	s18 =	sor.u32 s2, s11;
	s11 =	sadd.s32 $0x50, s23  }
0x16c: {  	s6 =	sand.u32 $0xFF80, s20;
	s23 =	sld [smem:$0x7D3];
	v48 =	vld [tilespmem:s1+$0x6000];
	s15 =	sand.u32 $0xFFFFFF80, s11;
	[tilespmem:s4+$0x12800] =	vst v7;
	v6 =	vadd.f32 v43, v6  }
0x16d: {  	v7 =	vld [tilespmem:s21+$0x0];
	s21 =	sor.u32 $0x380, s29;
	s1 =	sadd.s32 $0x290, s8;
	s8 =	sld [smem:$0x7D2]  }
0x16e: {  	s4 =	sor.u32 s14, s19;
	v49 =	vld [tilespmem:s18+$0x6000];
	s29 =	sor.u32 s14, s6;
	v5 =	vadd.f32 v46, v45;
	s6 =	sld [smem:$0x7D4];
	[tilespmem:s21+$0x12800] =	vst v6  }
0x16f: {  	s19 =	sand.u32 $0xFF80, s17;
	s18 =	sor.u32 s5, s15;
	s1 =	sor.u32 $0x300, s1;
	v6 =	vld [tilespmem:s4+$0x0]  }
0x170: {  	s20 =	sor.u32 s5, s19;
	s0 =	sor.u32 s26, s23;
	[tilespmem:s1+$0x12800] =	vst v5;
	v50 =	vld [tilespmem:s29+$0x6000];
	s21 =	sadd.s32 $0x20, s8  }
0x171: {  	v8 =	vadd.f32 v48, v8;
	v51 =	vld [tilespmem:s20+$0x6000];
	s29 =	sadd.s32 $0x20, s6;
	s17 =	sadd.s32 $0x30, s8;
	s20 =	sadd.s32 $0x30, s6  }
0x172: {  	v52 =	vld [tilespmem:s0+$0x0];
	s1 =	sand.u32 $0xFFFFFF80, s21;
	s15 =	sand.u32 $0xFF80, s29;
	s19 =	sand.u32 $0xFFFFFF80, s17  }
0x173: {  	v5 =	vld [tilespmem:s18+$0x0];
	s23 =	sand.u32 $0xFF80, s20;
	s29 =	sadd.s32 $0x40, s8;
	[tilespmem:s3+$0x14000] =	vst v8;
	s11 =	sor.u32 s16, s1;
	v7 =	vadd.f32 v49, v7  }
0x174: {  	s18 =	sor.u32 s16, s15;
	s21 =	sor.u32 s2, s19;
	s1 =	sor.u32 s2, s23;
	v8 =	vld [tilespmem:s11+$0x0]  }
0x175: {  	s4 =	sand.u32 $0xFFFFFF80, s29;
	v53 =	vld [tilespmem:s18+$0x6000];
	s18 =	sadd.s32 $0x50, s8;
	s8 =	sld [smem:$0x7D6];
	[tilespmem:s13+$0x14000] =	vst v7  }
0x176: {  	s11 =	sadd.s32 $0x40, s6;
	s15 =	sor.u32 s14, s4;
	s4 =	sld [smem:$0x7D5];
	v6 =	vadd.f32 v50, v6;
	v7 =	vld [tilespmem:s21+$0x0]  }
0x177: {  	s17 =	sand.u32 $0xFF80, s11;
	s20 =	sand.u32 $0xFFFFFF80, s18;
	s11 =	sld [smem:$0x7D7];
	v54 =	vld [tilespmem:s1+$0x6000]  }
0x178: {  	v5 =	vadd.f32 v51, v5;
	s19 =	sor.u32 s14, s17;
	s21 =	sadd.s32 $0x50, s6;
	s6 =	sadd.s32 $0x20, s8;
	[tilespmem:s9+$0x14000] =	vst v6  }
0x179: {  	v10 =	vadd.f32 v52, v47;
	s23 =	sor.u32 s5, s20;
	v6 =	vld [tilespmem:s15+$0x0];
	s15 =	sand.u32 $0xFFFFFF80, s6;
	s6 =	sld [smem:$0x7D8]  }
0x17a: {  	s29 =	sand.u32 $0xFF80, s21;
	s0 =	sor.u32 s26, s4;
	s20 =	sadd.s32 $0x30, s8;
	[tilespmem:s10+$0x14000] =	vst v5;
	v55 =	vld [tilespmem:s19+$0x6000]  }
0x17b: {  	s1 =	sor.u32 s5, s29;
	[tilespmem:s0+$0x0] =	vst v10;
	s0 =	sor.u32 s26, s11;
	v5 =	vld [tilespmem:s23+$0x0];
	v8 =	vadd.f32 v53, v8;
	s23 =	sand.u32 $0xFFFFFF80, s20  }
0x17c: {  	v56 =	vld [tilespmem:s1+$0x6000];
	s18 =	sor.u32 s16, s15;
	s11 =	sor.u32 s2, s23;
	v7 =	vadd.f32 v54, v7;
	s17 =	sadd.s32 $0x20, s6  }
0x17d: {  	v10 =	vld [tilespmem:s0+$0x0];
	[tilespmem:s3+$0x14080] =	vst v8;
	s29 =	sadd.s32 $0x30, s6;
	s20 =	sadd.s32 $0x40, s6;
	s19 =	sand.u32 $0xFF80, s17  }
0x17e: {  	v8 =	vld [tilespmem:s18+$0x0];
	[tilespmem:s13+$0x14080] =	vst v7;
	s15 =	sand.u32 $0xFF80, s29;
	s17 =	sadd.s32 $0x40, s8;
	s23 =	sand.u32 $0xFF80, s20  }
0x17f: {  	s29 =	sadd.s32 $0x50, s8;
	s8 =	sadd.s32 $0x50, s6;
	s21 =	sor.u32 s16, s19;
	v6 =	vadd.f32 v55, v6;
	v7 =	vld [tilespmem:s11+$0x0]  }
0x180: {  	s6 =	sld [smem:$0x7DB];
	s18 =	sor.u32 s2, s15;
	s19 =	sand.u32 $0xFFFFFF80, s17;
	v57 =	vld [tilespmem:s21+$0x6000]  }
0x181: {  	v5 =	vadd.f32 v56, v5;
	s15 =	sand.u32 $0xFF80, s8;
	s8 =	sld [smem:$0x7D9];
	v58 =	vld [tilespmem:s18+$0x6000];
	s21 =	sor.u32 s14, s19;
	[tilespmem:s9+$0x14080] =	vst v6  }
0x182: {  	s1 =	sor.u32 s14, s23;
	s4 =	sand.u32 $0xFFFFFF80, s29;
	s19 =	sld [smem:$0x7DA];
	v6 =	vld [tilespmem:s21+$0x0]  }
0x183: {  	s11 =	sor.u32 s5, s4;
	s17 =	sor.u32 s5, s15;
	[tilespmem:s10+$0x14080] =	vst v5;
	s20 =	sadd.s32 $0x20, s6;
	v59 =	vld [tilespmem:s1+$0x6000]  }
0x184: {  	v5 =	vld [tilespmem:s11+$0x0];
	s18 =	sadd.s32 $0x20, s8;
	s23 =	sand.u32 $0xFF80, s20;
	s29 =	sadd.s32 $0x30, s8  }
0x185: {  	v60 =	vld [tilespmem:s17+$0x6000];
	s17 =	sadd.s32 $0x30, s6;
	s20 =	sadd.s32 $0x40, s8;
	s0 =	sor.u32 s26, s19  }
0x186: {  	s1 =	sand.u32 $0xFFFFFF80, s18;
	s11 =	sor.u32 s16, s23;
	s15 =	sand.u32 $0xFFFFFF80, s29;
	v61 =	vld [tilespmem:s0+$0x0];
	v8 =	vadd.f32 v57, v8  }
0x187: {  	s19 =	sand.u32 $0xFF80, s17;
	s23 =	sand.u32 $0xFFFFFF80, s20;
	s29 =	sadd.s32 $0x40, s6  }
0x188: {  	s21 =	sor.u32 s16, s1;
	s1 =	sor.u32 s14, s23;
	s23 =	sld [smem:$0x7DC];
	v7 =	vadd.f32 v58, v7;
	[tilespmem:s3+$0x14100] =	vst v8  }
0x189: {  	s18 =	sor.u32 s2, s15;
	s15 =	sadd.s32 $0x50, s8;
	s8 =	sld [smem:$0x7DD];
	v8 =	vld [tilespmem:s21+$0x0]  }
0x18a: {  	[tilespmem:s13+$0x14100] =	vst v7;
	v6 =	vadd.f32 v59, v6;
	v62 =	vld [tilespmem:s11+$0x6000];
	s21 =	sor.u32 s2, s19;
	s19 =	sadd.s32 $0x50, s6;
	s6 =	sld [smem:$0x7DE]  }
0x18b: {  	s0 =	sor.u32 s26, s23;
	v7 =	vld [tilespmem:s18+$0x0];
	v10 =	vadd.f32 v61, v10  }
0x18c: {  	v5 =	vadd.f32 v60, v5;
	s11 =	sand.u32 $0xFF80, s29;
	s18 =	sand.u32 $0xFFFFFF80, s15;
	s29 =	sadd.s32 $0x20, s8;
	v63 =	vld [tilespmem:s21+$0x6000];
	[tilespmem:s9+$0x14100] =	vst v6  }
0x18d: {  	s17 =	sor.u32 s14, s11;
	v6 =	vld [tilespmem:s1+$0x0];
	[tilespmem:s0+$0x0] =	vst v10;
	s0 =	sor.u32 s26, s6;
	s6 =	sld [smem:$0x7DF]  }
0x18e: {  	[tilespmem:s10+$0x14100] =	vst v5;
	s20 =	sor.u32 s5, s18;
	s21 =	sand.u32 $0xFF80, s19;
	s4 =	sand.u32 $0xFFFFFF80, s29;
	v16 =	vld [tilespmem:s17+$0x6000]  }
0x18f: {  	s29 =	sadd.s32 $0x40, s8;
	v5 =	vld [tilespmem:s20+$0x0];
	s1 =	sor.u32 s5, s21;
	s17 =	sadd.s32 $0x30, s8;
	v8 =	vadd.f32 v62, v8  }
0x190: {  	s15 =	sor.u32 s16, s4;
	v17 =	vld [tilespmem:s1+$0x6000];
	s19 =	sand.u32 $0xFFFFFF80, s17;
	s11 =	sadd.s32 $0x20, s6  }
0x191: {  	v18 =	vld [tilespmem:s0+$0x0];
	s21 =	sor.u32 s2, s19;
	v7 =	vadd.f32 v63, v7;
	s20 =	sadd.s32 $0x30, s6;
	[tilespmem:s3+$0x14180] =	vst v8;
	s1 =	sand.u32 $0xFF80, s11  }
0x192: {  	s17 =	sadd.s32 $0x40, s6;
	s23 =	sand.u32 $0xFF80, s20;
	v8 =	vld [tilespmem:s15+$0x0];
	s18 =	sor.u32 s16, s1  }
0x193: {  	v6 =	vadd.f32 v16, v6;
	s19 =	sand.u32 $0xFF80, s17;
	s20 =	sadd.s32 $0x50, s8;
	s8 =	sld [smem:$0x7E0];
	[tilespmem:s13+$0x14180] =	vst v7;
	v19 =	vld [tilespmem:s18+$0x6000]  }
0x194: {  	s11 =	sor.u32 s2, s23;
	s15 =	sand.u32 $0xFFFFFF80, s29;
	s23 =	sand.u32 $0xFFFFFF80, s20;
	v7 =	vld [tilespmem:s21+$0x0]  }
0x195: {  	v5 =	vadd.f32 v17, v5;
	s29 =	sadd.s32 $0x50, s6;
	v20 =	vld [tilespmem:s11+$0x6000];
	[tilespmem:s9+$0x14180] =	vst v6;
	s18 =	sor.u32 s14, s15;
	s11 =	sld [smem:$0x7E1]  }
0x196: {  	s21 =	sor.u32 s14, s19;
	s1 =	sor.u32 s5, s23;
	v6 =	vld [tilespmem:s18+$0x0];
	s6 =	sadd.s32 $0x20, s8  }
0x197: {  	s4 =	sand.u32 $0xFF80, s29;
	v21 =	vld [tilespmem:s21+$0x6000];
	[tilespmem:s10+$0x14180] =	vst v5;
	s0 =	sand.u32 $0xFFFFFF80, s6;
	s6 =	sld [smem:$0x7E2]  }
0x198: {  	s17 =	sadd.s32 $0x30, s8;
	v23 =	vld [tilespmem:s1+$0x0];
	s1 =	sor.u32 s5, s4;
	s4 =	sor.u32 s26, s11  }
0x199: {  	s29 =	sadd.s32 $0x40, s8;
	s19 =	sand.u32 $0xFFFFFF80, s17;
	s0 =	sor.u32 s16, s0;
	v25 =	vld [tilespmem:s4+$0x0];
	v22 =	vadd.f32 v19, v8  }
0x19a: {  	v24 =	vld [tilespmem:s1+$0x6000];
	s21 =	sor.u32 s2, s19;
	s15 =	sadd.s32 $0x20, s6;
	s20 =	sadd.s32 $0x30, s6  }
0x19b: {  	v26 =	vadd.f32 v20, v7;
	s17 =	sadd.s32 $0x40, s6;
	s1 =	sand.u32 $0xFF80, s15;
	s23 =	sand.u32 $0xFF80, s20;
	[tilespmem:s3+$0x14200] =	vst v22  }
0x19c: {  	s15 =	sand.u32 $0xFFFFFF80, s29;
	s19 =	sand.u32 $0xFF80, s17;
	s18 =	sor.u32 s16, s1;
	v27 =	vld [tilespmem:s0+$0x0]  }
0x19d: {  	v29 =	vadd.f32 v21, v6;
	s20 =	sadd.s32 $0x50, s8;
	s29 =	sadd.s32 $0x50, s6;
	s6 =	sor.u32 s26, s30;
	[tilespmem:s13+$0x14200] =	vst v26;
	v28 =	vld [tilespmem:s18+$0x6000]  }
0x19e: {  	s8 =	sld [smem:$0x7E3];
	s11 =	sor.u32 s2, s23;
	s23 =	sand.u32 $0xFFFFFF80, s20;
	v30 =	vld [tilespmem:s21+$0x0];
	v11 =	vadd.f32 v25, v18  }
0x19f: {  	s4 =	sand.u32 $0xFF80, s29;
	v31 =	vld [tilespmem:s11+$0x6000];
	[tilespmem:s9+$0x14200] =	vst v29;
	s18 =	sor.u32 s14, s15;
	v32 =	vadd.f32 v24, v23;
	s15 =	sld [smem:$0x7E4]  }
0x1a0: {  	s21 =	sor.u32 s14, s19;
	s1 =	sor.u32 s5, s23;
	v33 =	vld [tilespmem:s18+$0x0];
	[tilespmem:s6+$0x0] =	vst v11;
	s6 =	sld [smem:$0x7E5]  }
0x1a1: {  	v34 =	vld [tilespmem:s21+$0x6000];
	s11 =	sadd.s32 $0x20, s8;
	s18 =	sadd.s32 $0x30, s8;
	s30 =	sadd.s32 $0x40, s8;
	[tilespmem:s10+$0x14200] =	vst v32  }
0x1a2: {  	s0 =	sand.u32 $0xFFFFFF80, s11;
	s20 =	sand.u32 $0xFFFFFF80, s18;
	v36 =	vld [tilespmem:s1+$0x0];
	s1 =	sor.u32 s5, s4;
	v35 =	vadd.f32 v28, v27  }
0x1a3: {  	s18 =	sadd.s32 $0x50, s8;
	s4 =	sor.u32 s26, s15;
	v37 =	vld [tilespmem:s1+$0x6000];
	s17 =	sadd.s32 $0x20, s6  }
0x1a4: {  	s0 =	sor.u32 s16, s0;
	s23 =	sor.u32 s2, s20;
	v38 =	vld [tilespmem:s4+$0x0];
	v39 =	vadd.f32 v31, v30;
	[tilespmem:s3+$0x14280] =	vst v35;
	s1 =	sand.u32 $0xFF80, s17  }
0x1a5: {  	s21 =	sadd.s32 $0x30, s6;
	s11 =	sadd.s32 $0x40, s6;
	v40 =	vld [tilespmem:s0+$0x0];
	s19 =	sor.u32 s16, s1  }
0x1a6: {  	v42 =	vadd.f32 v34, v33;
	[tilespmem:s13+$0x14280] =	vst v39;
	s29 =	sand.u32 $0xFF80, s21;
	s21 =	sadd.s32 $0x50, s6;
	s6 =	sld [smem:$0x7E7];
	v41 =	vld [tilespmem:s19+$0x6000]  }
0x1a7: {  	s8 =	sld [smem:$0x7E6];
	s4 =	sand.u32 $0xFFFFFF80, s30;
	v43 =	vld [tilespmem:s23+$0x0];
	s1 =	sor.u32 s2, s29  }
0x1a8: {  	s20 =	sand.u32 $0xFFFFFF80, s18;
	s15 =	sor.u32 s14, s4;
	s17 =	sand.u32 $0xFF80, s11;
	[tilespmem:s9+$0x14280] =	vst v42;
	v44 =	vld [tilespmem:s1+$0x6000];
	v45 =	vadd.f32 v37, v36  }
0x1a9: {  	v46 =	vld [tilespmem:s15+$0x0];
	s19 =	sor.u32 s14, s17;
	s4 =	sor.u32 s26, s6;
	s6 =	sld [smem:$0x7E8]  }
0x1aa: {  	s23 =	sor.u32 s5, s20;
	s29 =	sand.u32 $0xFF80, s21;
	v47 =	vld [tilespmem:s19+$0x6000];
	[tilespmem:s10+$0x14280] =	vst v45  }
0x1ab: {  	s30 =	sadd.s32 $0x20, s8;
	s1 =	sor.u32 s5, s29;
	v49 =	vld [tilespmem:s23+$0x0];
	v48 =	vadd.f32 v41, v40  }
0x1ac: {  	s0 =	sand.u32 $0xFFFFFF80, s30;
	s21 =	sadd.s32 $0x40, s8;
	v50 =	vld [tilespmem:s1+$0x6000];
	s11 =	sadd.s32 $0x20, s6  }
0x1ad: {  	s0 =	sor.u32 s16, s0;
	s15 =	sadd.s32 $0x30, s8;
	v51 =	vld [tilespmem:s4+$0x0];
	s1 =	sand.u32 $0xFF80, s11;
	v52 =	vadd.f32 v44, v43;
	[tilespmem:s3+$0x14300] =	vst v48  }
0x1ae: {  	s17 =	sand.u32 $0xFFFFFF80, s15;
	s18 =	sadd.s32 $0x30, s6;
	s16 =	sor.u32 s16, s1;
	v53 =	vld [tilespmem:s0+$0x0]  }
0x1af: {  	s29 =	sand.u32 $0xFFFFFF80, s21;
	s19 =	sor.u32 s2, s17;
	s20 =	sand.u32 $0xFF80, s18;
	v55 =	vadd.f32 v47, v46;
	[tilespmem:s13+$0x14300] =	vst v52;
	v54 =	vld [tilespmem:s16+$0x6000]  }
0x1b0: {  	s15 =	sadd.s32 $0x50, s8;
	s30 =	sadd.s32 $0x40, s6;
	s23 =	sor.u32 s2, s20;
	v56 =	vld [tilespmem:s19+$0x0]  }
0x1b1: {  	s4 =	sor.u32 s14, s29;
	s17 =	sand.u32 $0xFFFFFF80, s15;
	s11 =	sand.u32 $0xFF80, s30;
	v57 =	vld [tilespmem:s23+$0x6000];
	[tilespmem:s9+$0x14300] =	vst v55;
	v58 =	vadd.f32 v50, v49  }
0x1b2: {  	s18 =	sadd.s32 $0x50, s6;
	s16 =	sor.u32 s14, s11;
	s23 =	sld [smem:$0x7E9];
	v59 =	vld [tilespmem:s4+$0x0]  }
0x1b3: {  	s20 =	sand.u32 $0xFF80, s18;
	s19 =	sor.u32 s5, s17;
	v60 =	vld [tilespmem:s16+$0x6000];
	[tilespmem:s10+$0x14300] =	vst v58  }
0x1b4: {  	s21 =	sor.u32 s5, s20;
	v5 =	vld [tilespmem:s19+$0x0]  }
0x1b5: {  	v3 =	vadd.f32 v4, v3;
	v14 =	vld [tilespmem:s21+$0x6000];
	s0 =	sor.u32 $0x14380, s23  }
0x1b6: {  	v61 =	vadd.f32 v51, v38;
	s24 =	sor.u32 s24, s0  }
0x1b7: {  	p1 =	slt.u32 s22, $0x2A0;
	s12 =	sld [smem:$0x7D0];
	s0 =	sor.u32 s26, s0;
	[tilespmem:s24+$0x0] =	vst v3;
	v3 =	vadd.f32 v54, v53  }
.Ltmp0:
0x1b8: {  	s30 =	sld [smem:$0x7F2];
	[tilespmem:s0+$0x0] =	vst v61;
	v62 =	vadd.f32 v57, v56;
	(pc) =	sbr.rel @p1 .LBB2_3-.Ltmp0, $4  }
0x1b9: {  	s29 =	sld [smem:$0x7EA];
	[tilespmem:s3+$0x14380] =	vst v3;
	v3 =	vadd.f32 v60, v59  }
0x1ba: {  	s25 =	sadd.s32 $0x6, s25;
	s28 =	sadd.s32 $0x6, s28;
	s31 =	sadd.s32 $0x3, s31;
	[tilespmem:s13+$0x14380] =	vst v62;
	v63 =	vadd.f32 v14, v5  }
0x1bb: {  	s22 =	sadd.s32 $0x60, s22;
	s7 =	sadd.s32 $0x300, s7;
	s0 =	sadd.s32 $0x6, s30;
	[tilespmem:s9+$0x14380] =	vst v3  }
0x1bc: {  	s12 =	sadd.s32 $0x3, s12;
	s8 =	sadd.s32 $0x3, s29;
	[smem:$0x7F2] =	sst s0;
	[tilespmem:s10+$0x14380] =	vst v63  }
0x1bd: {  	s4 =	sld [smem:$0x7F4]  }
0x1be: {  	s6 =	sld [smem:$0x7EE];
	_ =	sdelay $0x1  }
0x1bf: {  	s1 =	simm.s32 $0x1  }
0x1c0: {  	_ =	swait.ge [sflag:s1], $0x3000;
	s0 =	sadd.s32 s4, s6  }
0x1c1: {  	[sflag:s1] =	ssyncset.done $0x0;
	s0 =	sshrl.u32 s0, $0x3  }
0x1c2: {  	[sflag:s1] =	ssyncadd.s32 $0xFFFFD000;
	s0 =	smul.u32 $0x300, s0  }
0x1c3: {  	s3 =	simm.s32 $0x0;
	s24 =	simm.s32 $0xC800;
	s2 =	rddreg [dreg:$0x1]  }
0x1c4: {  	s5 =	simm.s32 $0x2;
	s25 =	sld [smem:$0x7EC];
	s0 =	sadd.s32 s2, s0  }
0x1c5: {  	[hbm4b:s0+s3] =	stream.linear.scatter [tilespmem:s24], [sflag:$0x5], $0x3000, $0x38;
	[tilespmem:$0x1E800] =	vst v63  }
0x1c6: {  	_ =	swait.ge [sflag:s5], $0x3000  }
0x1c7: {  	s26 =	sld [smem:$0x7EF]  }
0x1c8: {  	s0 =	sadd.s32 s4, s25  }
0x1c9: {  	s0 =	sshrl.u32 s0, $0x3  }
0x1ca: {  	s0 =	smul.u32 $0x300, s0;
	s1 =	sadd.s32 s4, s26  }
0x1cb: {  	s28 =	simm.s32 $0xF800;
	[sflag:s5] =	ssyncset.done $0x0;
	s1 =	sshrl.u32 s1, $0x3  }
0x1cc: {  	[sflag:s5] =	ssyncadd.s32 $0xFFFFD000;
	s0 =	sadd.s32 s2, s0;
	s1 =	smul.u32 $0x300, s1  }
0x1cd: {  	[hbm4b:s0+s3] =	stream.linear.scatter [tilespmem:s28], [sflag:$0x6], $0x3000, $0x38;
	[tilespmem:$0x1E800] =	vst v63  }
0x1ce: {  	s31 =	simm.s32 $0x12800;
	s0 =	simm.s32 @!p0 $0x8;
	s29 =	sadd.s32 s2, s1  }
0x1cf: {  	[hbm4b:s29+s3] =	stream.linear.scatter [tilespmem:s31], [sflag:$0x7], $0x3000, $0x38;
	[tilespmem:$0x1E800] =	vst v63  }
0x1d0: {  	_ =	swait.ge @!p0 [sflag:s0], $0x3000  }
0x1d1: {  	[sflag:s0] =	ssyncset.done @!p0 $0x0  }
0x1d2: {  	[sflag:s0] =	ssyncadd.s32 @!p0 $0xFFFFD000  }
0x1d3: {  	v3 =	vld [tilespmem:s6+$0xC030];
	_ =	sdelay $0x4  }
0x1d4: {  	v4 =	vshrl.u32 v3, $0x3  }
0x1d5: {  	v4 =	vmul.u32 $0x30, v4  }
0x1d6: {  	v3 =	vand.u32 $0x7, v3  }
0x1d7: {  	v3 =	vor.u32 v3, v4  }
0x1d8: {  	v4 =	vperm.xlane v3, v0;
	_ =	sdelay $0x1  }
0x1d9: {  	v4 =	vadd.s32 v1, v4;
	_ =	sdelay $0x1  }
0x1da: {  	s2 =	sld [smem:$0x7F5];
	_ =	sdelay $0x1  }
0x1db: {  	s4 =	simm.s32 $0x15800;
	s5 =	sld [smem:$0x7F9];
	v3 =	vperm.xlane v3, v2  }
0x1dc: {  	[tilespmem:s4], [sflag:$0x3] =	stream.indirect_vreg.gather [hbm4b:s2+s3], $0x80, v4, vm0, $0xb8;
	[tilespmem:$0x1E800] =	vst v63  }
0x1dd: {  	s7 =	simm.s32 $0x16000;
	s8 =	sld [smem:$0x7FA];
	v3 =	vadd.s32 v1, v3  }
0x1de: {  	[tilespmem:s7], [sflag:$0x3] =	stream.indirect_vreg.gather [hbm4b:s5+s3], $0x80, v4, vm0, $0xb8;
	[tilespmem:$0x1E800] =	vst v63  }
0x1df: {  	s9 =	simm.s32 $0x16800  }
0x1e0: {  	[tilespmem:s9], [sflag:$0x3] =	stream.indirect_vreg.gather [hbm4b:s8+s3], $0x80, v4, vm0, $0xb8;
	[tilespmem:$0x1E800] =	vst v63  }
0x1e1: {  	s10 =	simm.s32 $0x17000  }
0x1e2: {  	[tilespmem:s10], [sflag:$0x3] =	stream.indirect_vreg.gather [hbm4b:s2+s3], $0x80, v3, vm0, $0xb8;
	[tilespmem:$0x1E800] =	vst v63  }
0x1e3: {  	s11 =	simm.s32 $0x17800  }
0x1e4: {  	[tilespmem:s11], [sflag:$0x3] =	stream.indirect_vreg.gather [hbm4b:s5+s3], $0x80, v3, vm0, $0xb8;
	[tilespmem:$0x1E800] =	vst v63  }
0x1e5: {  	s12 =	simm.s32 $0x18000;
	s0 =	simm.s32 @!p0 $0x9  }
0x1e6: {  	[tilespmem:s12], [sflag:$0x3] =	stream.indirect_vreg.gather [hbm4b:s8+s3], $0x80, v3, vm0, $0xb8;
	[tilespmem:$0x1E800] =	vst v63  }
0x1e7: {  	_ =	swait.ge @!p0 [sflag:s0], $0x3000  }
0x1e8: {  	[sflag:s0] =	ssyncset.done @!p0 $0x0  }
0x1e9: {  	[sflag:s0] =	ssyncadd.s32 @!p0 $0xFFFFD000  }
0x1ea: {  	v3 =	vld [tilespmem:s6+$0xC040];
	_ =	sdelay $0x4  }
0x1eb: {  	v62 =	vshrl.u32 v3, $0x3  }
0x1ec: {  	v4 =	vmul.u32 $0x30, v62  }
0x1ed: {  	v3 =	vand.u32 $0x7, v3  }
0x1ee: {  	v3 =	vor.u32 v3, v4  }
0x1ef: {  	v4 =	vperm.xlane v3, v0;
	_ =	sdelay $0x1  }
0x1f0: {  	v4 =	vadd.s32 v1, v4;
	_ =	sdelay $0x3  }
0x1f1: {  	s13 =	simm.s32 $0x18800;
	v3 =	vperm.xlane v3, v2  }
0x1f2: {  	[tilespmem:s13], [sflag:$0x4] =	stream.indirect_vreg.gather [hbm4b:s2+s3], $0x80, v4, vm0, $0xb8;
	[tilespmem:$0x1E800] =	vst v63  }
0x1f3: {  	s14 =	simm.s32 $0x19000;
	v3 =	vadd.s32 v1, v3  }
0x1f4: {  	[tilespmem:s14], [sflag:$0x4] =	stream.indirect_vreg.gather [hbm4b:s5+s3], $0x80, v4, vm0, $0xb8;
	[tilespmem:$0x1E800] =	vst v63  }
0x1f5: {  	s15 =	simm.s32 $0x19800  }
0x1f6: {  	[tilespmem:s15], [sflag:$0x4] =	stream.indirect_vreg.gather [hbm4b:s8+s3], $0x80, v4, vm0, $0xb8;
	[tilespmem:$0x1E800] =	vst v63  }
0x1f7: {  	s16 =	simm.s32 $0x1A000  }
0x1f8: {  	[tilespmem:s16], [sflag:$0x4] =	stream.indirect_vreg.gather [hbm4b:s2+s3], $0x80, v3, vm0, $0xb8;
	[tilespmem:$0x1E800] =	vst v63  }
0x1f9: {  	s17 =	simm.s32 $0x1A800  }
0x1fa: {  	[tilespmem:s17], [sflag:$0x4] =	stream.indirect_vreg.gather [hbm4b:s5+s3], $0x80, v3, vm0, $0xb8;
	[tilespmem:$0x1E800] =	vst v63  }
0x1fb: {  	s18 =	simm.s32 $0x1B000;
	s0 =	simm.s32 @!p0 $0xA  }
0x1fc: {  	[tilespmem:s18], [sflag:$0x4] =	stream.indirect_vreg.gather [hbm4b:s8+s3], $0x80, v3, vm0, $0xb8;
	[tilespmem:$0x1E800] =	vst v63  }
0x1fd: {  	_ =	swait.ge @!p0 [sflag:s0], $0x3000  }
0x1fe: {  	[sflag:s0] =	ssyncset.done @!p0 $0x0  }
0x1ff: {  	[sflag:s0] =	ssyncadd.s32 @!p0 $0xFFFFD000  }
0x200: {  	v3 =	vld [tilespmem:s6+$0xC050];
	_ =	sdelay $0x4  }
0x201: {  	v63 =	vshrl.u32 v3, $0x5  }
0x202: {  	v4 =	vmul.u32 $0x300, v63;
	_ =	sdelay $0x1  }
0x203: {  	(v2sf) =	vpush v4, $0x0  }
0x204: {  	(v2sf) =	vpush v4, $0x1  }
0x205: {  	(v2sf) =	vpush v4, $0x2  }
0x206: {  	(v2sf) =	vpush v4, $0x3  }
0x207: {  	(v2sf) =	vpush v4, $0x4  }
0x208: {  	(v2sf) =	vpush v4, $0x5;
	_ =	sdelay $0x1  }
0x209: {  	(v2sf) =	vpush v4, $0x6;
	_ =	sdelay $0x1  }
0x20a: {  	(v2sf) =	vpush v4, $0x7;
	_ =	sdelay $0x1  }
0x20b: {  	(v2sf) =	vpush v4, $0x8  }
0x20c: {  	(v2sf) =	vpush v4, $0x9;
	_ =	sdelay $0x1  }
0x20d: {  	(v2sf) =	vpush v4, $0xA  }
0x20e: {  	s19 =	spop (v2sf)  }
0x20f: {  	(v2sf) =	vpush v4, $0xB;
	s20 =	spop (v2sf);
	[smem:$0x78E] =	sst s19  }
0x210: {  	s21 =	spop (v2sf);
	[smem:$0x78F] =	sst s20  }
0x211: {  	(v2sf) =	vpush v4, $0xC;
	s22 =	spop (v2sf);
	[smem:$0x790] =	sst s21  }
0x212: {  	v3 =	vand.u32 $0x1F, v3;
	(v2sf) =	vpush v4, $0xD;
	s23 =	spop (v2sf);
	[smem:$0x791] =	sst s22  }
0x213: {  	v3 =	vmul.u32 $0x300, v3;
	(v2sf) =	vpush v4, $0xE;
	s24 =	spop (v2sf);
	[smem:$0x792] =	sst s23  }
0x214: {  	(v2sf) =	vpush v4, $0xF;
	s23 =	sadd.s32 $0x30, s6;
	[smem:$0x793] =	sst s24  }
0x215: {  	(v2sf) =	vpush v3, $0x0;
	s25 =	spop (v2sf);
	[smem:$0x7AB] =	sst s23  }
0x216: {  	(v2sf) =	vpush v3, $0x1;
	s24 =	sadd.s32 $0x40, s6;
	[smem:$0x794] =	sst s25  }
0x217: {  	(v2sf) =	vpush v3, $0x2;
	s26 =	spop (v2sf);
	[smem:$0x7AC] =	sst s24  }
0x218: {  	(v2sf) =	vpush v3, $0x3;
	s25 =	sadd.s32 $0x50, s6;
	[smem:$0x795] =	sst s26  }
0x219: {  	(v2sf) =	vpush v3, $0x4;
	s28 =	spop (v2sf);
	[smem:$0x7AE] =	sst s25  }
0x21a: {  	(v2sf) =	vpush v3, $0x5;
	s29 =	spop (v2sf);
	[smem:$0x796] =	sst s28  }
0x21b: {  	(v2sf) =	vpush v3, $0x6;
	s28 =	simm.s32 $0x1;
	[smem:$0x797] =	sst s29  }
0x21c: {  	(v2sf) =	vpush v3, $0x7;
	s31 =	spop (v2sf);
	[smem:$0x7B1] =	sst s28  }
0x21d: {  	(v2sf) =	vpush v3, $0x8;
	s29 =	simm.s32 $0x0;
	[smem:$0x798] =	sst s31  }
0x21e: {  	(v2sf) =	vpush v3, $0x9;
	s2 =	spop (v2sf);
	[smem:$0x7B2] =	sst s29  }
0x21f: {  	(v2sf) =	vpush v3, $0xA;
	s31 =	simm.s32 $0x2;
	[smem:$0x799] =	sst s2  }
0x220: {  	s3 =	spop (v2sf);
	(v2sf) =	vpush v3, $0xB;
	[smem:$0x7B3] =	sst s31  }
0x221: {  	s4 =	spop (v2sf);
	(v2sf) =	vpush v3, $0xC;
	[smem:$0x79A] =	sst s3  }
0x222: {  	s5 =	spop (v2sf);
	(v2sf) =	vpush v3, $0xD;
	[smem:$0x79B] =	sst s4  }
0x223: {  	s7 =	spop (v2sf);
	(v2sf) =	vpush v3, $0xE;
	[smem:$0x79C] =	sst s5  }
0x224: {  	s8 =	spop (v2sf);
	[smem:$0x79D] =	sst s7;
	(v2sf) =	vpush v3, $0xF  }
0x225: {  	s9 =	spop (v2sf);
	[smem:$0x79E] =	sst s8  }
0x226: {  	s10 =	spop (v2sf);
	[smem:$0x79F] =	sst s9  }
0x227: {  	s11 =	spop (v2sf);
	[smem:$0x7A0] =	sst s10  }
0x228: {  	s12 =	spop (v2sf);
	[smem:$0x7A1] =	sst s11  }
0x229: {  	s13 =	spop (v2sf);
	[smem:$0x7A2] =	sst s12  }
0x22a: {  	s14 =	spop (v2sf);
	[smem:$0x7A3] =	sst s13  }
0x22b: {  	s15 =	spop (v2sf);
	[smem:$0x7A4] =	sst s14  }
0x22c: {  	s16 =	spop (v2sf);
	[smem:$0x7A5] =	sst s15  }
0x22d: {  	s17 =	spop (v2sf);
	[smem:$0x7A6] =	sst s16  }
0x22e: {  	s18 =	spop (v2sf);
	[smem:$0x7A7] =	sst s17  }
0x22f: {  	s19 =	spop (v2sf);
	[smem:$0x7A8] =	sst s18  }
0x230: {  	s20 =	spop (v2sf);
	[smem:$0x7A9] =	sst s19  }
0x231: {  	s30 =	simm.s32 $0x2;
	s21 =	spop (v2sf);
	[smem:$0x7AA] =	sst s20  }
0x232: {  	s1 =	simm.s32 $0x4;
	s22 =	spop (v2sf);
	[smem:$0x7AD] =	sst s21  }
0x233: {  	s4 =	simm.s32 $0x0;
	[smem:$0x7AF] =	sst s22;
	s26 =	spop (v2sf)  }
0x234: {  	s11 =	simm.s32 $0x0;
	s22 =	simm.s32 $0x0;
	[smem:$0x7B0] =	sst s26  }
.LBB2_5:
0x235: {  	s0 =	sld [smem:$0x78E]  }
0x236: {  	s10 =	sld [smem:$0x79E];
	_ =	sdelay $0x2  }
0x237: {  	s5 =	sadd.s32 s22, s0;
	s9 =	sadd.s32 s22, s10  }
0x238: {  	s24 =	sand.u32 $0x60, s22;
	s21 =	sand.u32 $0xFFFFFF80, s5;
	s12 =	sand.u32 $0xFF80, s9  }
0x239: {  	s13 =	sor.u32 s24, s21;
	s31 =	sadd.s32 $0x6000, s12  }
0x23a: {  	v3 =	vld [tilespmem:s13+$0x0];
	s0 =	sor.u32 s24, s31  }
0x23b: {  	v4 =	vld [tilespmem:s0+$0x0]  }
0x23c: {  	s14 =	sld [smem:$0x78F]  }
0x23d: {  	s2 =	sld [smem:$0x79F];
	_ =	sdelay $0x1  }
0x23e: {  	s16 =	sand.u32 $0x1C00, s4  }
0x23f: {  	s15 =	sadd.s32 $0x1B800, s16;
	s17 =	sadd.s32 s22, s2;
	s0 =	sadd.s32 s22, s14;
	v3 =	vadd.f32 v4, v3  }
0x240: {  	s2 =	sor.u32 s24, s15;
	s18 =	sand.u32 $0xFF80, s17;
	s28 =	sand.u32 $0xFFFFFF80, s0  }
0x241: {  	s29 =	sadd.s32 $0x6000, s18;
	s19 =	sor.u32 s24, s28;
	[tilespmem:s2+$0x0] =	vst v3  }
0x242: {  	[smem:$0x75B] =	sst s0;
	s0 =	sor.u32 s24, s29;
	v3 =	vld [tilespmem:s19+$0x0]  }
0x243: {  	v28 =	vld [tilespmem:s0+$0x0]  }
0x244: {  	s20 =	sld [smem:$0x790]  }
0x245: {  	s6 =	sld [smem:$0x7A0];
	_ =	sdelay $0x2  }
0x246: {  	s6 =	sadd.s32 s22, s6;
	s0 =	sadd.s32 s22, s20;
	v3 =	vadd.f32 v28, v3  }
0x247: {  	s23 =	sand.u32 $0xFF80, s6;
	s18 =	sand.u32 $0xFFFFFF80, s0  }
0x248: {  	[smem:$0x75C] =	sst s17;
	s17 =	sadd.s32 $0x6000, s23;
	s7 =	sor.u32 s24, s18;
	[tilespmem:s2+$0x80] =	vst v3  }
0x249: {  	[smem:$0x75D] =	sst s0;
	s0 =	sor.u32 s24, s17;
	v3 =	vld [tilespmem:s7+$0x0]  }
0x24a: {  	v29 =	vld [tilespmem:s0+$0x0]  }
0x24b: {  	s25 =	sld [smem:$0x791]  }
0x24c: {  	s8 =	sld [smem:$0x7A1];
	_ =	sdelay $0x2  }
0x24d: {  	s8 =	sadd.s32 s22, s8;
	s7 =	sadd.s32 s22, s25;
	v3 =	vadd.f32 v29, v3  }
0x24e: {  	s26 =	sand.u32 $0xFF80, s8;
	s20 =	sand.u32 $0xFFFFFF80, s7  }
0x24f: {  	s19 =	sadd.s32 $0x6000, s26;
	s10 =	sor.u32 s24, s20;
	[tilespmem:s2+$0x100] =	vst v3  }
0x250: {  	s0 =	sor.u32 s24, s19;
	v3 =	vld [tilespmem:s10+$0x0]  }
0x251: {  	[smem:$0x78D] =	sst s1;
	v30 =	vld [tilespmem:s0+$0x0]  }
0x252: {  	s1 =	sld [smem:$0x792]  }
0x253: {  	s3 =	sld [smem:$0x7A2];
	_ =	sdelay $0x2  }
0x254: {  	[smem:$0x775] =	sst s4;
	s4 =	sadd.s32 s22, s3;
	s0 =	sadd.s32 s22, s1;
	v3 =	vadd.f32 v30, v3  }
0x255: {  	s10 =	sand.u32 $0xFF80, s4;
	s25 =	sand.u32 $0xFFFFFF80, s0  }
0x256: {  	s23 =	sadd.s32 $0x6000, s10;
	s12 =	sor.u32 s24, s25;
	[tilespmem:s2+$0x180] =	vst v3  }
0x257: {  	[smem:$0x763] =	sst s0;
	s0 =	sor.u32 s24, s23;
	v3 =	vld [tilespmem:s12+$0x0]  }
0x258: {  	v31 =	vld [tilespmem:s0+$0x0]  }
0x259: {  	s13 =	sld [smem:$0x793]  }
0x25a: {  	s14 =	sld [smem:$0x7A3];
	_ =	sdelay $0x2  }
0x25b: {  	[smem:$0x78C] =	sst s16;
	s16 =	sadd.s32 s22, s14;
	s0 =	sadd.s32 s22, s13;
	v3 =	vadd.f32 v31, v3  }
0x25c: {  	[smem:$0x75A] =	sst s30;
	s26 =	sand.u32 $0xFF80, s16;
	s30 =	sand.u32 $0xFFFFFF80, s0  }
0x25d: {  	[smem:$0x768] =	sst s0;
	s0 =	sadd.s32 $0x6000, s26;
	s1 =	sor.u32 s24, s30;
	[tilespmem:s2+$0x200] =	vst v3  }
0x25e: {  	s3 =	sor.u32 s24, s0;
	v3 =	vld [tilespmem:s1+$0x0]  }
0x25f: {  	[smem:$0x765] =	sst s4;
	v32 =	vld [tilespmem:s3+$0x0]  }
0x260: {  	s4 =	sld [smem:$0x794]  }
0x261: {  	s12 =	sld [smem:$0x7A4];
	_ =	sdelay $0x2  }
0x262: {  	s12 =	sadd.s32 s22, s12;
	s3 =	sadd.s32 s22, s4;
	v3 =	vadd.f32 v32, v3  }
0x263: {  	s14 =	sand.u32 $0xFF80, s12;
	s13 =	sand.u32 $0xFFFFFF80, s3  }
0x264: {  	[smem:$0x76A] =	sst s16;
	s10 =	sadd.s32 $0x6000, s14;
	s16 =	sor.u32 s24, s13;
	[tilespmem:s2+$0x280] =	vst v3  }
0x265: {  	s26 =	sor.u32 s24, s10;
	s1 =	sld [smem:$0x795];
	v3 =	vld [tilespmem:s16+$0x0]  }
0x266: {  	[smem:$0x76B] =	sst s3;
	v33 =	vld [tilespmem:s26+$0x0]  }
0x267: {  	s3 =	sld [smem:$0x7A5]  }
0x268: {  	s4 =	sld [smem:$0x775]  }
0x269: {  	[smem:$0x772] =	sst s11;
	s16 =	sand.u32 $0x3, s11  }
0x26a: {  	[smem:$0x76C] =	sst s12;
	s14 =	sadd.s32 s22, s3;
	s16 =	sshll.u32 s16, $0x5  }
0x26b: {  	[smem:$0x76F] =	sst s14;
	s11 =	sadd.s32 s22, s1;
	s16 =	sadd.s32 s16, s4;
	v3 =	vadd.f32 v33, v3  }
0x26c: {  	s1 =	sand.u32 $0xFF80, s14;
	s12 =	sand.u32 $0xFFFFFF80, s11;
	s26 =	sor.u32 $0x300, s16  }
0x26d: {  	s2 =	sadd.s32 $0x6000, s1;
	s16 =	sadd.s32 $0x10, s22;
	[tilespmem:s26+$0x1B800] =	vst v3;
	s26 =	sor.u32 s24, s12  }
0x26e: {  	[smem:$0x76E] =	sst s11;
	s14 =	sor.u32 s24, s2;
	v3 =	vld [tilespmem:s26+$0x0];
	s26 =	sand.u32 $0x70, s16  }
0x26f: {  	s11 =	sld [smem:$0x796];
	v34 =	vld [tilespmem:s14+$0x0];
	s3 =	sor.u32 s26, s21  }
0x270: {  	s4 =	sor.u32 s26, s31;
	s31 =	sld [smem:$0x7A6];
	v5 =	vld [tilespmem:s3+$0x0]  }
0x271: {  	s21 =	sld [smem:$0x775];
	v6 =	vld [tilespmem:s4+$0x0];
	_ =	sdelay $0x1  }
0x272: {  	s1 =	sadd.s32 s22, s11  }
0x273: {  	s4 =	sadd.s32 s22, s31;
	s31 =	sor.u32 s21, s22;
	s21 =	sand.u32 $0xFFFFFF80, s1;
	v3 =	vadd.f32 v34, v3  }
0x274: {  	[smem:$0x773] =	sst s4;
	s14 =	sor.u32 $0x380, s31;
	s4 =	sand.u32 $0xFF80, s4  }
0x275: {  	s11 =	sor.u32 s24, s21;
	s31 =	sadd.s32 $0x6000, s4;
	[tilespmem:s14+$0x1B800] =	vst v3;
	v3 =	vadd.f32 v6, v5  }
0x276: {  	[smem:$0x771] =	sst s1;
	s15 =	sor.u32 s26, s15;
	s1 =	sor.u32 s24, s31;
	v35 =	vld [tilespmem:s11+$0x0]  }
0x277: {  	s3 =	sor.u32 s26, s28;
	v36 =	vld [tilespmem:s1+$0x0];
	s11 =	sld [smem:$0x797];
	[tilespmem:s15+$0x0] =	vst v3  }
0x278: {  	s4 =	sor.u32 s26, s29;
	s29 =	sld [smem:$0x7A7];
	v3 =	vld [tilespmem:s3+$0x0]  }
0x279: {  	v37 =	vld [tilespmem:s4+$0x0];
	s3 =	sld [smem:$0x78C]  }
0x27a: {  	s1 =	sadd.s32 s22, s11  }
0x27b: {  	s14 =	sadd.s32 s22, s29;
	[smem:$0x776] =	sst s1  }
0x27c: {  	s29 =	sand.u32 $0xFFFFFF80, s1;
	s1 =	sand.u32 $0xFF80, s14;
	v4 =	vadd.f32 v36, v35;
	s4 =	sadd.s32 $0x1D000, s3  }
0x27d: {  	[smem:$0x778] =	sst s14;
	s1 =	sadd.s32 $0x6000, s1;
	s28 =	sor.u32 s24, s4  }
0x27e: {  	[smem:$0x75F] =	sst s1;
	[tilespmem:s28+$0x0] =	vst v4;
	v3 =	vadd.f32 v37, v3;
	s28 =	sor.u32 s24, s29  }
0x27f: {  	s14 =	sor.u32 s24, s1;
	s1 =	sld [smem:$0x798];
	v4 =	vld [tilespmem:s28+$0x0]  }
0x280: {  	s18 =	sor.u32 s26, s18;
	v38 =	vld [tilespmem:s14+$0x0];
	[tilespmem:s15+$0x80] =	vst v3  }
0x281: {  	s28 =	sor.u32 s26, s17;
	s17 =	sld [smem:$0x7A8];
	v3 =	vld [tilespmem:s18+$0x0]  }
0x282: {  	s14 =	sadd.s32 s22, s1;
	v39 =	vld [tilespmem:s28+$0x0]  }
0x283: {  	s1 =	smov.u32 s3;
	[smem:$0x77A] =	sst s14;
	s28 =	sadd.s32 $0x1D080, s3  }
0x284: {  	s3 =	sand.u32 $0xFFFFFF80, s14;
	s18 =	sadd.s32 s22, s17;
	[smem:$0x760] =	sst s28  }
0x285: {  	s11 =	sor.u32 s24, s28;
	[smem:$0x761] =	sst s3;
	s17 =	sand.u32 $0xFF80, s18;
	v4 =	vadd.f32 v38, v4  }
0x286: {  	s14 =	sor.u32 s24, s3;
	s3 =	sld [smem:$0x7A9];
	s28 =	sadd.s32 $0x6000, s17  }
0x287: {  	[smem:$0x762] =	sst s28;
	[tilespmem:s11+$0x0] =	vst v4;
	v3 =	vadd.f32 v39, v3  }
0x288: {  	s17 =	sor.u32 s24, s28;
	s28 =	sld [smem:$0x799];
	v4 =	vld [tilespmem:s14+$0x0]  }
0x289: {  	[smem:$0x77C] =	sst s18;
	s18 =	sor.u32 s26, s20;
	v40 =	vld [tilespmem:s17+$0x0];
	[tilespmem:s15+$0x100] =	vst v3  }
0x28a: {  	s20 =	sor.u32 s26, s19;
	s17 =	sadd.s32 s22, s3;
	v3 =	vld [tilespmem:s18+$0x0]  }
0x28b: {  	s14 =	sadd.s32 s22, s28;
	[smem:$0x77F] =	sst s17;
	v41 =	vld [tilespmem:s20+$0x0]  }
0x28c: {  	[smem:$0x77D] =	sst s14;
	s18 =	sadd.s32 $0x1D100, s1  }
0x28d: {  	s19 =	sand.u32 $0xFFFFFF80, s14;
	[smem:$0x764] =	sst s18  }
0x28e: {  	[smem:$0x766] =	sst s19;
	v4 =	vadd.f32 v40, v4  }
0x28f: {  	s20 =	sand.u32 $0xFF80, s17;
	s11 =	sor.u32 s24, s18;
	s18 =	sld [smem:$0x78D]  }
0x290: {  	s3 =	sadd.s32 $0x6000, s20;
	s28 =	sor.u32 s24, s19;
	s20 =	sld [smem:$0x7AA];
	[tilespmem:s11+$0x0] =	vst v4;
	v3 =	vadd.f32 v41, v3  }
0x291: {  	[smem:$0x767] =	sst s3;
	s3 =	sor.u32 s24, s3;
	v4 =	vld [tilespmem:s28+$0x0]  }
0x292: {  	s14 =	sor.u32 s26, s25;
	s25 =	sadd.s32 $0x1D180, s1;
	s19 =	sld [smem:$0x79A];
	v42 =	vld [tilespmem:s3+$0x0];
	[tilespmem:s15+$0x180] =	vst v3  }
0x293: {  	s17 =	sor.u32 s26, s23;
	[smem:$0x769] =	sst s25;
	s23 =	sadd.s32 s22, s20;
	v3 =	vld [tilespmem:s14+$0x0]  }
0x294: {  	[smem:$0x783] =	sst s23;
	s3 =	sand.u32 $0xFF80, s23;
	v43 =	vld [tilespmem:s17+$0x0]  }
0x295: {  	s11 =	sor.u32 s24, s25;
	s25 =	sld [smem:$0x775];
	s3 =	sadd.s32 $0x6000, s3  }
0x296: {  	[smem:$0x777] =	sst s3  }
0x297: {  	s14 =	sadd.s32 s22, s19;
	s19 =	sor.u32 s26, s30;
	s30 =	sld [smem:$0x75A];
	v4 =	vadd.f32 v42, v4  }
0x298: {  	[smem:$0x781] =	sst s14;
	s28 =	sand.u32 $0xFFFFFF80, s14  }
0x299: {  	[smem:$0x76D] =	sst s28;
	s14 =	sor.u32 s24, s28;
	[tilespmem:s11+$0x0] =	vst v4;
	v3 =	vadd.f32 v43, v3  }
0x29a: {  	s17 =	sor.u32 s24, s3;
	s28 =	sld [smem:$0x7AD];
	v4 =	vld [tilespmem:s14+$0x0]  }
0x29b: {  	s20 =	sand.u32 $0x7, s18;
	v44 =	vld [tilespmem:s17+$0x0];
	s14 =	sld [smem:$0x79B];
	[tilespmem:s15+$0x200] =	vst v3  }
0x29c: {  	s0 =	sor.u32 s26, s0;
	s23 =	sshll.u32 s20, $0x4;
	s17 =	sld [smem:$0x7B3];
	v3 =	vld [tilespmem:s19+$0x0]  }
0x29d: {  	v45 =	vld [tilespmem:s0+$0x0];
	s0 =	sadd.s32 s25, s23;
	s19 =	sld [smem:$0x7B1]  }
0x29e: {  	s18 =	sand.u32 $0x7, s30;
	[smem:$0x774] =	sst s0  }
0x29f: {  	s23 =	sshll.u32 s18, $0x4;
	[smem:$0x7B3] =	sst s17  }
0x2a0: {  	s25 =	sadd.s32 s22, s28;
	[smem:$0x75E] =	sst s23  }
0x2a1: {  	s28 =	sadd.s32 $0x1D200, s1;
	[smem:$0x786] =	sst s25  }
0x2a2: {  	[smem:$0x779] =	sst s28  }
0x2a3: {  	s14 =	sadd.s32 s22, s14;
	s11 =	sor.u32 s24, s28;
	s28 =	sld [smem:$0x7AF]  }
0x2a4: {  	[smem:$0x784] =	sst s14  }
0x2a5: {  	s0 =	sand.u32 $0x3, s17;
	s17 =	sand.u32 $0xFFFFFF80, s14;
	[smem:$0x7B1] =	sst s19  }
0x2a6: {  	s20 =	sand.u32 $0x3, s19;
	[smem:$0x77B] =	sst s17  }
0x2a7: {  	s19 =	sld [smem:$0x7B2];
	s18 =	sshll.u32 s20, $0x5  }
0x2a8: {  	s20 =	sand.u32 $0xFF80, s25;
	s14 =	sadd.s32 s22, s28;
	s28 =	sld [smem:$0x79D]  }
0x2a9: {  	s23 =	sadd.s32 $0x6000, s20;
	[smem:$0x788] =	sst s14  }
0x2aa: {  	v4 =	vadd.f32 v44, v4;
	[smem:$0x77E] =	sst s23  }
0x2ab: {  	s13 =	sor.u32 s26, s13;
	[smem:$0x7B2] =	sst s19  }
0x2ac: {  	s25 =	sor.u32 s24, s17;
	[tilespmem:s11+$0x0] =	vst v4;
	v3 =	vadd.f32 v45, v3;
	s17 =	sor.u32 s24, s23;
	s23 =	sld [smem:$0x7B0]  }
0x2ad: {  	s10 =	sor.u32 s26, s10;
	s12 =	sor.u32 s26, s12;
	v4 =	vld [tilespmem:s25+$0x0];
	s25 =	sld [smem:$0x79C]  }
0x2ae: {  	s2 =	sor.u32 s26, s2;
	s20 =	sand.u32 $0x7, s19;
	s19 =	sld [smem:$0x775];
	[tilespmem:s15+$0x280] =	vst v3  }
0x2af: {  	s0 =	sshll.u32 s0, $0x5;
	s28 =	sadd.s32 s22, s28;
	v47 =	vld [tilespmem:s10+$0x0];
	s10 =	sld [smem:$0x775]  }
0x2b0: {  	s11 =	sshll.u32 s20, $0x4;
	[smem:$0x789] =	sst s28;
	s28 =	sand.u32 $0xFFFFFF80, s28  }
0x2b1: {  	s20 =	sadd.s32 s22, s23;
	s23 =	sand.u32 $0xFF80, s14;
	s25 =	sadd.s32 s22, s25  }
0x2b2: {  	v46 =	vld [tilespmem:s17+$0x0];
	s14 =	sor.u32 s26, s21;
	s21 =	sadd.s32 $0x20, s9;
	[smem:$0x78B] =	sst s20  }
0x2b3: {  	[smem:$0x787] =	sst s25;
	s15 =	sadd.s32 $0x6000, s23;
	s3 =	sand.u32 $0xFF80, s20  }
0x2b4: {  	v3 =	vld [tilespmem:s13+$0x0];
	s20 =	sor.u32 s16, s19;
	s25 =	sand.u32 $0xFFFFFF80, s25;
	s19 =	sadd.s32 $0x20, s5  }
0x2b5: {  	s17 =	sadd.s32 s10, s11;
	[smem:$0x785] =	sst s15;
	s23 =	sadd.s32 $0x6000, s3  }
0x2b6: {  	[smem:$0x782] =	sst s25;
	s3 =	sor.u32 s24, s25;
	s15 =	sor.u32 s24, s15  }
0x2b7: {  	s25 =	sld [smem:$0x775];
	s10 =	sadd.s32 $0x10, s17;
	v4 =	vadd.f32 v46, v4;
	s17 =	sadd.s32 $0x1D280, s1  }
0x2b8: {  	[smem:$0x78A] =	sst s23;
	s11 =	sor.u32 $0x300, s10;
	s13 =	sor.u32 s24, s17  }
0x2b9: {  	[smem:$0x780] =	sst s17;
	v3 =	vadd.f32 v47, v3;
	s10 =	sor.u32 s26, s31;
	s17 =	sor.u32 s26, s4;
	[tilespmem:s13+$0x0] =	vst v4  }
0x2ba: {  	s4 =	sadd.s32 $0x20, s22;
	s13 =	sor.u32 $0x380, s20;
	s20 =	sand.u32 $0xFFFFFF80, s19;
	v4 =	vld [tilespmem:s3+$0x0]  }
0x2bb: {  	s16 =	sand.u32 $0x60, s4;
	s4 =	sld [smem:$0x75B];
	v48 =	vld [tilespmem:s15+$0x0];
	[tilespmem:s11+$0x1B800] =	vst v3;
	s15 =	sor.u32 s26, s29  }
0x2bc: {  	s11 =	sor.u32 s16, s20;
	s29 =	sadd.s32 $0x100, s25;
	s25 =	sld [smem:$0x75C];
	v3 =	vld [tilespmem:s12+$0x0]  }
0x2bd: {  	v49 =	vld [tilespmem:s2+$0x0];
	s2 =	sand.u32 $0xFF80, s21;
	s3 =	sadd.s32 s18, s29;
	s12 =	sand.u32 $0x3C00, s29  }
0x2be: {  	s29 =	sadd.s32 $0x1D300, s1;
	s21 =	sor.u32 s24, s28;
	[smem:$0x770] =	sst s3  }
0x2bf: {  	v51 =	vld [tilespmem:s11+$0x0];
	s18 =	sor.u32 s16, s2;
	s2 =	sor.u32 s16, s12;
	s31 =	sadd.s32 $0x20, s4  }
0x2c0: {  	s3 =	sor.u32 s24, s29;
	s12 =	sand.u32 $0xFFFFFF80, s31;
	s1 =	sadd.s32 $0x20, s25;
	v7 =	vld [tilespmem:s18+$0x6000];
	v4 =	vadd.f32 v48, v4  }
0x2c1: {  	s31 =	sor.u32 s24, s23;
	s18 =	sadd.s32 $0x30, s4;
	s19 =	sand.u32 $0xFF80, s1  }
0x2c2: {  	s20 =	sor.u32 s16, s12;
	s1 =	sadd.s32 $0x30, s22;
	[tilespmem:s3+$0x0] =	vst v4;
	s3 =	sadd.s32 $0x30, s5  }
0x2c3: {  	s19 =	sor.u32 s16, s19;
	v50 =	vadd.f32 v49, v3;
	v4 =	vld [tilespmem:s31+$0x0];
	s23 =	sand.u32 $0xFFFFFF80, s3;
	s31 =	sand.u32 $0x70, s1  }
0x2c4: {  	v3 =	vld [tilespmem:s21+$0x0];
	s1 =	sadd.s32 $0x30, s9;
	s3 =	sadd.s32 $0x40, s5;
	s21 =	sadd.s32 $0x40, s22  }
0x2c5: {  	[tilespmem:s13+$0x1B800] =	vst v50;
	s5 =	sadd.s32 $0x50, s5;
	v6 =	vadd.f32 v7, v51;
	s12 =	sor.u32 s31, s23;
	s13 =	sand.u32 $0xFF80, s1  }
0x2c6: {  	v5 =	vld [tilespmem:s14+$0x0];
	s14 =	sand.u32 $0xFFFFFF80, s3;
	s23 =	sld [smem:$0x775];
	s3 =	sadd.s32 $0x40, s9  }
0x2c7: {  	s9 =	sadd.s32 $0x50, s9;
	v13 =	vld [tilespmem:s10+$0x0];
	s11 =	sor.u32 s31, s13;
	s13 =	sand.u32 $0x60, s21;
	[tilespmem:s2+$0x1B800] =	vst v6  }
0x2c8: {  	s21 =	sand.u32 $0xFF80, s3;
	s3 =	sand.u32 $0xFFFFFF80, s5;
	s9 =	sand.u32 $0xFF80, s9;
	v54 =	vld [tilespmem:s20+$0x0]  }
0x2c9: {  	s14 =	sor.u32 s13, s14;
	s20 =	sadd.s32 $0x40, s4;
	v55 =	vld [tilespmem:s19+$0x6000];
	s19 =	sadd.s32 $0x50, s4  }
0x2ca: {  	v8 =	vld [tilespmem:s12+$0x0];
	s4 =	sld [smem:$0x75D];
	s1 =	sadd.s32 $0x180, s23;
	s23 =	sor.u32 s13, s21  }
0x2cb: {  	v9 =	vld [tilespmem:s11+$0x6000];
	s21 =	sand.u32 $0xFFFFFF80, s18;
	s12 =	sand.u32 $0x3C00, s1;
	s1 =	sadd.s32 $0x50, s22  }
0x2cc: {  	v11 =	vld [tilespmem:s23+$0x6000];
	s11 =	sor.u32 s31, s21;
	s23 =	sadd.s32 $0x30, s25;
	s5 =	sand.u32 $0x70, s1  }
0x2cd: {  	v10 =	vld [tilespmem:s14+$0x0];
	s21 =	sadd.s32 $0x40, s25;
	s1 =	sld [smem:$0x775];
	s9 =	sor.u32 s5, s9  }
0x2ce: {  	s12 =	sor.u32 s31, s12;
	v5 =	vadd.f32 v13, v5;
	s14 =	sor.u32 s5, s3;
	v52 =	vld [tilespmem:s9+$0x6000];
	s9 =	sand.u32 $0xFF80, s23  }
0x2cf: {  	v12 =	vld [tilespmem:s14+$0x0];
	s14 =	sand.u32 $0xFF80, s21;
	s21 =	sadd.s32 $0x50, s25;
	s25 =	sadd.s32 $0x20, s4  }
0x2d0: {  	v53 =	vadd.f32 v9, v8;
	[tilespmem:s17+$0x0] =	vst v5;
	s17 =	sadd.s32 $0x40, s6;
	s3 =	sadd.s32 $0x200, s1;
	s10 =	sor.u32 s31, s9  }
0x2d1: {  	s1 =	sld [smem:$0x775];
	v63 =	vld [tilespmem:s15+$0x0];
	s15 =	sadd.s32 $0x40, s4;
	s23 =	sadd.s32 s0, s3  }
0x2d2: {  	s18 =	sand.u32 $0x3C00, s3;
	[tilespmem:s12+$0x1B800] =	vst v53;
	v56 =	vadd.f32 v11, v10;
	s0 =	sand.u32 $0xFFFFFF80, s20;
	s20 =	sand.u32 $0xFFFFFF80, s19  }
0x2d3: {  	s9 =	sor.u32 s13, s18;
	v57 =	vld [tilespmem:s11+$0x0];
	s0 =	sor.u32 s13, s0;
	s11 =	sor.u32 s13, s14  }
0x2d4: {  	v58 =	vld [tilespmem:s10+$0x6000];
	s14 =	sadd.s32 $0x20, s6;
	s3 =	sadd.s32 $0x280, s1;
	[tilespmem:s9+$0x1B800] =	vst v56;
	s1 =	sand.u32 $0xFF80, s21  }
0x2d5: {  	s21 =	sadd.s32 $0x30, s6;
	s6 =	sadd.s32 $0x50, s6;
	s18 =	sand.u32 $0x3C00, s3;
	v59 =	vadd.f32 v52, v12;
	v60 =	vld [tilespmem:s0+$0x0]  }
0x2d6: {  	v61 =	vld [tilespmem:s11+$0x6000];
	s3 =	sand.u32 $0xFFFFFF80, s25;
	s0 =	sor.u32 s5, s20;
	s10 =	sor.u32 s5, s18  }
0x2d7: {  	v8 =	vadd.f32 v55, v54;
	s11 =	sor.u32 s5, s1;
	s1 =	sand.u32 $0xFF80, s14;
	s6 =	sand.u32 $0xFF80, s6;
	[tilespmem:s10+$0x1B800] =	vst v59  }
0x2d8: {  	s3 =	sor.u32 s16, s3;
	s18 =	sadd.s32 $0x30, s4;
	v6 =	vld [tilespmem:s0+$0x0];
	s0 =	sadd.s32 $0x1B800, s2  }
0x2d9: {  	s19 =	sor.u32 s16, s1;
	s1 =	sadd.s32 $0x1B800, s12;
	s4 =	sadd.s32 $0x50, s4;
	v62 =	vld [tilespmem:s11+$0x6000];
	v15 =	vadd.f32 v58, v57;
	[tilespmem:s0+$0x80] =	vst v8  }
0x2da: {  	s6 =	sor.u32 s5, s6;
	s20 =	sand.u32 $0xFFFFFF80, s18;
	s18 =	sand.u32 $0xFFFFFF80, s15;
	v16 =	vld [tilespmem:s3+$0x0]  }
0x2db: {  	s15 =	sld [smem:$0x75E];
	s25 =	sor.u32 s31, s20;
	s11 =	sand.u32 $0xFF80, s21;
	v17 =	vld [tilespmem:s19+$0x6000];
	[tilespmem:s1+$0x80] =	vst v15;
	v7 =	vadd.f32 v61, v60  }
0x2dc: {  	s21 =	sadd.s32 $0x1B800, s9;
	s11 =	sor.u32 s31, s11;
	s19 =	sand.u32 $0xFF80, s17;
	v8 =	vld [tilespmem:s25+$0x0]  }
0x2dd: {  	s3 =	sor.u32 s13, s18;
	s18 =	sld [smem:$0x75F];
	v18 =	vld [tilespmem:s11+$0x6000];
	s20 =	sor.u32 s13, s19;
	[tilespmem:s21+$0x80] =	vst v7  }
0x2de: {  	s25 =	sand.u32 $0xFFFFFF80, s4;
	s11 =	sld [smem:$0x775];
	s19 =	sadd.s32 $0x20, s7;
	v5 =	vadd.f32 v62, v6;
	v19 =	vld [tilespmem:s3+$0x0]  }
0x2df: {  	s14 =	sand.u32 $0xFFFFFF80, s19;
	s3 =	sadd.s32 $0x1B800, s10;
	v7 =	vld [tilespmem:s20+$0x6000];
	s20 =	sld [smem:$0x760]  }
0x2e0: {  	s17 =	sor.u32 s5, s25;
	s25 =	sadd.s32 $0x20, s8;
	s14 =	sor.u32 s16, s14;
	[tilespmem:s3+$0x80] =	vst v5  }
0x2e1: {  	s4 =	sadd.s32 s11, s15;
	s11 =	sor.u32 s26, s18;
	s18 =	sadd.s32 $0x30, s7;
	v10 =	vadd.f32 v17, v16;
	v5 =	vld [tilespmem:s17+$0x0]  }
0x2e2: {  	v20 =	vld [tilespmem:s6+$0x6000];
	s6 =	sor.u32 s26, s20;
	s17 =	sand.u32 $0xFF80, s25;
	s20 =	sand.u32 $0xFFFFFF80, s18  }
0x2e3: {  	v8 =	vadd.f32 v18, v8;
	s25 =	sadd.s32 $0x30, s8;
	s18 =	sadd.s32 $0x40, s7;
	[tilespmem:s0+$0x100] =	vst v10;
	s19 =	sor.u32 s16, s17  }
0x2e4: {  	s17 =	sand.u32 $0xFF80, s25;
	s25 =	sadd.s32 $0x40, s8;
	v10 =	vld [tilespmem:s14+$0x0];
	s14 =	sor.u32 s31, s20  }
0x2e5: {  	v22 =	vld [tilespmem:s19+$0x6000];
	[tilespmem:s1+$0x100] =	vst v8;
	v6 =	vadd.f32 v7, v19;
	s19 =	sor.u32 s31, s17;
	s20 =	sand.u32 $0xFFFFFF80, s18;
	s18 =	sld [smem:$0x761]  }
0x2e6: {  	s15 =	sand.u32 $0xFF80, s25;
	v8 =	vld [tilespmem:s19+$0x6000];
	s19 =	sld [smem:$0x762]  }
0x2e7: {  	v21 =	vld [tilespmem:s11+$0x0];
	s7 =	sadd.s32 $0x50, s7;
	s17 =	sor.u32 s13, s15;
	s15 =	sld [smem:$0x765];
	[tilespmem:s21+$0x100] =	vst v6  }
0x2e8: {  	s7 =	sand.u32 $0xFFFFFF80, s7;
	s8 =	sadd.s32 $0x50, s8;
	v24 =	vld [tilespmem:s17+$0x6000];
	s17 =	sld [smem:$0x763]  }
0x2e9: {  	v23 =	vld [tilespmem:s14+$0x0];
	s14 =	sor.u32 s13, s20;
	v5 =	vadd.f32 v20, v5;
	s11 =	sor.u32 s26, s18;
	s18 =	sld [smem:$0x764]  }
0x2ea: {  	s7 =	sor.u32 s5, s7;
	s8 =	sand.u32 $0xFF80, s8;
	v6 =	vld [tilespmem:s14+$0x0]  }
0x2eb: {  	s20 =	sor.u32 s5, s8;
	s14 =	sor.u32 s26, s19;
	[tilespmem:s3+$0x100] =	vst v5;
	s25 =	sadd.s32 $0x20, s17  }
0x2ec: {  	v9 =	vadd.f32 v21, v63;
	v25 =	vld [tilespmem:s20+$0x6000];
	s8 =	sor.u32 s26, s18;
	s20 =	sadd.s32 $0x20, s15;
	s18 =	sadd.s32 $0x30, s15  }
0x2ed: {  	v10 =	vadd.f32 v22, v10;
	v5 =	vld [tilespmem:s7+$0x0];
	s19 =	sand.u32 $0xFFFFFF80, s25;
	s7 =	sand.u32 $0xFF80, s20;
	s25 =	sadd.s32 $0x30, s17  }
0x2ee: {  	[tilespmem:s6+$0x0] =	vst v9;
	v7 =	vadd.f32 v8, v23;
	s20 =	sand.u32 $0xFF80, s18;
	s18 =	sadd.s32 $0x40, s15;
	s6 =	sor.u32 s16, s19  }
0x2ef: {  	v26 =	vld [tilespmem:s11+$0x0];
	[tilespmem:s0+$0x180] =	vst v10;
	s7 =	sor.u32 s16, s7;
	s11 =	sand.u32 $0xFFFFFF80, s25;
	v6 =	vadd.f32 v24, v6;
	s25 =	sadd.s32 $0x40, s17  }
0x2f0: {  	[tilespmem:s1+$0x180] =	vst v7;
	v10 =	vld [tilespmem:s7+$0x6000];
	s19 =	sor.u32 s31, s11;
	s7 =	sor.u32 s31, s20;
	s11 =	sand.u32 $0xFFFFFF80, s25  }
0x2f1: {  	s20 =	sand.u32 $0xFF80, s18;
	s25 =	sadd.s32 $0x50, s17;
	v7 =	vld [tilespmem:s19+$0x0];
	[tilespmem:s21+$0x180] =	vst v6;
	s19 =	sor.u32 s13, s11  }
0x2f2: {  	s17 =	sor.u32 s13, s20;
	s20 =	sld [smem:$0x766];
	v6 =	vld [tilespmem:s19+$0x0];
	s19 =	sadd.s32 $0x50, s15  }
0x2f3: {  	s11 =	sand.u32 $0xFF80, s19;
	s19 =	sld [smem:$0x768]  }
0x2f4: {  	s18 =	sand.u32 $0xFFFFFF80, s25  }
0x2f5: {  	v27 =	vld [tilespmem:s6+$0x0];
	s25 =	sor.u32 s5, s18  }
0x2f6: {  	v28 =	vld [tilespmem:s7+$0x6000];
	s15 =	sor.u32 s26, s20;
	s20 =	sld [smem:$0x769];
	s18 =	sadd.s32 $0x20, s19  }
0x2f7: {  	v5 =	vadd.f32 v25, v5;
	v29 =	vld [tilespmem:s17+$0x6000];
	s17 =	sor.u32 s5, s11;
	s11 =	sand.u32 $0xFFFFFF80, s18;
	s18 =	sld [smem:$0x76A]  }
0x2f8: {  	_ = 	snop  }
0x2f9: {  	[tilespmem:s3+$0x180] =	vst v5  }
0x2fa: {  	v5 =	vld [tilespmem:s25+$0x0];
	v8 =	vadd.f32 v10, v27;
	s6 =	sor.u32 s26, s20;
	s25 =	sadd.s32 $0x20, s18  }
0x2fb: {  	v30 =	vld [tilespmem:s17+$0x6000];
	v7 =	vadd.f32 v28, v7;
	s11 =	sor.u32 s16, s11;
	s20 =	sand.u32 $0xFF80, s25;
	s25 =	sadd.s32 $0x30, s19  }
0x2fc: {  	v31 =	vld [tilespmem:s14+$0x0];
	[tilespmem:s0+$0x200] =	vst v8;
	s14 =	sor.u32 s16, s20;
	s20 =	sand.u32 $0xFFFFFF80, s25;
	s25 =	sadd.s32 $0x30, s18  }
0x2fd: {  	[tilespmem:s1+$0x200] =	vst v7;
	v32 =	vld [tilespmem:s14+$0x6000];
	s14 =	sor.u32 s31, s20;
	s20 =	sand.u32 $0xFF80, s25;
	s25 =	sadd.s32 $0x40, s19  }
0x2fe: {  	v6 =	vadd.f32 v29, v6;
	v7 =	vld [tilespmem:s14+$0x0];
	s14 =	sor.u32 s31, s20;
	s20 =	sand.u32 $0xFFFFFF80, s25;
	s25 =	sadd.s32 $0x40, s18  }
0x2ff: {  	v33 =	vld [tilespmem:s14+$0x6000];
	s14 =	sor.u32 s13, s20;
	s20 =	sand.u32 $0xFF80, s25;
	s25 =	sadd.s32 $0x50, s19  }
0x300: {  	v8 =	vld [tilespmem:s11+$0x0];
	[tilespmem:s21+$0x200] =	vst v6;
	v5 =	vadd.f32 v30, v5;
	s19 =	sor.u32 s13, s20;
	s20 =	sand.u32 $0xFFFFFF80, s25;
	s25 =	sadd.s32 $0x50, s18  }
0x301: {  	v34 =	vld [tilespmem:s19+$0x6000];
	s18 =	sor.u32 s5, s20;
	s19 =	sand.u32 $0xFF80, s25;
	s20 =	sld [smem:$0x76B]  }
0x302: {  	[tilespmem:s3+$0x200] =	vst v5;
	v6 =	vld [tilespmem:s14+$0x0];
	s14 =	sor.u32 s5, s19;
	s19 =	sld [smem:$0x76D]  }
0x303: {  	v12 =	vadd.f32 v31, v26;
	v5 =	vld [tilespmem:s18+$0x0];
	s18 =	sld [smem:$0x76C];
	_ =	sdelay $0x1  }
0x304: {  	[tilespmem:s8+$0x0] =	vst v12;
	s25 =	sadd.s32 $0x20, s20;
	s8 =	sor.u32 s26, s19;
	s19 =	sld [smem:$0x76E]  }
0x305: {  	v8 =	vadd.f32 v32, v8;
	s17 =	sand.u32 $0xFFFFFF80, s25;
	s25 =	sadd.s32 $0x20, s18  }
0x306: {  	s11 =	sor.u32 s16, s17;
	s25 =	sand.u32 $0xFF80, s25  }
0x307: {  	v35 =	vld [tilespmem:s14+$0x6000];
	[tilespmem:s0+$0x280] =	vst v8;
	v7 =	vadd.f32 v33, v7;
	s0 =	sor.u32 s16, s25;
	s25 =	sadd.s32 $0x30, s20;
	s17 =	sadd.s32 $0x20, s19  }
0x308: {  	v8 =	vld [tilespmem:s11+$0x0];
	s11 =	sand.u32 $0xFFFFFF80, s17;
	s17 =	sand.u32 $0xFFFFFF80, s25;
	s25 =	sadd.s32 $0x30, s18  }
0x309: {  	[tilespmem:s1+$0x280] =	vst v7;
	v6 =	vadd.f32 v34, v6;
	s14 =	sor.u32 s31, s17;
	s17 =	sand.u32 $0xFF80, s25;
	s25 =	sadd.s32 $0x40, s20  }
0x30a: {  	v7 =	vld [tilespmem:s14+$0x0];
	s14 =	sor.u32 s31, s17;
	s17 =	sand.u32 $0xFFFFFF80, s25;
	s25 =	sadd.s32 $0x40, s18  }
0x30b: {  	s7 =	sld [smem:$0x767];
	v12 =	vld [tilespmem:s15+$0x0];
	[tilespmem:s21+$0x280] =	vst v6;
	s17 =	sor.u32 s13, s17;
	s21 =	sand.u32 $0xFF80, s25  }
0x30c: {  	v36 =	vld [tilespmem:s0+$0x6000];
	v5 =	vadd.f32 v35, v5;
	s25 =	sadd.s32 $0x50, s20;
	s20 =	sadd.s32 $0x50, s18;
	s18 =	sld [smem:$0x76F]  }
0x30d: {  	v6 =	vld [tilespmem:s17+$0x0];
	s17 =	sand.u32 $0xFFFFFF80, s25  }
0x30e: {  	[tilespmem:s3+$0x280] =	vst v5;
	v37 =	vld [tilespmem:s14+$0x6000];
	s14 =	sor.u32 s13, s21;
	s21 =	sor.u32 s5, s17  }
0x30f: {  	s7 =	sor.u32 s26, s7;
	s17 =	sadd.s32 $0x20, s18;
	v5 =	vld [tilespmem:s21+$0x0];
	s21 =	sld [smem:$0x770]  }
0x310: {  	v40 =	vld [tilespmem:s7+$0x0];
	s0 =	sor.u32 s16, s11;
	s25 =	sand.u32 $0xFF80, s20;
	s20 =	sand.u32 $0xFF80, s17  }
0x311: {  	v8 =	vadd.f32 v36, v8;
	v38 =	vld [tilespmem:s14+$0x6000];
	s14 =	sor.u32 s5, s25;
	s11 =	sor.u32 s16, s20;
	s20 =	sld [smem:$0x771]  }
0x312: {  	s4 =	sadd.s32 $0x190, s4;
	v39 =	vld [tilespmem:s14+$0x6000];
	s14 =	sor.u32 $0x300, s23;
	s25 =	sor.u32 $0x300, s21  }
0x313: {  	v7 =	vadd.f32 v37, v7;
	s15 =	sor.u32 $0x380, s21;
	s21 =	sadd.s32 $0x30, s19;
	[tilespmem:s25+$0x1B800] =	vst v8;
	s25 =	sadd.s32 $0x30, s18  }
0x314: {  	s21 =	sand.u32 $0xFFFFFF80, s21;
	s17 =	sadd.s32 $0x20, s20;
	s25 =	sand.u32 $0xFF80, s25  }
0x315: {  	[tilespmem:s1+$0x300] =	vst v7;
	v8 =	vld [tilespmem:s0+$0x0];
	s0 =	sand.u32 $0xFFFFFF80, s17;
	s17 =	sor.u32 s31, s21;
	s21 =	sadd.s32 $0x40, s19  }
0x316: {  	v6 =	vadd.f32 v38, v6;
	s7 =	sor.u32 s31, s25;
	v7 =	vld [tilespmem:s17+$0x0];
	s25 =	sand.u32 $0xFFFFFF80, s21;
	s17 =	sadd.s32 $0x40, s18  }
0x317: {  	v44 =	vadd.f32 v40, v12;
	v41 =	vld [tilespmem:s11+$0x6000];
	s1 =	sor.u32 s13, s25;
	s21 =	sand.u32 $0xFF80, s17;
	s25 =	sadd.s32 $0x50, s19  }
0x318: {  	v5 =	vadd.f32 v39, v5;
	[tilespmem:s14+$0x1B800] =	vst v6;
	v42 =	vld [tilespmem:s7+$0x6000];
	s17 =	sadd.s32 $0x50, s18;
	s7 =	sor.u32 s13, s21;
	s14 =	sand.u32 $0xFFFFFF80, s25  }
0x319: {  	[tilespmem:s6+$0x0] =	vst v44;
	v6 =	vld [tilespmem:s1+$0x0];
	s19 =	sand.u32 $0xFF80, s17;
	s18 =	sor.u32 s5, s14;
	s14 =	sld [smem:$0x773]  }
0x31a: {  	s6 =	sadd.s32 $0x30, s20;
	[tilespmem:s3+$0x300] =	vst v5;
	s0 =	sor.u32 s16, s0;
	v43 =	vld [tilespmem:s7+$0x6000];
	s3 =	sor.u32 s5, s19  }
0x31b: {  	s17 =	sadd.s32 $0x40, s20;
	v46 =	vld [tilespmem:s3+$0x6000];
	s3 =	sor.u32 $0x300, s4;
	s4 =	sand.u32 $0xFFFFFF80, s6  }
0x31c: {  	v47 =	vld [tilespmem:s8+$0x0];
	v8 =	vadd.f32 v41, v8;
	s19 =	sand.u32 $0xFFFFFF80, s17;
	s8 =	sor.u32 s31, s4;
	s21 =	sadd.s32 $0x20, s14  }
0x31d: {  	v45 =	vld [tilespmem:s18+$0x0];
	v7 =	vadd.f32 v42, v7;
	s7 =	sadd.s32 $0x30, s14;
	s17 =	sadd.s32 $0x50, s14;
	s25 =	sand.u32 $0xFF80, s21  }
0x31e: {  	[tilespmem:s15+$0x1B800] =	vst v8;
	s15 =	sand.u32 $0xFF80, s7;
	s21 =	sadd.s32 $0x40, s14;
	s7 =	sld [smem:$0x774]  }
0x31f: {  	[tilespmem:s3+$0x1B800] =	vst v7;
	s3 =	sor.u32 s13, s19;
	s19 =	sand.u32 $0xFF80, s17;
	s1 =	sor.u32 s16, s25  }
0x320: {  	v8 =	vld [tilespmem:s0+$0x0];
	s18 =	sor.u32 s31, s15;
	v6 =	vadd.f32 v43, v6;
	s25 =	sor.u32 $0x380, s23;
	s23 =	sld [smem:$0x777]  }
0x321: {  	s4 =	sand.u32 $0xFF80, s21;
	v48 =	vld [tilespmem:s1+$0x6000];
	s1 =	sadd.s32 $0x290, s7;
	s7 =	sld [smem:$0x776]  }
0x322: {  	v7 =	vld [tilespmem:s8+$0x0];
	s8 =	sadd.s32 $0x50, s20;
	s20 =	sor.u32 s5, s19;
	s6 =	sor.u32 s13, s4;
	v5 =	vadd.f32 v46, v45;
	[tilespmem:s25+$0x1B800] =	vst v6  }
0x323: {  	s15 =	sand.u32 $0xFFFFFF80, s8;
	s1 =	sor.u32 $0x300, s1;
	v50 =	vld [tilespmem:s6+$0x6000];
	s6 =	sld [smem:$0x778]  }
0x324: {  	v49 =	vld [tilespmem:s18+$0x6000];
	s18 =	sor.u32 s5, s15;
	s0 =	sor.u32 s26, s23;
	[tilespmem:s1+$0x1B800] =	vst v5;
	s21 =	sadd.s32 $0x20, s7  }
0x325: {  	v51 =	vld [tilespmem:s20+$0x6000];
	s8 =	sadd.s32 $0x30, s7;
	s20 =	sadd.s32 $0x40, s7;
	s7 =	sadd.s32 $0x50, s7  }
0x326: {  	v6 =	vld [tilespmem:s3+$0x0];
	s1 =	sand.u32 $0xFFFFFF80, s21;
	s25 =	sadd.s32 $0x20, s6;
	s15 =	sand.u32 $0xFFFFFF80, s8  }
0x327: {  	v5 =	vld [tilespmem:s18+$0x0];
	v8 =	vadd.f32 v48, v8;
	s17 =	sadd.s32 $0x30, s6;
	s23 =	sand.u32 $0xFFFFFF80, s20;
	s1 =	sor.u32 s16, s1  }
0x328: {  	v52 =	vld [tilespmem:s0+$0x0];
	s3 =	sand.u32 $0xFF80, s25;
	s18 =	sor.u32 s31, s15;
	s19 =	sand.u32 $0xFF80, s17  }
0x329: {  	v7 =	vadd.f32 v49, v7;
	s25 =	sadd.s32 $0x40, s6;
	s15 =	sadd.s32 $0x50, s6;
	s6 =	sld [smem:$0x77C];
	[tilespmem:s2+$0x1D000] =	vst v8  }
0x32a: {  	s14 =	sor.u32 s16, s3;
	s21 =	sor.u32 s31, s19;
	s19 =	sld [smem:$0x779];
	v8 =	vld [tilespmem:s1+$0x0]  }
0x32b: {  	[tilespmem:s12+$0x1D000] =	vst v7;
	v6 =	vadd.f32 v50, v6;
	s3 =	sand.u32 $0xFF80, s25;
	v53 =	vld [tilespmem:s14+$0x6000];
	s14 =	sand.u32 $0xFFFFFF80, s7;
	s7 =	sld [smem:$0x77A]  }
0x32c: {  	v54 =	vld [tilespmem:s21+$0x6000];
	s1 =	sor.u32 s13, s23;
	s8 =	sor.u32 s13, s3;
	s21 =	sld [smem:$0x77B];
	v5 =	vadd.f32 v51, v5  }
0x32d: {  	v7 =	vld [tilespmem:s18+$0x0];
	v10 =	vadd.f32 v52, v47;
	s18 =	sand.u32 $0xFF80, s15;
	[tilespmem:s9+$0x1D000] =	vst v6;
	s17 =	sor.u32 s5, s14;
	s25 =	sadd.s32 $0x20, s6  }
0x32e: {  	v6 =	vld [tilespmem:s1+$0x0];
	s0 =	sor.u32 s26, s19;
	s1 =	sor.u32 s5, s18;
	s3 =	sand.u32 $0xFF80, s25;
	[tilespmem:s10+$0x1D000] =	vst v5  }
0x32f: {  	v55 =	vld [tilespmem:s8+$0x6000];
	s25 =	sadd.s32 $0x40, s6;
	s20 =	sadd.s32 $0x20, s7;
	[tilespmem:s0+$0x0] =	vst v10;
	s0 =	sor.u32 s26, s21  }
0x330: {  	s8 =	sadd.s32 $0x30, s7;
	s14 =	sor.u32 s16, s3;
	s3 =	sand.u32 $0xFF80, s25;
	v5 =	vld [tilespmem:s17+$0x0];
	v8 =	vadd.f32 v53, v8  }
0x331: {  	v56 =	vld [tilespmem:s1+$0x6000];
	s23 =	sand.u32 $0xFFFFFF80, s20;
	s15 =	sand.u32 $0xFFFFFF80, s8;
	s17 =	sadd.s32 $0x30, s6  }
0x332: {  	v10 =	vld [tilespmem:s0+$0x0];
	s20 =	sadd.s32 $0x40, s7;
	s8 =	sadd.s32 $0x50, s7;
	s1 =	sor.u32 s16, s23;
	v7 =	vadd.f32 v54, v7;
	[tilespmem:s2+$0x1D080] =	vst v8  }
0x333: {  	s7 =	sld [smem:$0x77D];
	s18 =	sor.u32 s31, s15;
	s19 =	sand.u32 $0xFF80, s17;
	v8 =	vld [tilespmem:s1+$0x0]  }
0x334: {  	s23 =	sand.u32 $0xFFFFFF80, s20;
	s15 =	sand.u32 $0xFFFFFF80, s8;
	s17 =	sadd.s32 $0x50, s6;
	[tilespmem:s12+$0x1D080] =	vst v7;
	v6 =	vadd.f32 v55, v6;
	v57 =	vld [tilespmem:s14+$0x6000]  }
0x335: {  	s6 =	sld [smem:$0x77F];
	s21 =	sor.u32 s31, s19;
	s19 =	sand.u32 $0xFF80, s17;
	v7 =	vld [tilespmem:s18+$0x0]  }
0x336: {  	s20 =	sor.u32 s5, s19;
	s8 =	sadd.s32 $0x30, s7;
	v58 =	vld [tilespmem:s21+$0x6000];
	s1 =	sor.u32 s13, s23;
	[tilespmem:s9+$0x1D080] =	vst v6;
	v5 =	vadd.f32 v56, v5  }
0x337: {  	s14 =	sor.u32 s13, s3;
	s18 =	sor.u32 s5, s15;
	s23 =	sld [smem:$0x77E];
	v6 =	vld [tilespmem:s1+$0x0]  }
0x338: {  	s21 =	sadd.s32 $0x20, s7;
	s25 =	sadd.s32 $0x20, s6;
	s15 =	sand.u32 $0xFFFFFF80, s8;
	v59 =	vld [tilespmem:s14+$0x6000];
	[tilespmem:s10+$0x1D080] =	vst v5  }
0x339: {  	s17 =	sadd.s32 $0x30, s6;
	s8 =	sadd.s32 $0x50, s7;
	s3 =	sand.u32 $0xFF80, s25;
	v5 =	vld [tilespmem:s18+$0x0];
	v8 =	vadd.f32 v57, v8  }
0x33a: {  	s19 =	sand.u32 $0xFF80, s17;
	s1 =	sand.u32 $0xFFFFFF80, s21;
	s0 =	sor.u32 s26, s23;
	v60 =	vld [tilespmem:s20+$0x6000]  }
0x33b: {  	s25 =	sadd.s32 $0x40, s6;
	s17 =	sadd.s32 $0x50, s6;
	s1 =	sor.u32 s16, s1;
	v61 =	vld [tilespmem:s0+$0x0];
	v7 =	vadd.f32 v58, v7;
	[tilespmem:s2+$0x1D100] =	vst v8  }
0x33c: {  	s6 =	sld [smem:$0x783];
	s14 =	sor.u32 s16, s3;
	s21 =	sor.u32 s31, s19;
	v8 =	vld [tilespmem:s1+$0x0]  }
0x33d: {  	s3 =	sand.u32 $0xFF80, s25;
	s18 =	sor.u32 s31, s15;
	s20 =	sadd.s32 $0x40, s7;
	[tilespmem:s12+$0x1D100] =	vst v7;
	v6 =	vadd.f32 v59, v6;
	v62 =	vld [tilespmem:s14+$0x6000]  }
0x33e: {  	s19 =	sand.u32 $0xFF80, s17;
	s7 =	sld [smem:$0x781];
	s23 =	sand.u32 $0xFFFFFF80, s20;
	v7 =	vld [tilespmem:s18+$0x0]  }
0x33f: {  	s15 =	sand.u32 $0xFFFFFF80, s8;
	s20 =	sld [smem:$0x780];
	v63 =	vld [tilespmem:s21+$0x6000];
	s1 =	sor.u32 s13, s23;
	[tilespmem:s9+$0x1D100] =	vst v6;
	v5 =	vadd.f32 v60, v5  }
0x340: {  	s25 =	sadd.s32 $0x20, s6;
	s14 =	sor.u32 s13, s3;
	s23 =	sld [smem:$0x782];
	v6 =	vld [tilespmem:s1+$0x0]  }
0x341: {  	s17 =	sadd.s32 $0x30, s6;
	s8 =	sadd.s32 $0x30, s7;
	s18 =	sor.u32 s5, s15;
	v10 =	vadd.f32 v61, v10;
	v16 =	vld [tilespmem:s14+$0x6000];
	[tilespmem:s10+$0x1D100] =	vst v5  }
0x342: {  	s0 =	sor.u32 s26, s20;
	s21 =	sadd.s32 $0x20, s7;
	s1 =	sor.u32 s5, s19;
	v5 =	vld [tilespmem:s18+$0x0];
	v8 =	vadd.f32 v62, v8  }
0x343: {  	s15 =	sand.u32 $0xFFFFFF80, s8;
	s3 =	sand.u32 $0xFFFFFF80, s21;
	[tilespmem:s0+$0x0] =	vst v10;
	s0 =	sor.u32 s26, s23;
	v17 =	vld [tilespmem:s1+$0x6000]  }
0x344: {  	s20 =	sadd.s32 $0x40, s7;
	s3 =	sor.u32 s16, s3;
	v18 =	vld [tilespmem:s0+$0x0];
	s1 =	sand.u32 $0xFF80, s25;
	v7 =	vadd.f32 v63, v7;
	[tilespmem:s2+$0x1D180] =	vst v8  }
0x345: {  	s8 =	sadd.s32 $0x50, s7;
	s7 =	sld [smem:$0x784];
	s14 =	sor.u32 s16, s1;
	v8 =	vld [tilespmem:s3+$0x0]  }
0x346: {  	s19 =	sand.u32 $0xFF80, s17;
	s17 =	sadd.s32 $0x50, s6;
	s18 =	sor.u32 s31, s15;
	[tilespmem:s12+$0x1D180] =	vst v7;
	v6 =	vadd.f32 v16, v6;
	v19 =	vld [tilespmem:s14+$0x6000]  }
0x347: {  	s21 =	sor.u32 s31, s19;
	s23 =	sand.u32 $0xFFFFFF80, s20;
	s25 =	sadd.s32 $0x40, s6;
	v7 =	vld [tilespmem:s18+$0x0]  }
0x348: {  	s6 =	sld [smem:$0x786];
	s1 =	sor.u32 s13, s23;
	v20 =	vld [tilespmem:s21+$0x6000];
	s3 =	sand.u32 $0xFF80, s25;
	[tilespmem:s9+$0x1D180] =	vst v6;
	v5 =	vadd.f32 v17, v5  }
0x349: {  	s15 =	sand.u32 $0xFFFFFF80, s8;
	s21 =	sld [smem:$0x785];
	s14 =	sor.u32 s13, s3;
	v6 =	vld [tilespmem:s1+$0x0]  }
0x34a: {  	s19 =	sand.u32 $0xFF80, s17;
	s18 =	sor.u32 s5, s15;
	v21 =	vld [tilespmem:s14+$0x6000];
	[tilespmem:s10+$0x1D180] =	vst v5  }
0x34b: {  	s20 =	sadd.s32 $0x20, s7;
	s1 =	sor.u32 s5, s19;
	v23 =	vld [tilespmem:s18+$0x0];
	v22 =	vadd.f32 v19, v8  }
0x34c: {  	s0 =	sand.u32 $0xFFFFFF80, s20;
	s23 =	sadd.s32 $0x20, s6;
	s3 =	sor.u32 s26, s21;
	v24 =	vld [tilespmem:s1+$0x6000]  }
0x34d: {  	s0 =	sor.u32 s16, s0;
	s25 =	sadd.s32 $0x30, s7;
	v25 =	vld [tilespmem:s3+$0x0];
	s1 =	sand.u32 $0xFF80, s23;
	v26 =	vadd.f32 v20, v7;
	[tilespmem:s2+$0x1D200] =	vst v22  }
0x34e: {  	s8 =	sadd.s32 $0x30, s6;
	s3 =	sand.u32 $0xFFFFFF80, s25;
	s1 =	sor.u32 s16, s1;
	v27 =	vld [tilespmem:s0+$0x0]  }
0x34f: {  	s20 =	sadd.s32 $0x40, s6;
	s15 =	sand.u32 $0xFF80, s8;
	s14 =	sor.u32 s31, s3;
	[tilespmem:s12+$0x1D200] =	vst v26;
	v29 =	vadd.f32 v21, v6;
	v28 =	vld [tilespmem:s1+$0x6000]  }
0x350: {  	s17 =	sadd.s32 $0x40, s7;
	s18 =	sor.u32 s31, s15;
	s23 =	sand.u32 $0xFF80, s20;
	v30 =	vld [tilespmem:s14+$0x0]  }
0x351: {  	s19 =	sand.u32 $0xFFFFFF80, s17;
	s25 =	sadd.s32 $0x50, s7;
	s7 =	sor.u32 s13, s23;
	v31 =	vld [tilespmem:s18+$0x6000];
	[tilespmem:s9+$0x1D200] =	vst v29  }
0x352: {  	s21 =	sor.u32 s13, s19;
	v32 =	vadd.f32 v24, v23;
	v34 =	vld [tilespmem:s7+$0x6000];
	s7 =	sld [smem:$0x787]  }
0x353: {  	s8 =	sand.u32 $0xFFFFFF80, s25;
	s14 =	sadd.s32 $0x50, s6;
	s6 =	sld [smem:$0x788]  }
0x354: {  	s20 =	sor.u32 s26, s28;
	s15 =	sor.u32 s5, s8;
	v11 =	vadd.f32 v25, v18;
	s17 =	sand.u32 $0xFF80, s14;
	v33 =	vld [tilespmem:s21+$0x0];
	[tilespmem:s10+$0x1D200] =	vst v32  }
0x355: {  	s18 =	sor.u32 s26, s29;
	s1 =	sor.u32 s5, s17;
	v36 =	vld [tilespmem:s15+$0x0];
	v35 =	vadd.f32 v28, v27;
	s19 =	sadd.s32 $0x20, s7  }
0x356: {  	[tilespmem:s18+$0x0] =	vst v11;
	s21 =	sadd.s32 $0x20, s6;
	s29 =	sadd.s32 $0x30, s6;
	v37 =	vld [tilespmem:s1+$0x6000];
	s0 =	sand.u32 $0xFFFFFF80, s19  }
0x357: {  	v38 =	vld [tilespmem:s20+$0x0];
	s1 =	sand.u32 $0xFF80, s21;
	v39 =	vadd.f32 v31, v30;
	s23 =	sadd.s32 $0x30, s7;
	[tilespmem:s2+$0x1D280] =	vst v35;
	s0 =	sor.u32 s16, s0  }
0x358: {  	s14 =	sand.u32 $0xFF80, s29;
	s25 =	sor.u32 s16, s1;
	s28 =	sand.u32 $0xFFFFFF80, s23;
	v40 =	vld [tilespmem:s0+$0x0]  }
0x359: {  	s29 =	sadd.s32 $0x50, s6;
	s15 =	sadd.s32 $0x40, s7;
	[tilespmem:s12+$0x1D280] =	vst v39;
	s8 =	sor.u32 s31, s28;
	v42 =	vadd.f32 v34, v33;
	v41 =	vld [tilespmem:s25+$0x6000]  }
0x35a: {  	s17 =	sor.u32 s31, s14;
	s18 =	sand.u32 $0xFFFFFF80, s15;
	s19 =	sadd.s32 $0x40, s6;
	v43 =	vld [tilespmem:s8+$0x0]  }
0x35b: {  	s23 =	sadd.s32 $0x50, s7;
	s20 =	sor.u32 s13, s18;
	s21 =	sand.u32 $0xFF80, s19;
	v44 =	vld [tilespmem:s17+$0x6000];
	[tilespmem:s9+$0x1D280] =	vst v42;
	v45 =	vadd.f32 v37, v36  }
0x35c: {  	s7 =	sld [smem:$0x789];
	s28 =	sand.u32 $0xFFFFFF80, s23;
	s25 =	sor.u32 s13, s21;
	v46 =	vld [tilespmem:s20+$0x0]  }
0x35d: {  	s14 =	sld [smem:$0x78A];
	s6 =	sand.u32 $0xFF80, s29;
	s1 =	sor.u32 s5, s28;
	v47 =	vld [tilespmem:s25+$0x6000];
	[tilespmem:s10+$0x1D280] =	vst v45  }
0x35e: {  	v49 =	vld [tilespmem:s1+$0x0];
	s1 =	sor.u32 s5, s6;
	s6 =	sld [smem:$0x78B]  }
0x35f: {  	s8 =	sadd.s32 $0x20, s7;
	s17 =	sadd.s32 $0x30, s7;
	v48 =	vadd.f32 v41, v40  }
0x360: {  	s3 =	sor.u32 s26, s14;
	s0 =	sand.u32 $0xFFFFFF80, s8;
	s19 =	sand.u32 $0xFFFFFF80, s17;
	v50 =	vld [tilespmem:s1+$0x6000];
	v52 =	vadd.f32 v44, v43  }
0x361: {  	v51 =	vld [tilespmem:s3+$0x0];
	s25 =	sadd.s32 $0x40, s7;
	s0 =	sor.u32 s16, s0;
	s15 =	sadd.s32 $0x20, s6;
	[tilespmem:s2+$0x1D300] =	vst v48  }
0x362: {  	s21 =	sor.u32 s31, s19;
	s20 =	sadd.s32 $0x30, s6;
	[tilespmem:s12+$0x1D300] =	vst v52;
	s1 =	sand.u32 $0xFF80, s15;
	v53 =	vld [tilespmem:s0+$0x0]  }
0x363: {  	s29 =	sand.u32 $0xFFFFFF80, s25;
	v55 =	vadd.f32 v47, v46;
	s23 =	sand.u32 $0xFF80, s20;
	v56 =	vld [tilespmem:s21+$0x0];
	s18 =	sor.u32 s16, s1  }
0x364: {  	s15 =	sadd.s32 $0x50, s7;
	s28 =	sor.u32 s31, s23;
	s31 =	sadd.s32 $0x40, s6;
	v54 =	vld [tilespmem:s18+$0x6000]  }
0x365: {  	s8 =	sor.u32 s13, s29;
	[tilespmem:s9+$0x1D300] =	vst v55;
	s17 =	sand.u32 $0xFFFFFF80, s15;
	v57 =	vld [tilespmem:s28+$0x6000];
	s14 =	sand.u32 $0xFF80, s31;
	v58 =	vadd.f32 v50, v49  }
0x366: {  	s23 =	sld [smem:$0x78C];
	v59 =	vld [tilespmem:s8+$0x0];
	s18 =	sadd.s32 $0x50, s6;
	s16 =	sor.u32 s13, s14  }
0x367: {  	s19 =	sor.u32 s5, s17;
	s20 =	sand.u32 $0xFF80, s18;
	v60 =	vld [tilespmem:s16+$0x6000];
	[tilespmem:s10+$0x1D300] =	vst v58  }
0x368: {  	s11 =	sld [smem:$0x772];
	s21 =	sor.u32 s5, s20;
	v5 =	vld [tilespmem:s19+$0x0]  }
0x369: {  	v3 =	vadd.f32 v4, v3;
	s4 =	sld [smem:$0x775];
	s0 =	sadd.s32 $0x1D380, s23;
	v14 =	vld [tilespmem:s21+$0x6000]  }
0x36a: {  	v61 =	vadd.f32 v51, v38;
	s28 =	sld [smem:$0x7B3];
	s25 =	sor.u32 s24, s0  }
0x36b: {  	p0 =	slt.u32 s22, $0x2A0;
	s29 =	sld [smem:$0x7B1];
	s0 =	sor.u32 s26, s0;
	[tilespmem:s25+$0x0] =	vst v3;
	v3 =	vadd.f32 v54, v53  }
.Ltmp1:
0x36c: {  	s31 =	sld [smem:$0x7B2];
	[tilespmem:s0+$0x0] =	vst v61;
	v62 =	vadd.f32 v57, v56;
	(pc) =	sbr.rel @p0 .LBB2_5-.Ltmp1, $4  }
0x36d: {  	s30 =	sadd.s32 $0x6, s30;
	s26 =	sld [smem:$0x78D];
	s0 =	sadd.s32 $0x3, s28;
	[tilespmem:s2+$0x1D380] =	vst v3;
	v3 =	vadd.f32 v60, v59  }
0x36e: {  	s22 =	sadd.s32 $0x60, s22;
	[smem:$0x7B3] =	sst s0;
	s0 =	sadd.s32 $0x3, s29;
	[tilespmem:s12+$0x1D380] =	vst v62;
	v63 =	vadd.f32 v14, v5  }
0x36f: {  	s11 =	sadd.s32 $0x3, s11;
	[smem:$0x7B1] =	sst s0;
	s0 =	sadd.s32 $0x6, s31;
	[tilespmem:s9+$0x1D380] =	vst v3  }
0x370: {  	s4 =	sadd.s32 $0x300, s4;
	s1 =	sadd.s32 $0x6, s26;
	[smem:$0x7B2] =	sst s0;
	[tilespmem:s10+$0x1D380] =	vst v63  }
0x371: {  	s3 =	sld [smem:$0x7F4]  }
0x372: {  	s0 =	sld [smem:$0x7AB];
	_ =	sdelay $0x1  }
0x373: {  	s1 =	simm.s32 $0x3  }
0x374: {  	_ =	swait.ge [sflag:s1], $0x3000;
	s0 =	sadd.s32 s3, s0  }
0x375: {  	[sflag:s1] =	ssyncset.done $0x0;
	s0 =	sshrl.u32 s0, $0x3  }
0x376: {  	[sflag:s1] =	ssyncadd.s32 $0xFFFFD000;
	s0 =	smul.u32 $0x300, s0  }
0x377: {  	s6 =	simm.s32 $0x0;
	s2 =	rddreg [dreg:$0x1]  }
0x378: {  	s24 =	simm.s32 $0x15800;
	s4 =	simm.s32 $0x4;
	s0 =	sadd.s32 s2, s0  }
0x379: {  	[hbm4b:s0+s6] =	stream.linear.scatter [tilespmem:s24], [sflag:$0x8], $0x3000, $0x38;
	[tilespmem:$0x1E800] =	vst v63  }
0x37a: {  	s25 =	sld [smem:$0x7AC];
	_ =	swait.ge [sflag:s4], $0x3000  }
0x37b: {  	s26 =	sld [smem:$0x7AE];
	_ =	sdelay $0x2  }
0x37c: {  	s1 =	sadd.s32 s3, s26  }
0x37d: {  	s31 =	sld [smem:$0x7EB];
	s1 =	sshrl.u32 s1, $0x3  }
0x37e: {  	s1 =	smul.u32 $0x300, s1  }
0x37f: {  	s0 =	sadd.s32 s3, s25  }
0x380: {  	s0 =	sshrl.u32 s0, $0x3;
	s29 =	sadd.s32 s2, s1;
	s1 =	sadd.s32 $0x1, s31  }
0x381: {  	s0 =	smul.u32 $0x300, s0;
	p0 =	sne.s32 s1, $0x15  }
.Ltmp2:
0x382: {  	[sflag:s4] =	ssyncset.done $0x0;
	(pc) =	sbr.rel @p0 .LBB2_2-.Ltmp2, $4  }
0x383: {  	s28 =	simm.s32 $0x18800;
	[sflag:s4] =	ssyncadd.s32 $0xFFFFD000;
	s0 =	sadd.s32 s2, s0  }
0x384: {  	[hbm4b:s0+s6] =	stream.linear.scatter [tilespmem:s28], [sflag:$0x9], $0x3000, $0x38;
	[tilespmem:$0x1E800] =	vst v63  }
0x385: {  	s30 =	simm.s32 $0x1B800  }
0x386: {  	[hbm4b:s29+s6] =	stream.linear.scatter [tilespmem:s30], [sflag:$0xA], $0x3000, $0x38;
	[tilespmem:$0x1E800] =	vst v63  }
0x387: {  	s7 =	simm.s32 $0x5  }
0x388: {  	_ =	swait.ge [sflag:s7], $0x3000  }
0x389: {  	[sflag:s7] =	ssyncset.done $0x0  }
0x38a: {  	[sflag:s7] =	ssyncadd.s32 $0xFFFFD000  }
0x38b: {  	v3 =	vld [tilespmem:$0xC7E0];
	_ =	sdelay $0x4  }
0x38c: {  	v4 =	vshrl.u32 v3, $0x3  }
0x38d: {  	v4 =	vmul.u32 $0x30, v4  }
0x38e: {  	v3 =	vand.u32 $0x7, v3  }
0x38f: {  	v3 =	vor.u32 v3, v4  }
0x390: {  	v4 =	vperm.xlane v3, v0;
	_ =	sdelay $0x1  }
0x391: {  	v4 =	vadd.s32 v1, v4;
	_ =	sdelay $0x1  }
0x392: {  	s0 =	sld [smem:$0x7F5];
	_ =	sdelay $0x1  }
0x393: {  	s3 =	simm.s32 $0xC800;
	s1 =	sld [smem:$0x7F9];
	v3 =	vperm.xlane v3, v2  }
0x394: {  	[tilespmem:s3], [sflag:$0x1] =	stream.indirect_vreg.gather [hbm4b:s0+s6], $0x80, v4, vm0, $0xb8;
	[tilespmem:$0x1E800] =	vst v63  }
0x395: {  	s2 =	simm.s32 $0xD000;
	s12 =	sld [smem:$0x7FA];
	v3 =	vadd.s32 v1, v3  }
0x396: {  	[tilespmem:s2], [sflag:$0x1] =	stream.indirect_vreg.gather [hbm4b:s1+s6], $0x80, v4, vm0, $0xb8;
	[tilespmem:$0x1E800] =	vst v63  }
0x397: {  	s4 =	simm.s32 $0xD800  }
0x398: {  	[tilespmem:s4], [sflag:$0x1] =	stream.indirect_vreg.gather [hbm4b:s12+s6], $0x80, v4, vm0, $0xb8;
	[tilespmem:$0x1E800] =	vst v63  }
0x399: {  	s13 =	simm.s32 $0xE000  }
0x39a: {  	[tilespmem:s13], [sflag:$0x1] =	stream.indirect_vreg.gather [hbm4b:s0+s6], $0x80, v3, vm0, $0xb8;
	[tilespmem:$0x1E800] =	vst v63  }
0x39b: {  	s14 =	simm.s32 $0xE800  }
0x39c: {  	[tilespmem:s14], [sflag:$0x1] =	stream.indirect_vreg.gather [hbm4b:s1+s6], $0x80, v3, vm0, $0xb8;
	[tilespmem:$0x1E800] =	vst v63  }
0x39d: {  	s15 =	simm.s32 $0xF000;
	s8 =	simm.s32 $0x6  }
0x39e: {  	[tilespmem:s15], [sflag:$0x1] =	stream.indirect_vreg.gather [hbm4b:s12+s6], $0x80, v3, vm0, $0xb8;
	[tilespmem:$0x1E800] =	vst v63  }
0x39f: {  	_ =	swait.ge [sflag:s8], $0x3000  }
0x3a0: {  	[sflag:s8] =	ssyncset.done $0x0  }
0x3a1: {  	[sflag:s8] =	ssyncadd.s32 $0xFFFFD000  }
0x3a2: {  	v3 =	vld [tilespmem:$0xC7F0];
	_ =	sdelay $0x4  }
0x3a3: {  	v63 =	vshrl.u32 v3, $0x3  }
0x3a4: {  	v4 =	vmul.u32 $0x30, v63  }
0x3a5: {  	v3 =	vand.u32 $0x7, v3  }
0x3a6: {  	v3 =	vor.u32 v3, v4  }
0x3a7: {  	v4 =	vperm.xlane v3, v0;
	_ =	sdelay $0x1  }
0x3a8: {  	v4 =	vadd.s32 v1, v4;
	_ =	sdelay $0x3  }
0x3a9: {  	s16 =	simm.s32 $0xF800;
	v3 =	vperm.xlane v3, v2  }
0x3aa: {  	[tilespmem:s16], [sflag:$0x2] =	stream.indirect_vreg.gather [hbm4b:s0+s6], $0x80, v4, vm0, $0xb8;
	[tilespmem:$0x1E800] =	vst v63  }
0x3ab: {  	s5 =	simm.s32 $0x10000;
	v3 =	vadd.s32 v1, v3  }
0x3ac: {  	[tilespmem:s5], [sflag:$0x2] =	stream.indirect_vreg.gather [hbm4b:s1+s6], $0x80, v4, vm0, $0xb8;
	[tilespmem:$0x1E800] =	vst v63  }
0x3ad: {  	s17 =	simm.s32 $0x10800  }
0x3ae: {  	[tilespmem:s17], [sflag:$0x2] =	stream.indirect_vreg.gather [hbm4b:s12+s6], $0x80, v4, vm0, $0xb8;
	[tilespmem:$0x1E800] =	vst v63  }
0x3af: {  	s18 =	simm.s32 $0x11000  }
0x3b0: {  	[tilespmem:s18], [sflag:$0x2] =	stream.indirect_vreg.gather [hbm4b:s0+s6], $0x80, v3, vm0, $0xb8;
	[tilespmem:$0x1E800] =	vst v63  }
0x3b1: {  	s19 =	simm.s32 $0x11800  }
0x3b2: {  	[tilespmem:s19], [sflag:$0x2] =	stream.indirect_vreg.gather [hbm4b:s1+s6], $0x80, v3, vm0, $0xb8;
	[tilespmem:$0x1E800] =	vst v63  }
0x3b3: {  	s20 =	simm.s32 $0x12000;
	s21 =	simm.s32 $0x7  }
0x3b4: {  	[tilespmem:s20], [sflag:$0x2] =	stream.indirect_vreg.gather [hbm4b:s12+s6], $0x80, v3, vm0, $0xb8;
	[tilespmem:$0x1E800] =	vst v63  }
0x3b5: {  	_ =	swait.ge [sflag:s21], $0x3000  }
0x3b6: {  	[sflag:s21] =	ssyncset.done $0x0  }
0x3b7: {  	s22 =	simm.s32 $0x8;
	[sflag:s21] =	ssyncadd.s32 $0xFFFFD000  }
0x3b8: {  	_ =	swait.ge [sflag:s22], $0x3000  }
0x3b9: {  	[sflag:s22] =	ssyncset.done $0x0  }
0x3ba: {  	s23 =	simm.s32 $0x9;
	[sflag:s22] =	ssyncadd.s32 $0xFFFFD000  }
0x3bb: {  	_ =	swait.ge [sflag:s23], $0x3000  }
0x3bc: {  	[sflag:s23] =	ssyncset.done $0x0  }
0x3bd: {  	s24 =	simm.s32 $0xA;
	[sflag:s23] =	ssyncadd.s32 $0xFFFFD000  }
0x3be: {  	_ =	swait.ge [sflag:s24], $0x3000  }
0x3bf: {  	[sflag:s24] =	ssyncset.done $0x0  }
0x3c0: {  	s25 =	simm.s32 $0x1;
	[sflag:s24] =	ssyncadd.s32 $0xFFFFD000  }
0x3c1: {  	_ =	swait.ge [sflag:s25], $0x3000  }
0x3c2: {  	s26 =	sld [smem:$0x7FB]  }
0x3c3: {  	[sflag:s25] =	ssyncset.done $0x0  }
0x3c4: {  	s28 =	simm.s32 $0x2;
	[sflag:s25] =	ssyncadd.s32 $0xFFFFD000  }
0x3c5: {  	[hbm4b:s26+s6] =	stream.linear.scatter [tilespmem:s3], [sflag:$0x5], $0x3000, $0x38;
	[tilespmem:$0x1E800] =	vst v63  }
0x3c6: {  	_ =	swait.ge [sflag:s28], $0x3000  }
0x3c7: {  	s29 =	sld [smem:$0x7FC]  }
0x3c8: {  	[sflag:s28] =	ssyncset.done $0x0  }
0x3c9: {  	[sflag:s28] =	ssyncadd.s32 $0xFFFFD000  }
0x3ca: {  	[hbm4b:s29+s6] =	stream.linear.scatter [tilespmem:s16], [sflag:$0x6], $0x3000, $0x38;
	[tilespmem:$0x1E800] =	vst v63  }
0x3cb: {  	_ =	swait.ge [sflag:s7], $0x3000  }
0x3cc: {  	[sflag:s7] =	ssyncset.done $0x0  }
0x3cd: {  	[sflag:s7] =	ssyncadd.s32 $0xFFFFD000  }
0x3ce: {  	_ =	swait.ge [sflag:s8], $0x3000  }
0x3cf: {  	s30 =	sld [smem:$0x7F3]  }
0x3d0: {  	s31 =	sld [smem:$0x7FD];
	_ =	sdelay $0x1  }
0x3d1: {  	s1 =	sadd.s32 $0x1, s30  }
0x3d2: {  	p0 =	sne.s32 s1, s31  }
.Ltmp3:
0x3d3: {  	_ = 	snop;
	(pc) =	sbr.rel @p0 .LBB2_1-.Ltmp3, $3  }
0x3d4: {  	_ =	sdelay $0x1  }
0x3d5: {  	[sflag:s8] =	ssyncset.done $0x0  }
0x3d6: {  	[sflag:s8] =	ssyncadd.s32 $0xFFFFD000  }
0x3d7: {  	_ =	sfence.sel $0x180000  }
0x3d8: {  	[bflag:$0x0] =	sbarrier.arrive $0xFFFF  }
0x3d9: {  	_ =	strace $0x90000047  }
0x3da: {  	s0 =	stileid.u32;
	[bflag:$0x2] =	sbarrier.arrive $0xFFFF  }
0x3db: {  	p0 =	sne.s32 s0, $0x0;
	s0 =	rddreg [dreg:$0x2]  }
0x3dc: {  	s0 =	sadd.s32 @!p0 $0x100000, s0  }
0x3dd: {  	[sflag:s0] =	ssyncadd.tile.s32 @!p0 $0x1;
	_ =	shalt  }
.Lfunc_end2:
_tile_overlayer_lowered:
.L_overlay_start_2:
0x3de: {  	(tag) =	ssettag $0x2  }
0x3df: {  	s0 =	rddreg [dreg:$0x0];
	s2 =	stileid.u32  }
0x3e0: {  	s1 =	rddreg [dreg:$0x1];
	p0 =	sne.s32 s2, $0x0  }
0x3e1: {  	s3 =	rddreg [dreg:$0x2];
	[bflag:$0x3] =	sbarrier.arrive $0xFFFF;
	s2 =	simm.s32 @!p0 $0x1C0B  }
0x3e2: {  	[timem:s3], [sflag:s2] =	dma.local @!p0 [hbm:s0], s1  }
0x3e3: {  	s0 =	simm.s32 @!p0 $0xB  }
0x3e4: {  	_ =	swait.ge @!p0 [sflag:s0], s1  }
0x3e5: {  	s1 =	ssub.s32 @!p0 $0x0, s1;
	[sflag:s0] =	ssyncset.done @!p0 $0x0  }
0x3e6: {  	[sflag:s0] =	ssyncadd.s32 @!p0 s1  }
0x3e7: {  	[bflag:$0x3] =	sbarrier.arrive $0xFFFF  }
0x3e8: {  	_ =	shalt  }

</sc_bundles>
